<compile_context>
chip_gen: v7x
topology: tpu7x:2x2x1
jax: 0.10.2.dev20260603
libtpu: 0.0.44.dev20260713+nightly
codegen_flags: <defaults>
</compile_context>

<pallas_src>
import functools

import jax
import jax.numpy as jnp
from jax import lax
from jax.experimental import pallas as pl
from jax.experimental.pallas import tpu as pltpu
from jax.experimental.pallas import tpu_sc as plsc

N = 2048
H = 768
E = 8
CAP = 1024
XS_ROWS = E * CAP
TRASH = XS_ROWS
XS_TOT = XS_ROWS + 8

NC, NS = 2, 16
NW = NC * NS
TOK_PER = N // NW
LANES = 16



DLN = N // 128
WLN = N * LANES // 128


def _routing_body(tok_ref, wg_ref, d1_ref, d2_ref, wa_ref, wb_ref, cnt_ref):
    x = tok_ref[...]
    wg = wg_ref[...]
    logits = lax.dot_general(x, wg, (((1,), (1,)), ((), ())),
                             preferred_element_type=jnp.float32)
    m = jnp.max(logits, axis=1, keepdims=True)
    ex = jnp.exp(logits - m)
    probs = ex / jnp.sum(ex, axis=1, keepdims=True)

    lane = lax.broadcasted_iota(jnp.int32, (N, E), 1)
    m1 = jnp.max(probs, axis=1, keepdims=True)
    i1 = jnp.min(jnp.where(probs == m1, lane, E), axis=1, keepdims=True)
    probs2 = jnp.where(lane == i1, -1.0, probs)
    m2 = jnp.max(probs2, axis=1, keepdims=True)
    i2 = jnp.min(jnp.where(probs2 == m2, lane, E), axis=1, keepdims=True)

    oh1 = (lane == i1).astype(jnp.float32)
    oh2 = (lane == i2).astype(jnp.float32)
    s = oh1 + oh2

    kc = 256
    row_i = lax.broadcasted_iota(jnp.int32, (N, kc), 0)
    col_i = lax.broadcasted_iota(jnp.int32, (N, kc), 1)
    c = jnp.zeros((N, E), jnp.float32)
    for k in range(N // kc):
        mask = (col_i + k * kc < row_i).astype(jnp.float32)
        c = c + lax.dot_general(mask, s[k * kc:(k + 1) * kc, :],
                                (((1,), (0,)), ((), ())),
                                preferred_element_type=jnp.float32)

    counts = jnp.sum(s, axis=0, keepdims=True)
    counts_i = counts.astype(jnp.int32)
    kept = counts_i <= CAP

    r1 = jnp.sum(c * oh1, axis=1, keepdims=True)
    r2 = jnp.sum(c * oh2, axis=1, keepdims=True)
    keptf = kept.astype(jnp.float32)
    k1 = jnp.sum(keptf * oh1, axis=1, keepdims=True)
    k2 = jnp.sum(keptf * oh2, axis=1, keepdims=True)
    ro1 = i1.astype(jnp.float32) * float(CAP)
    ro2 = i2.astype(jnp.float32) * float(CAP)

    d1f = jnp.where(k1 > 0., ro1 + r1, float(TRASH))
    d2f = jnp.where(k2 > 0., ro2 + r2, float(TRASH))

    tt = lax.broadcasted_iota(jnp.int32, (N, 128), 0)
    ll = lax.broadcasted_iota(jnp.int32, (N, 128), 1)
    b_d = ((tt % 128) == ll).astype(jnp.float32)
    rr = lax.broadcasted_iota(jnp.int32, (DLN, N), 0)
    cc = lax.broadcasted_iota(jnp.int32, (DLN, N), 1)
    a_d = ((cc // 128) == rr).astype(jnp.float32)
    d1p = lax.dot_general(a_d, d1f * b_d, (((1,), (0,)), ((), ())),
                          precision=lax.Precision.HIGHEST,
                          preferred_element_type=jnp.float32)
    d2p = lax.dot_general(a_d, d2f * b_d, (((1,), (0,)), ((), ())),
                          precision=lax.Precision.HIGHEST,
                          preferred_element_type=jnp.float32)
    d1_ref[...] = (d1p + 0.5).astype(jnp.int32)
    d2_ref[...] = (d2p + 0.5).astype(jnp.int32)

    b_w = ((tt % 8) == (ll // LANES)).astype(jnp.float32)
    rr2 = lax.broadcasted_iota(jnp.int32, (WLN, N), 0)
    cc2 = lax.broadcasted_iota(jnp.int32, (WLN, N), 1)
    a_w = ((cc2 // 8) == rr2).astype(jnp.float32)
    wa_ref[...] = lax.dot_general(a_w, (m1 * k1) * b_w,
                                  (((1,), (0,)), ((), ())),
                                  precision=lax.Precision.HIGHEST,
                                  preferred_element_type=jnp.float32)
    wb_ref[...] = lax.dot_general(a_w, (m2 * k2) * b_w,
                                  (((1,), (0,)), ((), ())),
                                  precision=lax.Precision.HIGHEST,
                                  preferred_element_type=jnp.float32)
    cnt_ref[...] = counts_i


def _routing(flat_tokens, w_gate):
    return pl.pallas_call(
        _routing_body,
        out_shape=[
            jax.ShapeDtypeStruct((DLN, 128), jnp.int32),
            jax.ShapeDtypeStruct((DLN, 128), jnp.int32),
            jax.ShapeDtypeStruct((WLN, 128), jnp.float32),
            jax.ShapeDtypeStruct((WLN, 128), jnp.float32),
            jax.ShapeDtypeStruct((1, E), jnp.int32),
        ],
    )(flat_tokens, w_gate)



def _dispatch_body(tok_hbm, d1_hbm, d2_hbm, xs_hbm, d1_v, d2_v, rows_v,
                   sem_t, sem1, sem2):
    c = lax.axis_index("c")
    s = lax.axis_index("s")
    wid = s * NC + c
    base = wid * TOK_PER
    tok_cp = pltpu.async_copy(tok_hbm.at[pl.ds(base, TOK_PER)], rows_v, sem_t)
    pltpu.sync_copy(d1_hbm.at[pl.ds(base, TOK_PER)], d1_v)
    pltpu.sync_copy(d2_hbm.at[pl.ds(base, TOK_PER)], d2_v)
    tok_cp.wait()
    cp1 = pltpu.async_copy(rows_v, xs_hbm.at[d1_v], sem1)
    cp2 = pltpu.async_copy(rows_v, xs_hbm.at[d2_v], sem2)
    cp1.wait()
    cp2.wait()


def _dispatch(flat_tokens, d1, d2):
    mesh = plsc.VectorSubcoreMesh(core_axis_name="c", subcore_axis_name="s")
    return pl.kernel(
        _dispatch_body,
        out_type=jax.ShapeDtypeStruct((XS_TOT, H), jnp.float32),
        mesh=mesh,
        scratch_types=[
            pltpu.VMEM((TOK_PER,), jnp.int32),
            pltpu.VMEM((TOK_PER,), jnp.int32),
            pltpu.VMEM((TOK_PER, H), jnp.float32),
            pltpu.SemaphoreType.DMA,
            pltpu.SemaphoreType.DMA,
            pltpu.SemaphoreType.DMA,
        ],
    )(flat_tokens, d1, d2)



def _expert_body(cnt_ref, xs_ref, w1_ref, b1_ref, w2_ref, b2_ref, ys_ref):
    e = pl.program_id(0)
    cnt = cnt_ref[e]

    @pl.when((cnt > 0) & (cnt <= CAP))
    def _():
        x = xs_ref[...].astype(jnp.bfloat16)
        h = lax.dot_general(x, w1_ref[0].astype(jnp.bfloat16),
                            (((1,), (1,)), ((), ())),
                            preferred_element_type=jnp.float32)
        h = h + b1_ref[0]
        h = h * (1.0 / (1.0 + jnp.exp(-h)))
        y = lax.dot_general(h.astype(jnp.bfloat16),
                            w2_ref[0].astype(jnp.bfloat16),
                            (((1,), (1,)), ((), ())),
                            preferred_element_type=jnp.float32)
        ys_ref[...] = y + b2_ref[0]


def _experts(cnt, xs, w1, b1, w2, b2):
    def emap(e, cnt_s):
        return (e, 0, 0)

    grid_spec = pltpu.PrefetchScalarGridSpec(
        num_scalar_prefetch=1,
        grid=(E,),
        in_specs=[
            pl.BlockSpec((CAP, H), lambda e, cnt_s: (e, 0)),
            pl.BlockSpec((1, H, H), emap),
            pl.BlockSpec((1, 1, H), emap),
            pl.BlockSpec((1, H, H), emap),
            pl.BlockSpec((1, 1, H), emap),
        ],
        out_specs=pl.BlockSpec((CAP, H), lambda e, cnt_s: (e, 0)),
    )
    return pl.pallas_call(
        _expert_body,
        grid_spec=grid_spec,
        out_shape=jax.ShapeDtypeStruct((XS_ROWS, H), jnp.float32),
        compiler_params=pltpu.CompilerParams(
            dimension_semantics=("arbitrary",)),
    )(cnt, xs, w1, b1.reshape(E, 1, H), w2, b2.reshape(E, 1, H))



def _combine_body(ys_hbm, d1_hbm, d2_hbm, wa_hbm, wb_hbm, out_hbm,
                  d1_v, d2_v, wa_v, wb_v, r1_v, r2_v, sem1, sem2):
    c = lax.axis_index("c")
    s = lax.axis_index("s")
    wid = s * NC + c
    base = wid * TOK_PER
    pltpu.sync_copy(d1_hbm.at[pl.ds(base, TOK_PER)], d1_v)
    pltpu.sync_copy(d2_hbm.at[pl.ds(base, TOK_PER)], d2_v)
    wrow = pl.multiple_of(base * LANES // 128, 8)
    pltpu.sync_copy(wa_hbm.at[pl.ds(wrow, TOK_PER * LANES // 128)], wa_v)
    pltpu.sync_copy(wb_hbm.at[pl.ds(wrow, TOK_PER * LANES // 128)], wb_v)
    for k in range(TOK_PER // LANES):
        sl = pl.ds(k * LANES, LANES)
        d1_v[sl] = jnp.minimum(d1_v[sl], XS_ROWS - 1)
        d2_v[sl] = jnp.minimum(d2_v[sl], XS_ROWS - 1)
    cp1 = pltpu.async_copy(ys_hbm.at[d1_v], r1_v, sem1)
    cp2 = pltpu.async_copy(ys_hbm.at[d2_v], r2_v, sem2)
    cp1.wait()
    cp2.wait()

    def row(j, _):
        wa = wa_v[j // 8, pl.ds((j % 8) * LANES, LANES)]
        wb = wb_v[j // 8, pl.ds((j % 8) * LANES, LANES)]
        zero = jnp.zeros((LANES,), jnp.float32)
        for ch in range(H // LANES):
            sl = pl.ds(ch * LANES, LANES)
            a = r1_v[j, sl]
            b = r2_v[j, sl]
            r1_v[j, sl] = (jnp.where(wa == 0.0, zero, a * wa)
                           + jnp.where(wb == 0.0, zero, b * wb))
        return 0

    lax.fori_loop(0, TOK_PER, row, 0)
    pltpu.sync_copy(r1_v, out_hbm.at[pl.ds(base, TOK_PER)])


def _combine(ys, d1, d2, wa, wb):
    mesh = plsc.VectorSubcoreMesh(core_axis_name="c", subcore_axis_name="s")
    return pl.kernel(
        _combine_body,
        out_type=jax.ShapeDtypeStruct((N, H), jnp.float32),
        mesh=mesh,
        scratch_types=[
            pltpu.VMEM((TOK_PER,), jnp.int32),
            pltpu.VMEM((TOK_PER,), jnp.int32),
            pltpu.VMEM((TOK_PER * LANES // 128, 128), jnp.float32),
            pltpu.VMEM((TOK_PER * LANES // 128, 128), jnp.float32),
            pltpu.VMEM((TOK_PER, H), jnp.float32),
            pltpu.VMEM((TOK_PER, H), jnp.float32),
            pltpu.SemaphoreType.DMA,
            pltpu.SemaphoreType.DMA,
        ],
    )(ys, d1, d2, wa, wb)



def kernel(tokens, W_gate, W1, b1, W2, b2):
    batch, seq, hidden = tokens.shape
    flat = tokens.reshape(batch * seq, hidden)
    d1, d2, wa, wb, cnt = _routing(flat, W_gate)
    d1 = d1.reshape(N)
    d2 = d2.reshape(N)
    xs = _dispatch(flat, d1, d2)
    ys = _experts(cnt.reshape(E), xs, W1, b1, W2, b2)
    out = _combine(ys, d1, d2, wa, wb)
    return out.reshape(batch, seq, hidden)

# --- scband reference (transcript-rebuilt; emitter-appended) ---
"""Pipeline reference for scband-top2-mo-e-84164179132471 (READ-ONLY COPY).

The authoritative reference and input builder live on the scoring server;
editing this copy changes nothing except your own understanding.
"""

import jax, jax.numpy as jnp
import numpy as np

B, S, HIDDEN = 1, 2048, 768
E = 8
CAP_FACTOR = 4.0


def setup_inputs(seed: int = 0) -> dict:
    key = jax.random.key(seed)
    ks = jax.random.split(key, 6)
    tokens = jax.random.normal(ks[0], (B, S, HIDDEN), dtype=jnp.float32)
    W_gate = jax.random.normal(ks[1], (E, HIDDEN), dtype=jnp.float32) * 0.02
    W1 = jax.random.normal(ks[2], (E, HIDDEN, HIDDEN), dtype=jnp.float32) * 0.02
    b1 = jnp.zeros((E, HIDDEN), dtype=jnp.float32)
    W2 = jax.random.normal(ks[3], (E, HIDDEN, HIDDEN), dtype=jnp.float32) * 0.02
    b2 = jnp.zeros((E, HIDDEN), dtype=jnp.float32)
    return {"tokens": tokens, "W_gate": W_gate, "W1": W1, "b1": b1, "W2": W2, "b2": b2}


def reference(tokens, W_gate, W1, b1, W2, b2):
    batch, seq, hidden = tokens.shape
    N = batch * seq
    logits = tokens @ W_gate.T
    probs = jax.nn.softmax(logits, axis=-1)
    top2_w, top2_idx = jax.lax.top_k(probs, 2)
    flat_idx = top2_idx.reshape(N, 2)
    flat_w = top2_w.reshape(N, 2)
    flat_tokens = tokens.reshape(N, hidden)
    cap = int(CAP_FACTOR * N / E)
    counts = jnp.bincount(flat_idx.reshape(-1), length=E)
    mask_overflow = counts > cap
    # dense expert compute (same math as per-expert gather): expert(x) = SiLU(x@W1.T+b1)@W2.T+b2
    h = jnp.einsum('nh,eoh->eno', flat_tokens, W1) + b1[:, None, :]
    h = jax.nn.silu(h)
    out_all = jnp.einsum('enh,eoh->eno', h, W2) + b2[:, None, :]  # [E, N, H]
    tok_range = jnp.arange(N)
    out = jnp.zeros_like(flat_tokens)
    for slot in range(2):
        eids = flat_idx[:, slot]
        sel = out_all[eids, tok_range]  # [N, H]
        keep = (~mask_overflow)[eids].astype(tokens.dtype)[:, None]
        out = out + sel * flat_w[:, slot:slot + 1] * keep
    return out.reshape(batch, seq, hidden)

if __name__ == "__main__":
    import jax
    _d = setup_inputs()
    print(jax.jit(kernel)(*tuple(_d.values())))

</pallas_src>

<mosaic_0001>
#map = affine_map<(d0, d1) -> (0, 0)>
#map1 = affine_map<(d0, d1) -> (0)>
module attributes {stable_mosaic.version = 14 : i64} {
  func.func @_combine_body(%arg0: i32, %arg1: i32, %arg2: memref<8192x768xf32, #tpu.memory_space<hbm>>, %arg3: memref<2048xi32, #tpu.memory_space<hbm>>, %arg4: memref<2048xi32, #tpu.memory_space<hbm>>, %arg5: memref<256x128xf32, #tpu.memory_space<hbm>>, %arg6: memref<256x128xf32, #tpu.memory_space<hbm>>, %arg7: memref<2048x768xf32, #tpu.memory_space<hbm>>, %arg8: memref<64xi32, #tpu.memory_space<vmem>>, %arg9: memref<64xi32, #tpu.memory_space<vmem>>, %arg10: memref<8x128xf32, #tpu.memory_space<vmem>>, %arg11: memref<8x128xf32, #tpu.memory_space<vmem>>, %arg12: memref<64x768xf32, #tpu.memory_space<vmem>>, %arg13: memref<64x768xf32, #tpu.memory_space<vmem>>, %arg14: memref<!tpu.dma_semaphore, #tpu.memory_space<semaphore_mem>>, %arg15: memref<!tpu.dma_semaphore, #tpu.memory_space<semaphore_mem>>) attributes {dimension_semantics = [#tpu.dimension_semantics<core_parallel>, #tpu.dimension_semantics<subcore_parallel>], iteration_bounds = array<i64: 2, 16>, scalar_prefetch = 0 : i64, scratch_operands = 8 : i64, tpu.core_type = #tpu.core_type<sc_vector_subcore>, window_params = [{transform_indices = #map}, {transform_indices = #map1}, {transform_indices = #map1}, {transform_indices = #map}, {transform_indices = #map}, {transform_indices = #map}]} {
    %mul3A = arith.constant 2 : i32
    %mul3A_0 = arith.muli %arg1, %mul3A : i32
    %add3A = arith.addi %mul3A_0, %arg0 : i32
    %mul3A_1 = arith.constant 64 : i32
    %mul3A_2 = arith.muli %add3A, %mul3A_1 : i32
    "tpu.region"() ({
      %run_scoped3A = tpu.sem_alloc : memref<!tpu.dma_semaphore, #tpu.memory_space<semaphore_mem>>
      %dma_start3A_114 = tpu.memref_slice %arg3[%mul3A_2] : memref<2048xi32, #tpu.memory_space<hbm>> -> memref<64xi32, #tpu.memory_space<hbm>>
      %dma_start3A_115 = tpu.memref_slice %arg3[%mul3A_2] : memref<2048xi32, #tpu.memory_space<hbm>> -> memref<64xi32, #tpu.memory_space<hbm>>
      tpu.enqueue_dma source(%dma_start3A_115 : memref<64xi32, #tpu.memory_space<hbm>>) target(%arg8 : memref<64xi32, #tpu.memory_space<vmem>>) target_semaphore(%run_scoped3A : memref<!tpu.dma_semaphore, #tpu.memory_space<semaphore_mem>>)
      %dma_wait3A_116 = tpu.memref_slice %arg3[%mul3A_2] : memref<2048xi32, #tpu.memory_space<hbm>> -> memref<64xi32, #tpu.memory_space<hbm>>
      %dma_wait3A_117 = tpu.memref_slice %arg3[%mul3A_2] : memref<2048xi32, #tpu.memory_space<hbm>> -> memref<64xi32, #tpu.memory_space<hbm>>
      tpu.wait_dma2 semaphore(%run_scoped3A : memref<!tpu.dma_semaphore, #tpu.memory_space<semaphore_mem>>) src(%dma_wait3A_117 : memref<64xi32, #tpu.memory_space<hbm>>) dst(%arg8 : memref<64xi32, #tpu.memory_space<vmem>>)
      tpu.yield
    }) : () -> ()
    "tpu.region"() ({
      %run_scoped3A = tpu.sem_alloc : memref<!tpu.dma_semaphore, #tpu.memory_space<semaphore_mem>>
      %dma_start3A_114 = tpu.memref_slice %arg4[%mul3A_2] : memref<2048xi32, #tpu.memory_space<hbm>> -> memref<64xi32, #tpu.memory_space<hbm>>
      %dma_start3A_115 = tpu.memref_slice %arg4[%mul3A_2] : memref<2048xi32, #tpu.memory_space<hbm>> -> memref<64xi32, #tpu.memory_space<hbm>>
      tpu.enqueue_dma source(%dma_start3A_115 : memref<64xi32, #tpu.memory_space<hbm>>) target(%arg9 : memref<64xi32, #tpu.memory_space<vmem>>) target_semaphore(%run_scoped3A : memref<!tpu.dma_semaphore, #tpu.memory_space<semaphore_mem>>)
      %dma_wait3A_116 = tpu.memref_slice %arg4[%mul3A_2] : memref<2048xi32, #tpu.memory_space<hbm>> -> memref<64xi32, #tpu.memory_space<hbm>>
      %dma_wait3A_117 = tpu.memref_slice %arg4[%mul3A_2] : memref<2048xi32, #tpu.memory_space<hbm>> -> memref<64xi32, #tpu.memory_space<hbm>>
      tpu.wait_dma2 semaphore(%run_scoped3A : memref<!tpu.dma_semaphore, #tpu.memory_space<semaphore_mem>>) src(%dma_wait3A_117 : memref<64xi32, #tpu.memory_space<hbm>>) dst(%arg9 : memref<64xi32, #tpu.memory_space<vmem>>)
      tpu.yield
    }) : () -> ()
    %mul3A_3 = arith.constant 16 : i32
    %mul3A_4 = arith.muli %mul3A_2, %mul3A_3 : i32
    %jit3A = arith.constant 128 : i32
    %div3A = arith.divsi %mul3A_4, %jit3A : i32
    %sign3A = arith.constant 0 : i32
    %sign3A_5 = arith.cmpi sgt, %mul3A_4, %sign3A : i32
    %sign3A_6 = arith.extui %sign3A_5 : i1 to i32
    %sign3A_7 = arith.constant 0 : i32
    %sign3A_8 = arith.cmpi slt, %mul3A_4, %sign3A_7 : i32
    %sign3A_9 = arith.extui %sign3A_8 : i1 to i32
    %sign3A_10 = arith.subi %sign3A_6, %sign3A_9 : i32
    %sign3A_11 = arith.constant 0 : i32
    %sign3A_12 = arith.cmpi sgt, %jit3A, %sign3A_11 : i32
    %sign3A_13 = arith.extui %sign3A_12 : i1 to i32
    %sign3A_14 = arith.constant 0 : i32
    %sign3A_15 = arith.cmpi slt, %jit3A, %sign3A_14 : i32
    %sign3A_16 = arith.extui %sign3A_15 : i1 to i32
    %sign3A_17 = arith.subi %sign3A_13, %sign3A_16 : i32
    %ne3A = arith.cmpi ne, %sign3A_10, %sign3A_17 : i32
    %rem3A = arith.remsi %mul3A_4, %jit3A : i32
    %ne3A_18 = arith.constant 0 : i32
    %ne3A_19 = arith.cmpi ne, %rem3A, %ne3A_18 : i32
    %and3A = arith.andi %ne3A, %ne3A_19 : i1
    %sub3A = arith.constant 1 : i32
    %sub3A_20 = arith.subi %div3A, %sub3A : i32
    %select_n3A = arith.select %and3A, %sub3A_20, %div3A : i32
    %multiple_of3A = tpu.assume_multiple %select_n3A, 8 : i32
    "tpu.region"() ({
      %run_scoped3A = tpu.sem_alloc : memref<!tpu.dma_semaphore, #tpu.memory_space<semaphore_mem>>
      %dma_start3A_114 = arith.constant 0 : i32
      %dma_start3A_115 = tpu.memref_slice %arg5[%multiple_of3A, %dma_start3A_114] : memref<256x128xf32, #tpu.memory_space<hbm>> -> memref<8x128xf32, #tpu.memory_space<hbm>>
      %dma_start3A_116 = arith.constant 0 : i32
      %dma_start3A_117 = tpu.memref_slice %arg5[%multiple_of3A, %dma_start3A_116] : memref<256x128xf32, #tpu.memory_space<hbm>> -> memref<8x128xf32, #tpu.memory_space<hbm>>
      tpu.enqueue_dma source(%dma_start3A_117 : memref<8x128xf32, #tpu.memory_space<hbm>>) target(%arg10 : memref<8x128xf32, #tpu.memory_space<vmem>>) target_semaphore(%run_scoped3A : memref<!tpu.dma_semaphore, #tpu.memory_space<semaphore_mem>>)
      %dma_wait3A_118 = arith.constant 0 : i32
      %dma_wait3A_119 = tpu.memref_slice %arg5[%multiple_of3A, %dma_wait3A_118] : memref<256x128xf32, #tpu.memory_space<hbm>> -> memref<8x128xf32, #tpu.memory_space<hbm>>
      %dma_wait3A_120 = arith.constant 0 : i32
      %dma_wait3A_121 = tpu.memref_slice %arg5[%multiple_of3A, %dma_wait3A_120] : memref<256x128xf32, #tpu.memory_space<hbm>> -> memref<8x128xf32, #tpu.memory_space<hbm>>
      tpu.wait_dma2 semaphore(%run_scoped3A : memref<!tpu.dma_semaphore, #tpu.memory_space<semaphore_mem>>) src(%dma_wait3A_121 : memref<8x128xf32, #tpu.memory_space<hbm>>) dst(%arg10 : memref<8x128xf32, #tpu.memory_space<vmem>>)
      tpu.yield
    }) : () -> ()
    "tpu.region"() ({
      %run_scoped3A = tpu.sem_alloc : memref<!tpu.dma_semaphore, #tpu.memory_space<semaphore_mem>>
      %dma_start3A_114 = arith.constant 0 : i32
      %dma_start3A_115 = tpu.memref_slice %arg6[%multiple_of3A, %dma_start3A_114] : memref<256x128xf32, #tpu.memory_space<hbm>> -> memref<8x128xf32, #tpu.memory_space<hbm>>
      %dma_start3A_116 = arith.constant 0 : i32
      %dma_start3A_117 = tpu.memref_slice %arg6[%multiple_of3A, %dma_start3A_116] : memref<256x128xf32, #tpu.memory_space<hbm>> -> memref<8x128xf32, #tpu.memory_space<hbm>>
      tpu.enqueue_dma source(%dma_start3A_117 : memref<8x128xf32, #tpu.memory_space<hbm>>) target(%arg11 : memref<8x128xf32, #tpu.memory_space<vmem>>) target_semaphore(%run_scoped3A : memref<!tpu.dma_semaphore, #tpu.memory_space<semaphore_mem>>)
      %dma_wait3A_118 = arith.constant 0 : i32
      %dma_wait3A_119 = tpu.memref_slice %arg6[%multiple_of3A, %dma_wait3A_118] : memref<256x128xf32, #tpu.memory_space<hbm>> -> memref<8x128xf32, #tpu.memory_space<hbm>>
      %dma_wait3A_120 = arith.constant 0 : i32
      %dma_wait3A_121 = tpu.memref_slice %arg6[%multiple_of3A, %dma_wait3A_120] : memref<256x128xf32, #tpu.memory_space<hbm>> -> memref<8x128xf32, #tpu.memory_space<hbm>>
      tpu.wait_dma2 semaphore(%run_scoped3A : memref<!tpu.dma_semaphore, #tpu.memory_space<semaphore_mem>>) src(%dma_wait3A_121 : memref<8x128xf32, #tpu.memory_space<hbm>>) dst(%arg11 : memref<8x128xf32, #tpu.memory_space<vmem>>)
      tpu.yield
    }) : () -> ()
    %get3A = arith.constant 0 : index
    %get3A_21 = tpu.vector_load %arg8[%get3A] {strides = array<i32>} : memref<64xi32, #tpu.memory_space<vmem>>, vector<16xi32>,
    %get3A_22 = vector.shape_cast %get3A_21 : vector<16xi32> to vector<16xi32>
    %min3A = arith.constant 8191 : i32
    %min3A_23 = vector.broadcast %min3A : i32 to vector<16xi32>
    %min3A_24 = arith.minsi %get3A_22, %min3A_23 : vector<16xi32>
    %swap3A = arith.constant 0 : index
    %swap3A_25 = tpu.vector_load %arg8[%swap3A] {strides = array<i32>} : memref<64xi32, #tpu.memory_space<vmem>>, vector<16xi32>,
    %swap3A_26 = vector.shape_cast %swap3A_25 : vector<16xi32> to vector<16xi32>
    %swap3A_27 = vector.shape_cast %min3A_24 : vector<16xi32> to vector<16xi32>
    tpu.vector_store %arg8[%swap3A], %swap3A_27 {strides = array<i32>} : memref<64xi32, #tpu.memory_space<vmem>>, vector<16xi32>,
    %get3A_28 = arith.constant 0 : index
    %get3A_29 = tpu.vector_load %arg9[%get3A_28] {strides = array<i32>} : memref<64xi32, #tpu.memory_space<vmem>>, vector<16xi32>,
    %get3A_30 = vector.shape_cast %get3A_29 : vector<16xi32> to vector<16xi32>
    %min3A_31 = arith.constant 8191 : i32
    %min3A_32 = vector.broadcast %min3A_31 : i32 to vector<16xi32>
    %min3A_33 = arith.minsi %get3A_30, %min3A_32 : vector<16xi32>
    %swap3A_34 = arith.constant 0 : index
    %swap3A_35 = tpu.vector_load %arg9[%swap3A_34] {strides = array<i32>} : memref<64xi32, #tpu.memory_space<vmem>>, vector<16xi32>,
    %swap3A_36 = vector.shape_cast %swap3A_35 : vector<16xi32> to vector<16xi32>
    %swap3A_37 = vector.shape_cast %min3A_33 : vector<16xi32> to vector<16xi32>
    tpu.vector_store %arg9[%swap3A_34], %swap3A_37 {strides = array<i32>} : memref<64xi32, #tpu.memory_space<vmem>>, vector<16xi32>,
    %get3A_38 = arith.constant 16 : index
    %get3A_39 = tpu.vector_load %arg8[%get3A_38] {strides = array<i32>} : memref<64xi32, #tpu.memory_space<vmem>>, vector<16xi32>,
    %get3A_40 = vector.shape_cast %get3A_39 : vector<16xi32> to vector<16xi32>
    %min3A_41 = arith.constant 8191 : i32
    %min3A_42 = vector.broadcast %min3A_41 : i32 to vector<16xi32>
    %min3A_43 = arith.minsi %get3A_40, %min3A_42 : vector<16xi32>
    %swap3A_44 = arith.constant 16 : index
    %swap3A_45 = tpu.vector_load %arg8[%swap3A_44] {strides = array<i32>} : memref<64xi32, #tpu.memory_space<vmem>>, vector<16xi32>,
    %swap3A_46 = vector.shape_cast %swap3A_45 : vector<16xi32> to vector<16xi32>
    %swap3A_47 = vector.shape_cast %min3A_43 : vector<16xi32> to vector<16xi32>
    tpu.vector_store %arg8[%swap3A_44], %swap3A_47 {strides = array<i32>} : memref<64xi32, #tpu.memory_space<vmem>>, vector<16xi32>,
    %get3A_48 = arith.constant 16 : index
    %get3A_49 = tpu.vector_load %arg9[%get3A_48] {strides = array<i32>} : memref<64xi32, #tpu.memory_space<vmem>>, vector<16xi32>,
    %get3A_50 = vector.shape_cast %get3A_49 : vector<16xi32> to vector<16xi32>
    %min3A_51 = arith.constant 8191 : i32
    %min3A_52 = vector.broadcast %min3A_51 : i32 to vector<16xi32>
    %min3A_53 = arith.minsi %get3A_50, %min3A_52 : vector<16xi32>
    %swap3A_54 = arith.constant 16 : index
    %swap3A_55 = tpu.vector_load %arg9[%swap3A_54] {strides = array<i32>} : memref<64xi32, #tpu.memory_space<vmem>>, vector<16xi32>,
    %swap3A_56 = vector.shape_cast %swap3A_55 : vector<16xi32> to vector<16xi32>
    %swap3A_57 = vector.shape_cast %min3A_53 : vector<16xi32> to vector<16xi32>
    tpu.vector_store %arg9[%swap3A_54], %swap3A_57 {strides = array<i32>} : memref<64xi32, #tpu.memory_space<vmem>>, vector<16xi32>,
    %get3A_58 = arith.constant 32 : index
    %get3A_59 = tpu.vector_load %arg8[%get3A_58] {strides = array<i32>} : memref<64xi32, #tpu.memory_space<vmem>>, vector<16xi32>,
    %get3A_60 = vector.shape_cast %get3A_59 : vector<16xi32> to vector<16xi32>
    %min3A_61 = arith.constant 8191 : i32
    %min3A_62 = vector.broadcast %min3A_61 : i32 to vector<16xi32>
    %min3A_63 = arith.minsi %get3A_60, %min3A_62 : vector<16xi32>
    %swap3A_64 = arith.constant 32 : index
    %swap3A_65 = tpu.vector_load %arg8[%swap3A_64] {strides = array<i32>} : memref<64xi32, #tpu.memory_space<vmem>>, vector<16xi32>,
    %swap3A_66 = vector.shape_cast %swap3A_65 : vector<16xi32> to vector<16xi32>
    %swap3A_67 = vector.shape_cast %min3A_63 : vector<16xi32> to vector<16xi32>
    tpu.vector_store %arg8[%swap3A_64], %swap3A_67 {strides = array<i32>} : memref<64xi32, #tpu.memory_space<vmem>>, vector<16xi32>,
    %get3A_68 = arith.constant 32 : index
    %get3A_69 = tpu.vector_load %arg9[%get3A_68] {strides = array<i32>} : memref<64xi32, #tpu.memory_space<vmem>>, vector<16xi32>,
    %get3A_70 = vector.shape_cast %get3A_69 : vector<16xi32> to vector<16xi32>
    %min3A_71 = arith.constant 8191 : i32
    %min3A_72 = vector.broadcast %min3A_71 : i32 to vector<16xi32>
    %min3A_73 = arith.minsi %get3A_70, %min3A_72 : vector<16xi32>
    %swap3A_74 = arith.constant 32 : index
    %swap3A_75 = tpu.vector_load %arg9[%swap3A_74] {strides = array<i32>} : memref<64xi32, #tpu.memory_space<vmem>>, vector<16xi32>,
    %swap3A_76 = vector.shape_cast %swap3A_75 : vector<16xi32> to vector<16xi32>
    %swap3A_77 = vector.shape_cast %min3A_73 : vector<16xi32> to vector<16xi32>
    tpu.vector_store %arg9[%swap3A_74], %swap3A_77 {strides = array<i32>} : memref<64xi32, #tpu.memory_space<vmem>>, vector<16xi32>,
    %get3A_78 = arith.constant 48 : index
    %get3A_79 = tpu.vector_load %arg8[%get3A_78] {strides = array<i32>} : memref<64xi32, #tpu.memory_space<vmem>>, vector<16xi32>,
    %get3A_80 = vector.shape_cast %get3A_79 : vector<16xi32> to vector<16xi32>
    %min3A_81 = arith.constant 8191 : i32
    %min3A_82 = vector.broadcast %min3A_81 : i32 to vector<16xi32>
    %min3A_83 = arith.minsi %get3A_80, %min3A_82 : vector<16xi32>
    %swap3A_84 = arith.constant 48 : index
    %swap3A_85 = tpu.vector_load %arg8[%swap3A_84] {strides = array<i32>} : memref<64xi32, #tpu.memory_space<vmem>>, vector<16xi32>,
    %swap3A_86 = vector.shape_cast %swap3A_85 : vector<16xi32> to vector<16xi32>
    %swap3A_87 = vector.shape_cast %min3A_83 : vector<16xi32> to vector<16xi32>
    tpu.vector_store %arg8[%swap3A_84], %swap3A_87 {strides = array<i32>} : memref<64xi32, #tpu.memory_space<vmem>>, vector<16xi32>,
    %get3A_88 = arith.constant 48 : index
    %get3A_89 = tpu.vector_load %arg9[%get3A_88] {strides = array<i32>} : memref<64xi32, #tpu.memory_space<vmem>>, vector<16xi32>,
    %get3A_90 = vector.shape_cast %get3A_89 : vector<16xi32> to vector<16xi32>
    %min3A_91 = arith.constant 8191 : i32
    %min3A_92 = vector.broadcast %min3A_91 : i32 to vector<16xi32>
    %min3A_93 = arith.minsi %get3A_90, %min3A_92 : vector<16xi32>
    %swap3A_94 = arith.constant 48 : index
    %swap3A_95 = tpu.vector_load %arg9[%swap3A_94] {strides = array<i32>} : memref<64xi32, #tpu.memory_space<vmem>>, vector<16xi32>,
    %swap3A_96 = vector.shape_cast %swap3A_95 : vector<16xi32> to vector<16xi32>
    %swap3A_97 = vector.shape_cast %min3A_93 : vector<16xi32> to vector<16xi32>
    tpu.vector_store %arg9[%swap3A_94], %swap3A_97 {strides = array<i32>} : memref<64xi32, #tpu.memory_space<vmem>>, vector<16xi32>,
    %dma_start3A = arith.constant 0 : i32
    %dma_start3A_98 = arith.constant 0 : i32
    %dma_start3A_99 = tpu.memref_slice %arg2[%dma_start3A, %dma_start3A_98] : memref<8192x768xf32, #tpu.memory_space<hbm>> -> memref<8192x768xf32, #tpu.memory_space<hbm>>
    tpu.enqueue_indirect_dma source(%dma_start3A_99 : memref<8192x768xf32, #tpu.memory_space<hbm>>) target(%arg12 : memref<64x768xf32, #tpu.memory_space<vmem>>) offsets(%arg8 : memref<64xi32, #tpu.memory_space<vmem>>) semaphore(%arg14 : memref<!tpu.dma_semaphore, #tpu.memory_space<semaphore_mem>>)
    %dma_start3A_100 = arith.constant 0 : i32
    %dma_start3A_101 = arith.constant 0 : i32
    %dma_start3A_102 = tpu.memref_slice %arg2[%dma_start3A_100, %dma_start3A_101] : memref<8192x768xf32, #tpu.memory_space<hbm>> -> memref<8192x768xf32, #tpu.memory_space<hbm>>
    tpu.enqueue_indirect_dma source(%dma_start3A_102 : memref<8192x768xf32, #tpu.memory_space<hbm>>) target(%arg13 : memref<64x768xf32, #tpu.memory_space<vmem>>) offsets(%arg9 : memref<64xi32, #tpu.memory_space<vmem>>) semaphore(%arg15 : memref<!tpu.dma_semaphore, #tpu.memory_space<semaphore_mem>>)
    %dma_wait3A = arith.constant 0 : i32
    %dma_wait3A_103 = arith.constant 0 : i32
    %dma_wait3A_104 = tpu.memref_slice %arg2[%dma_wait3A, %dma_wait3A_103] : memref<8192x768xf32, #tpu.memory_space<hbm>> -> memref<8192x768xf32, #tpu.memory_space<hbm>>
    tpu.wait_indirect_dma semaphore(%arg14 : memref<!tpu.dma_semaphore, #tpu.memory_space<semaphore_mem>>) src(%dma_wait3A_104 : memref<8192x768xf32, #tpu.memory_space<hbm>>) dst(%arg12 : memref<64x768xf32, #tpu.memory_space<vmem>>)
    %dma_wait3A_105 = arith.constant 0 : i32
    %dma_wait3A_106 = arith.constant 0 : i32
    %dma_wait3A_107 = tpu.memref_slice %arg2[%dma_wait3A_105, %dma_wait3A_106] : memref<8192x768xf32, #tpu.memory_space<hbm>> -> memref<8192x768xf32, #tpu.memory_space<hbm>>
    tpu.wait_indirect_dma semaphore(%arg15 : memref<!tpu.dma_semaphore, #tpu.memory_space<semaphore_mem>>) src(%dma_wait3A_107 : memref<8192x768xf32, #tpu.memory_space<hbm>>) dst(%arg13 : memref<64x768xf32, #tpu.memory_space<vmem>>)
    %scan3A = arith.constant 0 : i32
    %scan3A_108 = arith.constant 0 : i32
    %scan3A_109 = arith.constant 64 : i32
    %scan3A_110 = arith.addi %scan3A_108, %scan3A_109 : i32
    %scan3A_111 = arith.constant 1 : i32
    %scan3A_112 = scf.for %scan3A_114 = %scan3A_108 to %scan3A_110 step %scan3A_111 iter_args(%scan3A_115 = %scan3A) -> (i32)  : i32 {
      %jit3A_116 = arith.constant 8 : i32
      %div3A_117 = arith.divsi %scan3A_114, %jit3A_116 : i32
      %sign3A_118 = arith.constant 0 : i32
      %sign3A_119 = arith.cmpi sgt, %scan3A_114, %sign3A_118 : i32
      %sign3A_120 = arith.extui %sign3A_119 : i1 to i32
      %sign3A_121 = arith.constant 0 : i32
      %sign3A_122 = arith.cmpi slt, %scan3A_114, %sign3A_121 : i32
      %sign3A_123 = arith.extui %sign3A_122 : i1 to i32
      %sign3A_124 = arith.subi %sign3A_120, %sign3A_123 : i32
      %sign3A_125 = arith.constant 0 : i32
      %sign3A_126 = arith.cmpi sgt, %jit3A_116, %sign3A_125 : i32
      %sign3A_127 = arith.extui %sign3A_126 : i1 to i32
      %sign3A_128 = arith.constant 0 : i32
      %sign3A_129 = arith.cmpi slt, %jit3A_116, %sign3A_128 : i32
      %sign3A_130 = arith.extui %sign3A_129 : i1 to i32
      %sign3A_131 = arith.subi %sign3A_127, %sign3A_130 : i32
      %ne3A_132 = arith.cmpi ne, %sign3A_124, %sign3A_131 : i32
      %rem3A_133 = arith.remsi %scan3A_114, %jit3A_116 : i32
      %ne3A_134 = arith.constant 0 : i32
      %ne3A_135 = arith.cmpi ne, %rem3A_133, %ne3A_134 : i32
      %and3A_136 = arith.andi %ne3A_132, %ne3A_135 : i1
      %sub3A_137 = arith.constant 1 : i32
      %sub3A_138 = arith.subi %div3A_117, %sub3A_137 : i32
      %select_n3A_139 = arith.select %and3A_136, %sub3A_138, %div3A_117 : i32
      %jit3A_140 = arith.constant 8 : i32
      %eq3A = arith.constant 0 : i32
      %eq3A_141 = arith.cmpi eq, %jit3A_140, %eq3A : i32
      %jit3A_142 = arith.constant 1 : i32
      %select_n3A_143 = arith.select %eq3A_141, %jit3A_142, %jit3A_140 : i32
      %rem3A_144 = arith.remsi %scan3A_114, %select_n3A_143 : i32
      %ne3A_145 = arith.constant 0 : i32
      %ne3A_146 = arith.cmpi ne, %rem3A_144, %ne3A_145 : i32
      %lt3A = arith.constant 0 : i32
      %lt3A_147 = arith.cmpi slt, %rem3A_144, %lt3A : i32
      %lt3A_148 = arith.constant 0 : i32
      %lt3A_149 = arith.cmpi slt, %select_n3A_143, %lt3A_148 : i32
      %ne3A_150 = arith.xori %lt3A_147, %lt3A_149 : i1
      %and3A_151 = arith.andi %ne3A_150, %ne3A_146 : i1
      %add3A_152 = arith.addi %rem3A_144, %select_n3A_143 : i32
      %select_n3A_153 = arith.select %and3A_151, %add3A_152, %rem3A_144 : i32
      %mul3A_154 = arith.constant 16 : i32
      %mul3A_155 = arith.muli %select_n3A_153, %mul3A_154 : i32
      %get3A_156 = arith.index_cast %select_n3A_139 : i32 to index
      %get3A_157 = arith.index_cast %mul3A_155 : i32 to index
      %get3A_158 = tpu.vector_load %arg10[%get3A_156, %get3A_157] {strides = array<i32>} : memref<8x128xf32, #tpu.memory_space<vmem>>, vector<1x16xf32>,
      %get3A_159 = vector.shape_cast %get3A_158 : vector<1x16xf32> to vector<16xf32>
      %jit3A_160 = arith.constant 8 : i32
      %div3A_161 = arith.divsi %scan3A_114, %jit3A_160 : i32
      %sign3A_162 = arith.constant 0 : i32
      %sign3A_163 = arith.cmpi sgt, %scan3A_114, %sign3A_162 : i32
      %sign3A_164 = arith.extui %sign3A_163 : i1 to i32
      %sign3A_165 = arith.constant 0 : i32
      %sign3A_166 = arith.cmpi slt, %scan3A_114, %sign3A_165 : i32
      %sign3A_167 = arith.extui %sign3A_166 : i1 to i32
      %sign3A_168 = arith.subi %sign3A_164, %sign3A_167 : i32
      %sign3A_169 = arith.constant 0 : i32
      %sign3A_170 = arith.cmpi sgt, %jit3A_160, %sign3A_169 : i32
      %sign3A_171 = arith.extui %sign3A_170 : i1 to i32
      %sign3A_172 = arith.constant 0 : i32
      %sign3A_173 = arith.cmpi slt, %jit3A_160, %sign3A_172 : i32
      %sign3A_174 = arith.extui %sign3A_173 : i1 to i32
      %sign3A_175 = arith.subi %sign3A_171, %sign3A_174 : i32
      %ne3A_176 = arith.cmpi ne, %sign3A_168, %sign3A_175 : i32
      %rem3A_177 = arith.remsi %scan3A_114, %jit3A_160 : i32
      %ne3A_178 = arith.constant 0 : i32
      %ne3A_179 = arith.cmpi ne, %rem3A_177, %ne3A_178 : i32
      %and3A_180 = arith.andi %ne3A_176, %ne3A_179 : i1
      %sub3A_181 = arith.constant 1 : i32
      %sub3A_182 = arith.subi %div3A_161, %sub3A_181 : i32
      %select_n3A_183 = arith.select %and3A_180, %sub3A_182, %div3A_161 : i32
      %jit3A_184 = arith.constant 8 : i32
      %eq3A_185 = arith.constant 0 : i32
      %eq3A_186 = arith.cmpi eq, %jit3A_184, %eq3A_185 : i32
      %jit3A_187 = arith.constant 1 : i32
      %select_n3A_188 = arith.select %eq3A_186, %jit3A_187, %jit3A_184 : i32
      %rem3A_189 = arith.remsi %scan3A_114, %select_n3A_188 : i32
      %ne3A_190 = arith.constant 0 : i32
      %ne3A_191 = arith.cmpi ne, %rem3A_189, %ne3A_190 : i32
      %lt3A_192 = arith.constant 0 : i32
      %lt3A_193 = arith.cmpi slt, %rem3A_189, %lt3A_192 : i32
      %lt3A_194 = arith.constant 0 : i32
      %lt3A_195 = arith.cmpi slt, %select_n3A_188, %lt3A_194 : i32
      %ne3A_196 = arith.xori %lt3A_193, %lt3A_195 : i1
      %and3A_197 = arith.andi %ne3A_196, %ne3A_191 : i1
      %add3A_198 = arith.addi %rem3A_189, %select_n3A_188 : i32
      %select_n3A_199 = arith.select %and3A_197, %add3A_198, %rem3A_189 : i32
      %mul3A_200 = arith.constant 16 : i32
      %mul3A_201 = arith.muli %select_n3A_199, %mul3A_200 : i32
      %get3A_202 = arith.index_cast %select_n3A_183 : i32 to index
      %get3A_203 = arith.index_cast %mul3A_201 : i32 to index
      %get3A_204 = tpu.vector_load %arg11[%get3A_202, %get3A_203] {strides = array<i32>} : memref<8x128xf32, #tpu.memory_space<vmem>>, vector<1x16xf32>,
      %get3A_205 = vector.shape_cast %get3A_204 : vector<1x16xf32> to vector<16xf32>
      %broadcast_in_dim3A = arith.constant 0.000000e+00 : f32
      %broadcast_in_dim3A_206 = vector.broadcast %broadcast_in_dim3A : f32 to vector<16xf32>
      %get3A_207 = arith.index_cast %scan3A_114 : i32 to index
      %get3A_208 = arith.constant 0 : index
      %get3A_209 = tpu.vector_load %arg12[%get3A_207, %get3A_208] {strides = array<i32>} : memref<64x768xf32, #tpu.memory_space<vmem>>, vector<1x16xf32>,
      %get3A_210 = vector.shape_cast %get3A_209 : vector<1x16xf32> to vector<16xf32>
      %get3A_211 = arith.index_cast %scan3A_114 : i32 to index
      %get3A_212 = arith.constant 0 : index
      %get3A_213 = tpu.vector_load %arg13[%get3A_211, %get3A_212] {strides = array<i32>} : memref<64x768xf32, #tpu.memory_space<vmem>>, vector<1x16xf32>,
      %get3A_214 = vector.shape_cast %get3A_213 : vector<1x16xf32> to vector<16xf32>
      %eq3A_215 = arith.constant 0.000000e+00 : f32
      %eq3A_216 = vector.broadcast %eq3A_215 : f32 to vector<16xf32>
      %eq3A_217 = arith.cmpf oeq, %get3A_159, %eq3A_216 : vector<16xf32>
      %mul3A_218 = arith.mulf %get3A_210, %get3A_159 : vector<16xf32>
      %select_n3A_219 = arith.select %eq3A_217, %broadcast_in_dim3A_206, %mul3A_218 : vector<16xi1>, vector<16xf32>
      %eq3A_220 = arith.constant 0.000000e+00 : f32
      %eq3A_221 = vector.broadcast %eq3A_220 : f32 to vector<16xf32>
      %eq3A_222 = arith.cmpf oeq, %get3A_205, %eq3A_221 : vector<16xf32>
      %mul3A_223 = arith.mulf %get3A_214, %get3A_205 : vector<16xf32>
      %select_n3A_224 = arith.select %eq3A_222, %broadcast_in_dim3A_206, %mul3A_223 : vector<16xi1>, vector<16xf32>
      %add3A_225 = arith.addf %select_n3A_219, %select_n3A_224 : vector<16xf32>
      %swap3A_226 = arith.index_cast %scan3A_114 : i32 to index
      %swap3A_227 = arith.constant 0 : index
      %swap3A_228 = tpu.vector_load %arg12[%swap3A_226, %swap3A_227] {strides = array<i32>} : memref<64x768xf32, #tpu.memory_space<vmem>>, vector<1x16xf32>,
      %swap3A_229 = vector.shape_cast %swap3A_228 : vector<1x16xf32> to vector<16xf32>
      %swap3A_230 = vector.shape_cast %add3A_225 : vector<16xf32> to vector<1x16xf32>
      tpu.vector_store %arg12[%swap3A_226, %swap3A_227], %swap3A_230 {strides = array<i32>} : memref<64x768xf32, #tpu.memory_space<vmem>>, vector<1x16xf32>,
      %get3A_231 = arith.index_cast %scan3A_114 : i32 to index
      %get3A_232 = arith.constant 16 : index
      %get3A_233 = tpu.vector_load %arg12[%get3A_231, %get3A_232] {strides = array<i32>} : memref<64x768xf32, #tpu.memory_space<vmem>>, vector<1x16xf32>,
      %get3A_234 = vector.shape_cast %get3A_233 : vector<1x16xf32> to vector<16xf32>
      %get3A_235 = arith.index_cast %scan3A_114 : i32 to index
      %get3A_236 = arith.constant 16 : index
      %get3A_237 = tpu.vector_load %arg13[%get3A_235, %get3A_236] {strides = array<i32>} : memref<64x768xf32, #tpu.memory_space<vmem>>, vector<1x16xf32>,
      %get3A_238 = vector.shape_cast %get3A_237 : vector<1x16xf32> to vector<16xf32>
      %eq3A_239 = arith.constant 0.000000e+00 : f32
      %eq3A_240 = vector.broadcast %eq3A_239 : f32 to vector<16xf32>
      %eq3A_241 = arith.cmpf oeq, %get3A_159, %eq3A_240 : vector<16xf32>
      %mul3A_242 = arith.mulf %get3A_234, %get3A_159 : vector<16xf32>
      %select_n3A_243 = arith.select %eq3A_241, %broadcast_in_dim3A_206, %mul3A_242 : vector<16xi1>, vector<16xf32>
      %eq3A_244 = arith.constant 0.000000e+00 : f32
      %eq3A_245 = vector.broadcast %eq3A_244 : f32 to vector<16xf32>
      %eq3A_246 = arith.cmpf oeq, %get3A_205, %eq3A_245 : vector<16xf32>
      %mul3A_247 = arith.mulf %get3A_238, %get3A_205 : vector<16xf32>
      %select_n3A_248 = arith.select %eq3A_246, %broadcast_in_dim3A_206, %mul3A_247 : vector<16xi1>, vector<16xf32>
      %add3A_249 = arith.addf %select_n3A_243, %select_n3A_248 : vector<16xf32>
      %swap3A_250 = arith.index_cast %scan3A_114 : i32 to index
      %swap3A_251 = arith.constant 16 : index
      %swap3A_252 = tpu.vector_load %arg12[%swap3A_250, %swap3A_251] {strides = array<i32>} : memref<64x768xf32, #tpu.memory_space<vmem>>, vector<1x16xf32>,
      %swap3A_253 = vector.shape_cast %swap3A_252 : vector<1x16xf32> to vector<16xf32>
      %swap3A_254 = vector.shape_cast %add3A_249 : vector<16xf32> to vector<1x16xf32>
      tpu.vector_store %arg12[%swap3A_250, %swap3A_251], %swap3A_254 {strides = array<i32>} : memref<64x768xf32, #tpu.memory_space<vmem>>, vector<1x16xf32>,
      %get3A_255 = arith.index_cast %scan3A_114 : i32 to index
      %get3A_256 = arith.constant 32 : index
      %get3A_257 = tpu.vector_load %arg12[%get3A_255, %get3A_256] {strides = array<i32>} : memref<64x768xf32, #tpu.memory_space<vmem>>, vector<1x16xf32>,
      %get3A_258 = vector.shape_cast %get3A_257 : vector<1x16xf32> to vector<16xf32>
      %get3A_259 = arith.index_cast %scan3A_114 : i32 to index
      %get3A_260 = arith.constant 32 : index
      %get3A_261 = tpu.vector_load %arg13[%get3A_259, %get3A_260] {strides = array<i32>} : memref<64x768xf32, #tpu.memory_space<vmem>>, vector<1x16xf32>,
      %get3A_262 = vector.shape_cast %get3A_261 : vector<1x16xf32> to vector<16xf32>
      %eq3A_263 = arith.constant 0.000000e+00 : f32
      %eq3A_264 = vector.broadcast %eq3A_263 : f32 to vector<16xf32>
      %eq3A_265 = arith.cmpf oeq, %get3A_159, %eq3A_264 : vector<16xf32>
      %mul3A_266 = arith.mulf %get3A_258, %get3A_159 : vector<16xf32>
      %select_n3A_267 = arith.select %eq3A_265, %broadcast_in_dim3A_206, %mul3A_266 : vector<16xi1>, vector<16xf32>
      %eq3A_268 = arith.constant 0.000000e+00 : f32
      %eq3A_269 = vector.broadcast %eq3A_268 : f32 to vector<16xf32>
      %eq3A_270 = arith.cmpf oeq, %get3A_205, %eq3A_269 : vector<16xf32>
      %mul3A_271 = arith.mulf %get3A_262, %get3A_205 : vector<16xf32>
      %select_n3A_272 = arith.select %eq3A_270, %broadcast_in_dim3A_206, %mul3A_271 : vector<16xi1>, vector<16xf32>
      %add3A_273 = arith.addf %select_n3A_267, %select_n3A_272 : vector<16xf32>
      %swap3A_274 = arith.index_cast %scan3A_114 : i32 to index
      %swap3A_275 = arith.constant 32 : index
      %swap3A_276 = tpu.vector_load %arg12[%swap3A_274, %swap3A_275] {strides = array<i32>} : memref<64x768xf32, #tpu.memory_space<vmem>>, vector<1x16xf32>,
      %swap3A_277 = vector.shape_cast %swap3A_276 : vector<1x16xf32> to vector<16xf32>
      %swap3A_278 = vector.shape_cast %add3A_273 : vector<16xf32> to vector<1x16xf32>
      tpu.vector_store %arg12[%swap3A_274, %swap3A_275], %swap3A_278 {strides = array<i32>} : memref<64x768xf32, #tpu.memory_space<vmem>>, vector<1x16xf32>,
      %get3A_279 = arith.index_cast %scan3A_114 : i32 to index
      %get3A_280 = arith.constant 48 : index
      %get3A_281 = tpu.vector_load %arg12[%get3A_279, %get3A_280] {strides = array<i32>} : memref<64x768xf32, #tpu.memory_space<vmem>>, vector<1x16xf32>,
      %get3A_282 = vector.shape_cast %get3A_281 : vector<1x16xf32> to vector<16xf32>
      %get3A_283 = arith.index_cast %scan3A_114 : i32 to index
      %get3A_284 = arith.constant 48 : index
      %get3A_285 = tpu.vector_load %arg13[%get3A_283, %get3A_284] {strides = array<i32>} : memref<64x768xf32, #tpu.memory_space<vmem>>, vector<1x16xf32>,
      %get3A_286 = vector.shape_cast %get3A_285 : vector<1x16xf32> to vector<16xf32>
      %eq3A_287 = arith.constant 0.000000e+00 : f32
      %eq3A_288 = vector.broadcast %eq3A_287 : f32 to vector<16xf32>
      %eq3A_289 = arith.cmpf oeq, %get3A_159, %eq3A_288 : vector<16xf32>
      %mul3A_290 = arith.mulf %get3A_282, %get3A_159 : vector<16xf32>
      %select_n3A_291 = arith.select %eq3A_289, %broadcast_in_dim3A_206, %mul3A_290 : vector<16xi1>, vector<16xf32>
      %eq3A_292 = arith.constant 0.000000e+00 : f32
      %eq3A_293 = vector.broadcast %eq3A_292 : f32 to vector<16xf32>
      %eq3A_294 = arith.cmpf oeq, %get3A_205, %eq3A_293 : vector<16xf32>
      %mul3A_295 = arith.mulf %get3A_286, %get3A_205 : vector<16xf32>
      %select_n3A_296 = arith.select %eq3A_294, %broadcast_in_dim3A_206, %mul3A_295 : vector<16xi1>, vector<16xf32>
      %add3A_297 = arith.addf %select_n3A_291, %select_n3A_296 : vector<16xf32>
      %swap3A_298 = arith.index_cast %scan3A_114 : i32 to index
      %swap3A_299 = arith.constant 48 : index
      %swap3A_300 = tpu.vector_load %arg12[%swap3A_298, %swap3A_299] {strides = array<i32>} : memref<64x768xf32, #tpu.memory_space<vmem>>, vector<1x16xf32>,
      %swap3A_301 = vector.shape_cast %swap3A_300 : vector<1x16xf32> to vector<16xf32>
      %swap3A_302 = vector.shape_cast %add3A_297 : vector<16xf32> to vector<1x16xf32>
      tpu.vector_store %arg12[%swap3A_298, %swap3A_299], %swap3A_302 {strides = array<i32>} : memref<64x768xf32, #tpu.memory_space<vmem>>, vector<1x16xf32>,
      %get3A_303 = arith.index_cast %scan3A_114 : i32 to index
      %get3A_304 = arith.constant 64 : index
      %get3A_305 = tpu.vector_load %arg12[%get3A_303, %get3A_304] {strides = array<i32>} : memref<64x768xf32, #tpu.memory_space<vmem>>, vector<1x16xf32>,
      %get3A_306 = vector.shape_cast %get3A_305 : vector<1x16xf32> to vector<16xf32>
      %get3A_307 = arith.index_cast %scan3A_114 : i32 to index
      %get3A_308 = arith.constant 64 : index
      %get3A_309 = tpu.vector_load %arg13[%get3A_307, %get3A_308] {strides = array<i32>} : memref<64x768xf32, #tpu.memory_space<vmem>>, vector<1x16xf32>,
      %get3A_310 = vector.shape_cast %get3A_309 : vector<1x16xf32> to vector<16xf32>
      %eq3A_311 = arith.constant 0.000000e+00 : f32
      %eq3A_312 = vector.broadcast %eq3A_311 : f32 to vector<16xf32>
      %eq3A_313 = arith.cmpf oeq, %get3A_159, %eq3A_312 : vector<16xf32>
      %mul3A_314 = arith.mulf %get3A_306, %get3A_159 : vector<16xf32>
      %select_n3A_315 = arith.select %eq3A_313, %broadcast_in_dim3A_206, %mul3A_314 : vector<16xi1>, vector<16xf32>
      %eq3A_316 = arith.constant 0.000000e+00 : f32
      %eq3A_317 = vector.broadcast %eq3A_316 : f32 to vector<16xf32>
      %eq3A_318 = arith.cmpf oeq, %get3A_205, %eq3A_317 : vector<16xf32>
      %mul3A_319 = arith.mulf %get3A_310, %get3A_205 : vector<16xf32>
      %select_n3A_320 = arith.select %eq3A_318, %broadcast_in_dim3A_206, %mul3A_319 : vector<16xi1>, vector<16xf32>
      %add3A_321 = arith.addf %select_n3A_315, %select_n3A_320 : vector<16xf32>
      %swap3A_322 = arith.index_cast %scan3A_114 : i32 to index
      %swap3A_323 = arith.constant 64 : index
      %swap3A_324 = tpu.vector_load %arg12[%swap3A_322, %swap3A_323] {strides = array<i32>} : memref<64x768xf32, #tpu.memory_space<vmem>>, vector<1x16xf32>,
      %swap3A_325 = vector.shape_cast %swap3A_324 : vector<1x16xf32> to vector<16xf32>
      %swap3A_326 = vector.shape_cast %add3A_321 : vector<16xf32> to vector<1x16xf32>
      tpu.vector_store %arg12[%swap3A_322, %swap3A_323], %swap3A_326 {strides = array<i32>} : memref<64x768xf32, #tpu.memory_space<vmem>>, vector<1x16xf32>,
      %get3A_327 = arith.index_cast %scan3A_114 : i32 to index
      %get3A_328 = arith.constant 80 : index
      %get3A_329 = tpu.vector_load %arg12[%get3A_327, %get3A_328] {strides = array<i32>} : memref<64x768xf32, #tpu.memory_space<vmem>>, vector<1x16xf32>,
      %get3A_330 = vector.shape_cast %get3A_329 : vector<1x16xf32> to vector<16xf32>
      %get3A_331 = arith.index_cast %scan3A_114 : i32 to index
      %get3A_332 = arith.constant 80 : index
      %get3A_333 = tpu.vector_load %arg13[%get3A_331, %get3A_332] {strides = array<i32>} : memref<64x768xf32, #tpu.memory_space<vmem>>, vector<1x16xf32>,
      %get3A_334 = vector.shape_cast %get3A_333 : vector<1x16xf32> to vector<16xf32>
      %eq3A_335 = arith.constant 0.000000e+00 : f32
      %eq3A_336 = vector.broadcast %eq3A_335 : f32 to vector<16xf32>
      %eq3A_337 = arith.cmpf oeq, %get3A_159, %eq3A_336 : vector<16xf32>
      %mul3A_338 = arith.mulf %get3A_330, %get3A_159 : vector<16xf32>
      %select_n3A_339 = arith.select %eq3A_337, %broadcast_in_dim3A_206, %mul3A_338 : vector<16xi1>, vector<16xf32>
      %eq3A_340 = arith.constant 0.000000e+00 : f32
      %eq3A_341 = vector.broadcast %eq3A_340 : f32 to vector<16xf32>
      %eq3A_342 = arith.cmpf oeq, %get3A_205, %eq3A_341 : vector<16xf32>
      %mul3A_343 = arith.mulf %get3A_334, %get3A_205 : vector<16xf32>
      %select_n3A_344 = arith.select %eq3A_342, %broadcast_in_dim3A_206, %mul3A_343 : vector<16xi1>, vector<16xf32>
      %add3A_345 = arith.addf %select_n3A_339, %select_n3A_344 : vector<16xf32>
      %swap3A_346 = arith.index_cast %scan3A_114 : i32 to index
      %swap3A_347 = arith.constant 80 : index
      %swap3A_348 = tpu.vector_load %arg12[%swap3A_346, %swap3A_347] {strides = array<i32>} : memref<64x768xf32, #tpu.memory_space<vmem>>, vector<1x16xf32>,
      %swap3A_349 = vector.shape_cast %swap3A_348 : vector<1x16xf32> to vector<16xf32>
      %swap3A_350 = vector.shape_cast %add3A_345 : vector<16xf32> to vector<1x16xf32>
      tpu.vector_store %arg12[%swap3A_346, %swap3A_347], %swap3A_350 {strides = array<i32>} : memref<64x768xf32, #tpu.memory_space<vmem>>, vector<1x16xf32>,
      %get3A_351 = arith.index_cast %scan3A_114 : i32 to index
      %get3A_352 = arith.constant 96 : index
      %get3A_353 = tpu.vector_load %arg12[%get3A_351, %get3A_352] {strides = array<i32>} : memref<64x768xf32, #tpu.memory_space<vmem>>, vector<1x16xf32>,
      %get3A_354 = vector.shape_cast %get3A_353 : vector<1x16xf32> to vector<16xf32>
      %get3A_355 = arith.index_cast %scan3A_114 : i32 to index
      %get3A_356 = arith.constant 96 : index
      %get3A_357 = tpu.vector_load %arg13[%get3A_355, %get3A_356] {strides = array<i32>} : memref<64x768xf32, #tpu.memory_space<vmem>>, vector<1x16xf32>,
      %get3A_358 = vector.shape_cast %get3A_357 : vector<1x16xf32> to vector<16xf32>
      %eq3A_359 = arith.constant 0.000000e+00 : f32
      %eq3A_360 = vector.broadcast %eq3A_359 : f32 to vector<16xf32>
      %eq3A_361 = arith.cmpf oeq, %get3A_159, %eq3A_360 : vector<16xf32>
      %mul3A_362 = arith.mulf %get3A_354, %get3A_159 : vector<16xf32>
      %select_n3A_363 = arith.select %eq3A_361, %broadcast_in_dim3A_206, %mul3A_362 : vector<16xi1>, vector<16xf32>
      %eq3A_364 = arith.constant 0.000000e+00 : f32
      %eq3A_365 = vector.broadcast %eq3A_364 : f32 to vector<16xf32>
      %eq3A_366 = arith.cmpf oeq, %get3A_205, %eq3A_365 : vector<16xf32>
      %mul3A_367 = arith.mulf %get3A_358, %get3A_205 : vector<16xf32>
      %select_n3A_368 = arith.select %eq3A_366, %broadcast_in_dim3A_206, %mul3A_367 : vector<16xi1>, vector<16xf32>
      %add3A_369 = arith.addf %select_n3A_363, %select_n3A_368 : vector<16xf32>
      %swap3A_370 = arith.index_cast %scan3A_114 : i32 to index
      %swap3A_371 = arith.constant 96 : index
      %swap3A_372 = tpu.vector_load %arg12[%swap3A_370, %swap3A_371] {strides = array<i32>} : memref<64x768xf32, #tpu.memory_space<vmem>>, vector<1x16xf32>,
      %swap3A_373 = vector.shape_cast %swap3A_372 : vector<1x16xf32> to vector<16xf32>
      %swap3A_374 = vector.shape_cast %add3A_369 : vector<16xf32> to vector<1x16xf32>
      tpu.vector_store %arg12[%swap3A_370, %swap3A_371], %swap3A_374 {strides = array<i32>} : memref<64x768xf32, #tpu.memory_space<vmem>>, vector<1x16xf32>,
      %get3A_375 = arith.index_cast %scan3A_114 : i32 to index
      %get3A_376 = arith.constant 112 : index
      %get3A_377 = tpu.vector_load %arg12[%get3A_375, %get3A_376] {strides = array<i32>} : memref<64x768xf32, #tpu.memory_space<vmem>>, vector<1x16xf32>,
      %get3A_378 = vector.shape_cast %get3A_377 : vector<1x16xf32> to vector<16xf32>
      %get3A_379 = arith.index_cast %scan3A_114 : i32 to index
      %get3A_380 = arith.constant 112 : index
      %get3A_381 = tpu.vector_load %arg13[%get3A_379, %get3A_380] {strides = array<i32>} : memref<64x768xf32, #tpu.memory_space<vmem>>, vector<1x16xf32>,
      %get3A_382 = vector.shape_cast %get3A_381 : vector<1x16xf32> to vector<16xf32>
      %eq3A_383 = arith.constant 0.000000e+00 : f32
      %eq3A_384 = vector.broadcast %eq3A_383 : f32 to vector<16xf32>
      %eq3A_385 = arith.cmpf oeq, %get3A_159, %eq3A_384 : vector<16xf32>
      %mul3A_386 = arith.mulf %get3A_378, %get3A_159 : vector<16xf32>
      %select_n3A_387 = arith.select %eq3A_385, %broadcast_in_dim3A_206, %mul3A_386 : vector<16xi1>, vector<16xf32>
      %eq3A_388 = arith.constant 0.000000e+00 : f32
      %eq3A_389 = vector.broadcast %eq3A_388 : f32 to vector<16xf32>
      %eq3A_390 = arith.cmpf oeq, %get3A_205, %eq3A_389 : vector<16xf32>
      %mul3A_391 = arith.mulf %get3A_382, %get3A_205 : vector<16xf32>
      %select_n3A_392 = arith.select %eq3A_390, %broadcast_in_dim3A_206, %mul3A_391 : vector<16xi1>, vector<16xf32>
      %add3A_393 = arith.addf %select_n3A_387, %select_n3A_392 : vector<16xf32>
      %swap3A_394 = arith.index_cast %scan3A_114 : i32 to index
      %swap3A_395 = arith.constant 112 : index
      %swap3A_396 = tpu.vector_load %arg12[%swap3A_394, %swap3A_395] {strides = array<i32>} : memref<64x768xf32, #tpu.memory_space<vmem>>, vector<1x16xf32>,
      %swap3A_397 = vector.shape_cast %swap3A_396 : vector<1x16xf32> to vector<16xf32>
      %swap3A_398 = vector.shape_cast %add3A_393 : vector<16xf32> to vector<1x16xf32>
      tpu.vector_store %arg12[%swap3A_394, %swap3A_395], %swap3A_398 {strides = array<i32>} : memref<64x768xf32, #tpu.memory_space<vmem>>, vector<1x16xf32>,
      %get3A_399 = arith.index_cast %scan3A_114 : i32 to index
      %get3A_400 = arith.constant 128 : index
      %get3A_401 = tpu.vector_load %arg12[%get3A_399, %get3A_400] {strides = array<i32>} : memref<64x768xf32, #tpu.memory_space<vmem>>, vector<1x16xf32>,
      %get3A_402 = vector.shape_cast %get3A_401 : vector<1x16xf32> to vector<16xf32>
      %get3A_403 = arith.index_cast %scan3A_114 : i32 to index
      %get3A_404 = arith.constant 128 : index
      %get3A_405 = tpu.vector_load %arg13[%get3A_403, %get3A_404] {strides = array<i32>} : memref<64x768xf32, #tpu.memory_space<vmem>>, vector<1x16xf32>,
      %get3A_406 = vector.shape_cast %get3A_405 : vector<1x16xf32> to vector<16xf32>
      %eq3A_407 = arith.constant 0.000000e+00 : f32
      %eq3A_408 = vector.broadcast %eq3A_407 : f32 to vector<16xf32>
      %eq3A_409 = arith.cmpf oeq, %get3A_159, %eq3A_408 : vector<16xf32>
      %mul3A_410 = arith.mulf %get3A_402, %get3A_159 : vector<16xf32>
      %select_n3A_411 = arith.select %eq3A_409, %broadcast_in_dim3A_206, %mul3A_410 : vector<16xi1>, vector<16xf32>
      %eq3A_412 = arith.constant 0.000000e+00 : f32
      %eq3A_413 = vector.broadcast %eq3A_412 : f32 to vector<16xf32>
      %eq3A_414 = arith.cmpf oeq, %get3A_205, %eq3A_413 : vector<16xf32>
      %mul3A_415 = arith.mulf %get3A_406, %get3A_205 : vector<16xf32>
      %select_n3A_416 = arith.select %eq3A_414, %broadcast_in_dim3A_206, %mul3A_415 : vector<16xi1>, vector<16xf32>
      %add3A_417 = arith.addf %select_n3A_411, %select_n3A_416 : vector<16xf32>
      %swap3A_418 = arith.index_cast %scan3A_114 : i32 to index
      %swap3A_419 = arith.constant 128 : index
      %swap3A_420 = tpu.vector_load %arg12[%swap3A_418, %swap3A_419] {strides = array<i32>} : memref<64x768xf32, #tpu.memory_space<vmem>>, vector<1x16xf32>,
      %swap3A_421 = vector.shape_cast %swap3A_420 : vector<1x16xf32> to vector<16xf32>
      %swap3A_422 = vector.shape_cast %add3A_417 : vector<16xf32> to vector<1x16xf32>
      tpu.vector_store %arg12[%swap3A_418, %swap3A_419], %swap3A_422 {strides = array<i32>} : memref<64x768xf32, #tpu.memory_space<vmem>>, vector<1x16xf32>,
      %get3A_423 = arith.index_cast %scan3A_114 : i32 to index
      %get3A_424 = arith.constant 144 : index
      %get3A_425 = tpu.vector_load %arg12[%get3A_423, %get3A_424] {strides = array<i32>} : memref<64x768xf32, #tpu.memory_space<vmem>>, vector<1x16xf32>,
      %get3A_426 = vector.shape_cast %get3A_425 : vector<1x16xf32> to vector<16xf32>
      %get3A_427 = arith.index_cast %scan3A_114 : i32 to index
      %get3A_428 = arith.constant 144 : index
      %get3A_429 = tpu.vector_load %arg13[%get3A_427, %get3A_428] {strides = array<i32>} : memref<64x768xf32, #tpu.memory_space<vmem>>, vector<1x16xf32>,
      %get3A_430 = vector.shape_cast %get3A_429 : vector<1x16xf32> to vector<16xf32>
      %eq3A_431 = arith.constant 0.000000e+00 : f32
      %eq3A_432 = vector.broadcast %eq3A_431 : f32 to vector<16xf32>
      %eq3A_433 = arith.cmpf oeq, %get3A_159, %eq3A_432 : vector<16xf32>
      %mul3A_434 = arith.mulf %get3A_426, %get3A_159 : vector<16xf32>
      %select_n3A_435 = arith.select %eq3A_433, %broadcast_in_dim3A_206, %mul3A_434 : vector<16xi1>, vector<16xf32>
      %eq3A_436 = arith.constant 0.000000e+00 : f32
      %eq3A_437 = vector.broadcast %eq3A_436 : f32 to vector<16xf32>
      %eq3A_438 = arith.cmpf oeq, %get3A_205, %eq3A_437 : vector<16xf32>
      %mul3A_439 = arith.mulf %get3A_430, %get3A_205 : vector<16xf32>
      %select_n3A_440 = arith.select %eq3A_438, %broadcast_in_dim3A_206, %mul3A_439 : vector<16xi1>, vector<16xf32>
      %add3A_441 = arith.addf %select_n3A_435, %select_n3A_440 : vector<16xf32>
      %swap3A_442 = arith.index_cast %scan3A_114 : i32 to index
      %swap3A_443 = arith.constant 144 : index
      %swap3A_444 = tpu.vector_load %arg12[%swap3A_442, %swap3A_443] {strides = array<i32>} : memref<64x768xf32, #tpu.memory_space<vmem>>, vector<1x16xf32>,
      %swap3A_445 = vector.shape_cast %swap3A_444 : vector<1x16xf32> to vector<16xf32>
      %swap3A_446 = vector.shape_cast %add3A_441 : vector<16xf32> to vector<1x16xf32>
      tpu.vector_store %arg12[%swap3A_442, %swap3A_443], %swap3A_446 {strides = array<i32>} : memref<64x768xf32, #tpu.memory_space<vmem>>, vector<1x16xf32>,
      %get3A_447 = arith.index_cast %scan3A_114 : i32 to index
      %get3A_448 = arith.constant 160 : index
      %get3A_449 = tpu.vector_load %arg12[%get3A_447, %get3A_448] {strides = array<i32>} : memref<64x768xf32, #tpu.memory_space<vmem>>, vector<1x16xf32>,
      %get3A_450 = vector.shape_cast %get3A_449 : vector<1x16xf32> to vector<16xf32>
      %get3A_451 = arith.index_cast %scan3A_114 : i32 to index
      %get3A_452 = arith.constant 160 : index
      %get3A_453 = tpu.vector_load %arg13[%get3A_451, %get3A_452] {strides = array<i32>} : memref<64x768xf32, #tpu.memory_space<vmem>>, vector<1x16xf32>,
      %get3A_454 = vector.shape_cast %get3A_453 : vector<1x16xf32> to vector<16xf32>
      %eq3A_455 = arith.constant 0.000000e+00 : f32
      %eq3A_456 = vector.broadcast %eq3A_455 : f32 to vector<16xf32>
      %eq3A_457 = arith.cmpf oeq, %get3A_159, %eq3A_456 : vector<16xf32>
      %mul3A_458 = arith.mulf %get3A_450, %get3A_159 : vector<16xf32>
      %select_n3A_459 = arith.select %eq3A_457, %broadcast_in_dim3A_206, %mul3A_458 : vector<16xi1>, vector<16xf32>
      %eq3A_460 = arith.constant 0.000000e+00 : f32
      %eq3A_461 = vector.broadcast %eq3A_460 : f32 to vector<16xf32>
      %eq3A_462 = arith.cmpf oeq, %get3A_205, %eq3A_461 : vector<16xf32>
      %mul3A_463 = arith.mulf %get3A_454, %get3A_205 : vector<16xf32>
      %select_n3A_464 = arith.select %eq3A_462, %broadcast_in_dim3A_206, %mul3A_463 : vector<16xi1>, vector<16xf32>
      %add3A_465 = arith.addf %select_n3A_459, %select_n3A_464 : vector<16xf32>
      %swap3A_466 = arith.index_cast %scan3A_114 : i32 to index
      %swap3A_467 = arith.constant 160 : index
      %swap3A_468 = tpu.vector_load %arg12[%swap3A_466, %swap3A_467] {strides = array<i32>} : memref<64x768xf32, #tpu.memory_space<vmem>>, vector<1x16xf32>,
      %swap3A_469 = vector.shape_cast %swap3A_468 : vector<1x16xf32> to vector<16xf32>
      %swap3A_470 = vector.shape_cast %add3A_465 : vector<16xf32> to vector<1x16xf32>
      tpu.vector_store %arg12[%swap3A_466, %swap3A_467], %swap3A_470 {strides = array<i32>} : memref<64x768xf32, #tpu.memory_space<vmem>>, vector<1x16xf32>,
      %get3A_471 = arith.index_cast %scan3A_114 : i32 to index
      %get3A_472 = arith.constant 176 : index
      %get3A_473 = tpu.vector_load %arg12[%get3A_471, %get3A_472] {strides = array<i32>} : memref<64x768xf32, #tpu.memory_space<vmem>>, vector<1x16xf32>,
      %get3A_474 = vector.shape_cast %get3A_473 : vector<1x16xf32> to vector<16xf32>
      %get3A_475 = arith.index_cast %scan3A_114 : i32 to index
      %get3A_476 = arith.constant 176 : index
      %get3A_477 = tpu.vector_load %arg13[%get3A_475, %get3A_476] {strides = array<i32>} : memref<64x768xf32, #tpu.memory_space<vmem>>, vector<1x16xf32>,
      %get3A_478 = vector.shape_cast %get3A_477 : vector<1x16xf32> to vector<16xf32>
      %eq3A_479 = arith.constant 0.000000e+00 : f32
      %eq3A_480 = vector.broadcast %eq3A_479 : f32 to vector<16xf32>
      %eq3A_481 = arith.cmpf oeq, %get3A_159, %eq3A_480 : vector<16xf32>
      %mul3A_482 = arith.mulf %get3A_474, %get3A_159 : vector<16xf32>
      %select_n3A_483 = arith.select %eq3A_481, %broadcast_in_dim3A_206, %mul3A_482 : vector<16xi1>, vector<16xf32>
      %eq3A_484 = arith.constant 0.000000e+00 : f32
      %eq3A_485 = vector.broadcast %eq3A_484 : f32 to vector<16xf32>
      %eq3A_486 = arith.cmpf oeq, %get3A_205, %eq3A_485 : vector<16xf32>
      %mul3A_487 = arith.mulf %get3A_478, %get3A_205 : vector<16xf32>
      %select_n3A_488 = arith.select %eq3A_486, %broadcast_in_dim3A_206, %mul3A_487 : vector<16xi1>, vector<16xf32>
      %add3A_489 = arith.addf %select_n3A_483, %select_n3A_488 : vector<16xf32>
      %swap3A_490 = arith.index_cast %scan3A_114 : i32 to index
      %swap3A_491 = arith.constant 176 : index
      %swap3A_492 = tpu.vector_load %arg12[%swap3A_490, %swap3A_491] {strides = array<i32>} : memref<64x768xf32, #tpu.memory_space<vmem>>, vector<1x16xf32>,
      %swap3A_493 = vector.shape_cast %swap3A_492 : vector<1x16xf32> to vector<16xf32>
      %swap3A_494 = vector.shape_cast %add3A_489 : vector<16xf32> to vector<1x16xf32>
      tpu.vector_store %arg12[%swap3A_490, %swap3A_491], %swap3A_494 {strides = array<i32>} : memref<64x768xf32, #tpu.memory_space<vmem>>, vector<1x16xf32>,
      %get3A_495 = arith.index_cast %scan3A_114 : i32 to index
      %get3A_496 = arith.constant 192 : index
      %get3A_497 = tpu.vector_load %arg12[%get3A_495, %get3A_496] {strides = array<i32>} : memref<64x768xf32, #tpu.memory_space<vmem>>, vector<1x16xf32>,
      %get3A_498 = vector.shape_cast %get3A_497 : vector<1x16xf32> to vector<16xf32>
      %get3A_499 = arith.index_cast %scan3A_114 : i32 to index
      %get3A_500 = arith.constant 192 : index
      %get3A_501 = tpu.vector_load %arg13[%get3A_499, %get3A_500] {strides = array<i32>} : memref<64x768xf32, #tpu.memory_space<vmem>>, vector<1x16xf32>,
      %get3A_502 = vector.shape_cast %get3A_501 : vector<1x16xf32> to vector<16xf32>
      %eq3A_503 = arith.constant 0.000000e+00 : f32
      %eq3A_504 = vector.broadcast %eq3A_503 : f32 to vector<16xf32>
      %eq3A_505 = arith.cmpf oeq, %get3A_159, %eq3A_504 : vector<16xf32>
      %mul3A_506 = arith.mulf %get3A_498, %get3A_159 : vector<16xf32>
      %select_n3A_507 = arith.select %eq3A_505, %broadcast_in_dim3A_206, %mul3A_506 : vector<16xi1>, vector<16xf32>
      %eq3A_508 = arith.constant 0.000000e+00 : f32
      %eq3A_509 = vector.broadcast %eq3A_508 : f32 to vector<16xf32>
      %eq3A_510 = arith.cmpf oeq, %get3A_205, %eq3A_509 : vector<16xf32>
      %mul3A_511 = arith.mulf %get3A_502, %get3A_205 : vector<16xf32>
      %select_n3A_512 = arith.select %eq3A_510, %broadcast_in_dim3A_206, %mul3A_511 : vector<16xi1>, vector<16xf32>
      %add3A_513 = arith.addf %select_n3A_507, %select_n3A_512 : vector<16xf32>
      %swap3A_514 = arith.index_cast %scan3A_114 : i32 to index
      %swap3A_515 = arith.constant 192 : index
      %swap3A_516 = tpu.vector_load %arg12[%swap3A_514, %swap3A_515] {strides = array<i32>} : memref<64x768xf32, #tpu.memory_space<vmem>>, vector<1x16xf32>,
      %swap3A_517 = vector.shape_cast %swap3A_516 : vector<1x16xf32> to vector<16xf32>
      %swap3A_518 = vector.shape_cast %add3A_513 : vector<16xf32> to vector<1x16xf32>
      tpu.vector_store %arg12[%swap3A_514, %swap3A_515], %swap3A_518 {strides = array<i32>} : memref<64x768xf32, #tpu.memory_space<vmem>>, vector<1x16xf32>,
      %get3A_519 = arith.index_cast %scan3A_114 : i32 to index
      %get3A_520 = arith.constant 208 : index
      %get3A_521 = tpu.vector_load %arg12[%get3A_519, %get3A_520] {strides = array<i32>} : memref<64x768xf32, #tpu.memory_space<vmem>>, vector<1x16xf32>,
      %get3A_522 = vector.shape_cast %get3A_521 : vector<1x16xf32> to vector<16xf32>
      %get3A_523 = arith.index_cast %scan3A_114 : i32 to index
      %get3A_524 = arith.constant 208 : index
      %get3A_525 = tpu.vector_load %arg13[%get3A_523, %get3A_524] {strides = array<i32>} : memref<64x768xf32, #tpu.memory_space<vmem>>, vector<1x16xf32>,
      %get3A_526 = vector.shape_cast %get3A_525 : vector<1x16xf32> to vector<16xf32>
      %eq3A_527 = arith.constant 0.000000e+00 : f32
      %eq3A_528 = vector.broadcast %eq3A_527 : f32 to vector<16xf32>
      %eq3A_529 = arith.cmpf oeq, %get3A_159, %eq3A_528 : vector<16xf32>
      %mul3A_530 = arith.mulf %get3A_522, %get3A_159 : vector<16xf32>
      %select_n3A_531 = arith.select %eq3A_529, %broadcast_in_dim3A_206, %mul3A_530 : vector<16xi1>, vector<16xf32>
      %eq3A_532 = arith.constant 0.000000e+00 : f32
      %eq3A_533 = vector.broadcast %eq3A_532 : f32 to vector<16xf32>
      %eq3A_534 = arith.cmpf oeq, %get3A_205, %eq3A_533 : vector<16xf32>
      %mul3A_535 = arith.mulf %get3A_526, %get3A_205 : vector<16xf32>
      %select_n3A_536 = arith.select %eq3A_534, %broadcast_in_dim3A_206, %mul3A_535 : vector<16xi1>, vector<16xf32>
      %add3A_537 = arith.addf %select_n3A_531, %select_n3A_536 : vector<16xf32>
      %swap3A_538 = arith.index_cast %scan3A_114 : i32 to index
      %swap3A_539 = arith.constant 208 : index
      %swap3A_540 = tpu.vector_load %arg12[%swap3A_538, %swap3A_539] {strides = array<i32>} : memref<64x768xf32, #tpu.memory_space<vmem>>, vector<1x16xf32>,
      %swap3A_541 = vector.shape_cast %swap3A_540 : vector<1x16xf32> to vector<16xf32>
      %swap3A_542 = vector.shape_cast %add3A_537 : vector<16xf32> to vector<1x16xf32>
      tpu.vector_store %arg12[%swap3A_538, %swap3A_539], %swap3A_542 {strides = array<i32>} : memref<64x768xf32, #tpu.memory_space<vmem>>, vector<1x16xf32>,
      %get3A_543 = arith.index_cast %scan3A_114 : i32 to index
      %get3A_544 = arith.constant 224 : index
      %get3A_545 = tpu.vector_load %arg12[%get3A_543, %get3A_544] {strides = array<i32>} : memref<64x768xf32, #tpu.memory_space<vmem>>, vector<1x16xf32>,
      %get3A_546 = vector.shape_cast %get3A_545 : vector<1x16xf32> to vector<16xf32>
      %get3A_547 = arith.index_cast %scan3A_114 : i32 to index
      %get3A_548 = arith.constant 224 : index
      %get3A_549 = tpu.vector_load %arg13[%get3A_547, %get3A_548] {strides = array<i32>} : memref<64x768xf32, #tpu.memory_space<vmem>>, vector<1x16xf32>,
      %get3A_550 = vector.shape_cast %get3A_549 : vector<1x16xf32> to vector<16xf32>
      %eq3A_551 = arith.constant 0.000000e+00 : f32
      %eq3A_552 = vector.broadcast %eq3A_551 : f32 to vector<16xf32>
      %eq3A_553 = arith.cmpf oeq, %get3A_159, %eq3A_552 : vector<16xf32>
      %mul3A_554 = arith.mulf %get3A_546, %get3A_159 : vector<16xf32>
      %select_n3A_555 = arith.select %eq3A_553, %broadcast_in_dim3A_206, %mul3A_554 : vector<16xi1>, vector<16xf32>
      %eq3A_556 = arith.constant 0.000000e+00 : f32
      %eq3A_557 = vector.broadcast %eq3A_556 : f32 to vector<16xf32>
      %eq3A_558 = arith.cmpf oeq, %get3A_205, %eq3A_557 : vector<16xf32>
      %mul3A_559 = arith.mulf %get3A_550, %get3A_205 : vector<16xf32>
      %select_n3A_560 = arith.select %eq3A_558, %broadcast_in_dim3A_206, %mul3A_559 : vector<16xi1>, vector<16xf32>
      %add3A_561 = arith.addf %select_n3A_555, %select_n3A_560 : vector<16xf32>
      %swap3A_562 = arith.index_cast %scan3A_114 : i32 to index
      %swap3A_563 = arith.constant 224 : index
      %swap3A_564 = tpu.vector_load %arg12[%swap3A_562, %swap3A_563] {strides = array<i32>} : memref<64x768xf32, #tpu.memory_space<vmem>>, vector<1x16xf32>,
      %swap3A_565 = vector.shape_cast %swap3A_564 : vector<1x16xf32> to vector<16xf32>
      %swap3A_566 = vector.shape_cast %add3A_561 : vector<16xf32> to vector<1x16xf32>
      tpu.vector_store %arg12[%swap3A_562, %swap3A_563], %swap3A_566 {strides = array<i32>} : memref<64x768xf32, #tpu.memory_space<vmem>>, vector<1x16xf32>,
      %get3A_567 = arith.index_cast %scan3A_114 : i32 to index
      %get3A_568 = arith.constant 240 : index
      %get3A_569 = tpu.vector_load %arg12[%get3A_567, %get3A_568] {strides = array<i32>} : memref<64x768xf32, #tpu.memory_space<vmem>>, vector<1x16xf32>,
      %get3A_570 = vector.shape_cast %get3A_569 : vector<1x16xf32> to vector<16xf32>
      %get3A_571 = arith.index_cast %scan3A_114 : i32 to index
      %get3A_572 = arith.constant 240 : index
      %get3A_573 = tpu.vector_load %arg13[%get3A_571, %get3A_572] {strides = array<i32>} : memref<64x768xf32, #tpu.memory_space<vmem>>, vector<1x16xf32>,
      %get3A_574 = vector.shape_cast %get3A_573 : vector<1x16xf32> to vector<16xf32>
      %eq3A_575 = arith.constant 0.000000e+00 : f32
      %eq3A_576 = vector.broadcast %eq3A_575 : f32 to vector<16xf32>
      %eq3A_577 = arith.cmpf oeq, %get3A_159, %eq3A_576 : vector<16xf32>
      %mul3A_578 = arith.mulf %get3A_570, %get3A_159 : vector<16xf32>
      %select_n3A_579 = arith.select %eq3A_577, %broadcast_in_dim3A_206, %mul3A_578 : vector<16xi1>, vector<16xf32>
      %eq3A_580 = arith.constant 0.000000e+00 : f32
      %eq3A_581 = vector.broadcast %eq3A_580 : f32 to vector<16xf32>
      %eq3A_582 = arith.cmpf oeq, %get3A_205, %eq3A_581 : vector<16xf32>
      %mul3A_583 = arith.mulf %get3A_574, %get3A_205 : vector<16xf32>
      %select_n3A_584 = arith.select %eq3A_582, %broadcast_in_dim3A_206, %mul3A_583 : vector<16xi1>, vector<16xf32>
      %add3A_585 = arith.addf %select_n3A_579, %select_n3A_584 : vector<16xf32>
      %swap3A_586 = arith.index_cast %scan3A_114 : i32 to index
      %swap3A_587 = arith.constant 240 : index
      %swap3A_588 = tpu.vector_load %arg12[%swap3A_586, %swap3A_587] {strides = array<i32>} : memref<64x768xf32, #tpu.memory_space<vmem>>, vector<1x16xf32>,
      %swap3A_589 = vector.shape_cast %swap3A_588 : vector<1x16xf32> to vector<16xf32>
      %swap3A_590 = vector.shape_cast %add3A_585 : vector<16xf32> to vector<1x16xf32>
      tpu.vector_store %arg12[%swap3A_586, %swap3A_587], %swap3A_590 {strides = array<i32>} : memref<64x768xf32, #tpu.memory_space<vmem>>, vector<1x16xf32>,
      %get3A_591 = arith.index_cast %scan3A_114 : i32 to index
      %get3A_592 = arith.constant 256 : index
      %get3A_593 = tpu.vector_load %arg12[%get3A_591, %get3A_592] {strides = array<i32>} : memref<64x768xf32, #tpu.memory_space<vmem>>, vector<1x16xf32>,
      %get3A_594 = vector.shape_cast %get3A_593 : vector<1x16xf32> to vector<16xf32>
      %get3A_595 = arith.index_cast %scan3A_114 : i32 to index
      %get3A_596 = arith.constant 256 : index
      %get3A_597 = tpu.vector_load %arg13[%get3A_595, %get3A_596] {strides = array<i32>} : memref<64x768xf32, #tpu.memory_space<vmem>>, vector<1x16xf32>,
      %get3A_598 = vector.shape_cast %get3A_597 : vector<1x16xf32> to vector<16xf32>
      %eq3A_599 = arith.constant 0.000000e+00 : f32
      %eq3A_600 = vector.broadcast %eq3A_599 : f32 to vector<16xf32>
      %eq3A_601 = arith.cmpf oeq, %get3A_159, %eq3A_600 : vector<16xf32>
      %mul3A_602 = arith.mulf %get3A_594, %get3A_159 : vector<16xf32>
      %select_n3A_603 = arith.select %eq3A_601, %broadcast_in_dim3A_206, %mul3A_602 : vector<16xi1>, vector<16xf32>
      %eq3A_604 = arith.constant 0.000000e+00 : f32
      %eq3A_605 = vector.broadcast %eq3A_604 : f32 to vector<16xf32>
      %eq3A_606 = arith.cmpf oeq, %get3A_205, %eq3A_605 : vector<16xf32>
      %mul3A_607 = arith.mulf %get3A_598, %get3A_205 : vector<16xf32>
      %select_n3A_608 = arith.select %eq3A_606, %broadcast_in_dim3A_206, %mul3A_607 : vector<16xi1>, vector<16xf32>
      %add3A_609 = arith.addf %select_n3A_603, %select_n3A_608 : vector<16xf32>
      %swap3A_610 = arith.index_cast %scan3A_114 : i32 to index
      %swap3A_611 = arith.constant 256 : index
      %swap3A_612 = tpu.vector_load %arg12[%swap3A_610, %swap3A_611] {strides = array<i32>} : memref<64x768xf32, #tpu.memory_space<vmem>>, vector<1x16xf32>,
      %swap3A_613 = vector.shape_cast %swap3A_612 : vector<1x16xf32> to vector<16xf32>
      %swap3A_614 = vector.shape_cast %add3A_609 : vector<16xf32> to vector<1x16xf32>
      tpu.vector_store %arg12[%swap3A_610, %swap3A_611], %swap3A_614 {strides = array<i32>} : memref<64x768xf32, #tpu.memory_space<vmem>>, vector<1x16xf32>,
      %get3A_615 = arith.index_cast %scan3A_114 : i32 to index
      %get3A_616 = arith.constant 272 : index
      %get3A_617 = tpu.vector_load %arg12[%get3A_615, %get3A_616] {strides = array<i32>} : memref<64x768xf32, #tpu.memory_space<vmem>>, vector<1x16xf32>,
      %get3A_618 = vector.shape_cast %get3A_617 : vector<1x16xf32> to vector<16xf32>
      %get3A_619 = arith.index_cast %scan3A_114 : i32 to index
      %get3A_620 = arith.constant 272 : index
      %get3A_621 = tpu.vector_load %arg13[%get3A_619, %get3A_620] {strides = array<i32>} : memref<64x768xf32, #tpu.memory_space<vmem>>, vector<1x16xf32>,
      %get3A_622 = vector.shape_cast %get3A_621 : vector<1x16xf32> to vector<16xf32>
      %eq3A_623 = arith.constant 0.000000e+00 : f32
      %eq3A_624 = vector.broadcast %eq3A_623 : f32 to vector<16xf32>
      %eq3A_625 = arith.cmpf oeq, %get3A_159, %eq3A_624 : vector<16xf32>
      %mul3A_626 = arith.mulf %get3A_618, %get3A_159 : vector<16xf32>
      %select_n3A_627 = arith.select %eq3A_625, %broadcast_in_dim3A_206, %mul3A_626 : vector<16xi1>, vector<16xf32>
      %eq3A_628 = arith.constant 0.000000e+00 : f32
      %eq3A_629 = vector.broadcast %eq3A_628 : f32 to vector<16xf32>
      %eq3A_630 = arith.cmpf oeq, %get3A_205, %eq3A_629 : vector<16xf32>
      %mul3A_631 = arith.mulf %get3A_622, %get3A_205 : vector<16xf32>
      %select_n3A_632 = arith.select %eq3A_630, %broadcast_in_dim3A_206, %mul3A_631 : vector<16xi1>, vector<16xf32>
      %add3A_633 = arith.addf %select_n3A_627, %select_n3A_632 : vector<16xf32>
      %swap3A_634 = arith.index_cast %scan3A_114 : i32 to index
      %swap3A_635 = arith.constant 272 : index
      %swap3A_636 = tpu.vector_load %arg12[%swap3A_634, %swap3A_635] {strides = array<i32>} : memref<64x768xf32, #tpu.memory_space<vmem>>, vector<1x16xf32>,
      %swap3A_637 = vector.shape_cast %swap3A_636 : vector<1x16xf32> to vector<16xf32>
      %swap3A_638 = vector.shape_cast %add3A_633 : vector<16xf32> to vector<1x16xf32>
      tpu.vector_store %arg12[%swap3A_634, %swap3A_635], %swap3A_638 {strides = array<i32>} : memref<64x768xf32, #tpu.memory_space<vmem>>, vector<1x16xf32>,
      %get3A_639 = arith.index_cast %scan3A_114 : i32 to index
      %get3A_640 = arith.constant 288 : index
      %get3A_641 = tpu.vector_load %arg12[%get3A_639, %get3A_640] {strides = array<i32>} : memref<64x768xf32, #tpu.memory_space<vmem>>, vector<1x16xf32>,
      %get3A_642 = vector.shape_cast %get3A_641 : vector<1x16xf32> to vector<16xf32>
      %get3A_643 = arith.index_cast %scan3A_114 : i32 to index
      %get3A_644 = arith.constant 288 : index
      %get3A_645 = tpu.vector_load %arg13[%get3A_643, %get3A_644] {strides = array<i32>} : memref<64x768xf32, #tpu.memory_space<vmem>>, vector<1x16xf32>,
      %get3A_646 = vector.shape_cast %get3A_645 : vector<1x16xf32> to vector<16xf32>
      %eq3A_647 = arith.constant 0.000000e+00 : f32
      %eq3A_648 = vector.broadcast %eq3A_647 : f32 to vector<16xf32>
      %eq3A_649 = arith.cmpf oeq, %get3A_159, %eq3A_648 : vector<16xf32>
      %mul3A_650 = arith.mulf %get3A_642, %get3A_159 : vector<16xf32>
      %select_n3A_651 = arith.select %eq3A_649, %broadcast_in_dim3A_206, %mul3A_650 : vector<16xi1>, vector<16xf32>
      %eq3A_652 = arith.constant 0.000000e+00 : f32
      %eq3A_653 = vector.broadcast %eq3A_652 : f32 to vector<16xf32>
      %eq3A_654 = arith.cmpf oeq, %get3A_205, %eq3A_653 : vector<16xf32>
      %mul3A_655 = arith.mulf %get3A_646, %get3A_205 : vector<16xf32>
      %select_n3A_656 = arith.select %eq3A_654, %broadcast_in_dim3A_206, %mul3A_655 : vector<16xi1>, vector<16xf32>
      %add3A_657 = arith.addf %select_n3A_651, %select_n3A_656 : vector<16xf32>
      %swap3A_658 = arith.index_cast %scan3A_114 : i32 to index
      %swap3A_659 = arith.constant 288 : index
      %swap3A_660 = tpu.vector_load %arg12[%swap3A_658, %swap3A_659] {strides = array<i32>} : memref<64x768xf32, #tpu.memory_space<vmem>>, vector<1x16xf32>,
      %swap3A_661 = vector.shape_cast %swap3A_660 : vector<1x16xf32> to vector<16xf32>
      %swap3A_662 = vector.shape_cast %add3A_657 : vector<16xf32> to vector<1x16xf32>
      tpu.vector_store %arg12[%swap3A_658, %swap3A_659], %swap3A_662 {strides = array<i32>} : memref<64x768xf32, #tpu.memory_space<vmem>>, vector<1x16xf32>,
      %get3A_663 = arith.index_cast %scan3A_114 : i32 to index
      %get3A_664 = arith.constant 304 : index
      %get3A_665 = tpu.vector_load %arg12[%get3A_663, %get3A_664] {strides = array<i32>} : memref<64x768xf32, #tpu.memory_space<vmem>>, vector<1x16xf32>,
      %get3A_666 = vector.shape_cast %get3A_665 : vector<1x16xf32> to vector<16xf32>
      %get3A_667 = arith.index_cast %scan3A_114 : i32 to index
      %get3A_668 = arith.constant 304 : index
      %get3A_669 = tpu.vector_load %arg13[%get3A_667, %get3A_668] {strides = array<i32>} : memref<64x768xf32, #tpu.memory_space<vmem>>, vector<1x16xf32>,
      %get3A_670 = vector.shape_cast %get3A_669 : vector<1x16xf32> to vector<16xf32>
      %eq3A_671 = arith.constant 0.000000e+00 : f32
      %eq3A_672 = vector.broadcast %eq3A_671 : f32 to vector<16xf32>
      %eq3A_673 = arith.cmpf oeq, %get3A_159, %eq3A_672 : vector<16xf32>
      %mul3A_674 = arith.mulf %get3A_666, %get3A_159 : vector<16xf32>
      %select_n3A_675 = arith.select %eq3A_673, %broadcast_in_dim3A_206, %mul3A_674 : vector<16xi1>, vector<16xf32>
      %eq3A_676 = arith.constant 0.000000e+00 : f32
      %eq3A_677 = vector.broadcast %eq3A_676 : f32 to vector<16xf32>
      %eq3A_678 = arith.cmpf oeq, %get3A_205, %eq3A_677 : vector<16xf32>
      %mul3A_679 = arith.mulf %get3A_670, %get3A_205 : vector<16xf32>
      %select_n3A_680 = arith.select %eq3A_678, %broadcast_in_dim3A_206, %mul3A_679 : vector<16xi1>, vector<16xf32>
      %add3A_681 = arith.addf %select_n3A_675, %select_n3A_680 : vector<16xf32>
      %swap3A_682 = arith.index_cast %scan3A_114 : i32 to index
      %swap3A_683 = arith.constant 304 : index
      %swap3A_684 = tpu.vector_load %arg12[%swap3A_682, %swap3A_683] {strides = array<i32>} : memref<64x768xf32, #tpu.memory_space<vmem>>, vector<1x16xf32>,
      %swap3A_685 = vector.shape_cast %swap3A_684 : vector<1x16xf32> to vector<16xf32>
      %swap3A_686 = vector.shape_cast %add3A_681 : vector<16xf32> to vector<1x16xf32>
      tpu.vector_store %arg12[%swap3A_682, %swap3A_683], %swap3A_686 {strides = array<i32>} : memref<64x768xf32, #tpu.memory_space<vmem>>, vector<1x16xf32>,
      %get3A_687 = arith.index_cast %scan3A_114 : i32 to index
      %get3A_688 = arith.constant 320 : index
      %get3A_689 = tpu.vector_load %arg12[%get3A_687, %get3A_688] {strides = array<i32>} : memref<64x768xf32, #tpu.memory_space<vmem>>, vector<1x16xf32>,
      %get3A_690 = vector.shape_cast %get3A_689 : vector<1x16xf32> to vector<16xf32>
      %get3A_691 = arith.index_cast %scan3A_114 : i32 to index
      %get3A_692 = arith.constant 320 : index
      %get3A_693 = tpu.vector_load %arg13[%get3A_691, %get3A_692] {strides = array<i32>} : memref<64x768xf32, #tpu.memory_space<vmem>>, vector<1x16xf32>,
      %get3A_694 = vector.shape_cast %get3A_693 : vector<1x16xf32> to vector<16xf32>
      %eq3A_695 = arith.constant 0.000000e+00 : f32
      %eq3A_696 = vector.broadcast %eq3A_695 : f32 to vector<16xf32>
      %eq3A_697 = arith.cmpf oeq, %get3A_159, %eq3A_696 : vector<16xf32>
      %mul3A_698 = arith.mulf %get3A_690, %get3A_159 : vector<16xf32>
      %select_n3A_699 = arith.select %eq3A_697, %broadcast_in_dim3A_206, %mul3A_698 : vector<16xi1>, vector<16xf32>
      %eq3A_700 = arith.constant 0.000000e+00 : f32
      %eq3A_701 = vector.broadcast %eq3A_700 : f32 to vector<16xf32>
      %eq3A_702 = arith.cmpf oeq, %get3A_205, %eq3A_701 : vector<16xf32>
      %mul3A_703 = arith.mulf %get3A_694, %get3A_205 : vector<16xf32>
      %select_n3A_704 = arith.select %eq3A_702, %broadcast_in_dim3A_206, %mul3A_703 : vector<16xi1>, vector<16xf32>
      %add3A_705 = arith.addf %select_n3A_699, %select_n3A_704 : vector<16xf32>
      %swap3A_706 = arith.index_cast %scan3A_114 : i32 to index
      %swap3A_707 = arith.constant 320 : index
      %swap3A_708 = tpu.vector_load %arg12[%swap3A_706, %swap3A_707] {strides = array<i32>} : memref<64x768xf32, #tpu.memory_space<vmem>>, vector<1x16xf32>,
      %swap3A_709 = vector.shape_cast %swap3A_708 : vector<1x16xf32> to vector<16xf32>
      %swap3A_710 = vector.shape_cast %add3A_705 : vector<16xf32> to vector<1x16xf32>
      tpu.vector_store %arg12[%swap3A_706, %swap3A_707], %swap3A_710 {strides = array<i32>} : memref<64x768xf32, #tpu.memory_space<vmem>>, vector<1x16xf32>,
      %get3A_711 = arith.index_cast %scan3A_114 : i32 to index
      %get3A_712 = arith.constant 336 : index
      %get3A_713 = tpu.vector_load %arg12[%get3A_711, %get3A_712] {strides = array<i32>} : memref<64x768xf32, #tpu.memory_space<vmem>>, vector<1x16xf32>,
      %get3A_714 = vector.shape_cast %get3A_713 : vector<1x16xf32> to vector<16xf32>
      %get3A_715 = arith.index_cast %scan3A_114 : i32 to index
      %get3A_716 = arith.constant 336 : index
      %get3A_717 = tpu.vector_load %arg13[%get3A_715, %get3A_716] {strides = array<i32>} : memref<64x768xf32, #tpu.memory_space<vmem>>, vector<1x16xf32>,
      %get3A_718 = vector.shape_cast %get3A_717 : vector<1x16xf32> to vector<16xf32>
      %eq3A_719 = arith.constant 0.000000e+00 : f32
      %eq3A_720 = vector.broadcast %eq3A_719 : f32 to vector<16xf32>
      %eq3A_721 = arith.cmpf oeq, %get3A_159, %eq3A_720 : vector<16xf32>
      %mul3A_722 = arith.mulf %get3A_714, %get3A_159 : vector<16xf32>
      %select_n3A_723 = arith.select %eq3A_721, %broadcast_in_dim3A_206, %mul3A_722 : vector<16xi1>, vector<16xf32>
      %eq3A_724 = arith.constant 0.000000e+00 : f32
      %eq3A_725 = vector.broadcast %eq3A_724 : f32 to vector<16xf32>
      %eq3A_726 = arith.cmpf oeq, %get3A_205, %eq3A_725 : vector<16xf32>
      %mul3A_727 = arith.mulf %get3A_718, %get3A_205 : vector<16xf32>
      %select_n3A_728 = arith.select %eq3A_726, %broadcast_in_dim3A_206, %mul3A_727 : vector<16xi1>, vector<16xf32>
      %add3A_729 = arith.addf %select_n3A_723, %select_n3A_728 : vector<16xf32>
      %swap3A_730 = arith.index_cast %scan3A_114 : i32 to index
      %swap3A_731 = arith.constant 336 : index
      %swap3A_732 = tpu.vector_load %arg12[%swap3A_730, %swap3A_731] {strides = array<i32>} : memref<64x768xf32, #tpu.memory_space<vmem>>, vector<1x16xf32>,
      %swap3A_733 = vector.shape_cast %swap3A_732 : vector<1x16xf32> to vector<16xf32>
      %swap3A_734 = vector.shape_cast %add3A_729 : vector<16xf32> to vector<1x16xf32>
      tpu.vector_store %arg12[%swap3A_730, %swap3A_731], %swap3A_734 {strides = array<i32>} : memref<64x768xf32, #tpu.memory_space<vmem>>, vector<1x16xf32>,
      %get3A_735 = arith.index_cast %scan3A_114 : i32 to index
      %get3A_736 = arith.constant 352 : index
      %get3A_737 = tpu.vector_load %arg12[%get3A_735, %get3A_736] {strides = array<i32>} : memref<64x768xf32, #tpu.memory_space<vmem>>, vector<1x16xf32>,
      %get3A_738 = vector.shape_cast %get3A_737 : vector<1x16xf32> to vector<16xf32>
      %get3A_739 = arith.index_cast %scan3A_114 : i32 to index
      %get3A_740 = arith.constant 352 : index
      %get3A_741 = tpu.vector_load %arg13[%get3A_739, %get3A_740] {strides = array<i32>} : memref<64x768xf32, #tpu.memory_space<vmem>>, vector<1x16xf32>,
      %get3A_742 = vector.shape_cast %get3A_741 : vector<1x16xf32> to vector<16xf32>
      %eq3A_743 = arith.constant 0.000000e+00 : f32
      %eq3A_744 = vector.broadcast %eq3A_743 : f32 to vector<16xf32>
      %eq3A_745 = arith.cmpf oeq, %get3A_159, %eq3A_744 : vector<16xf32>
      %mul3A_746 = arith.mulf %get3A_738, %get3A_159 : vector<16xf32>
      %select_n3A_747 = arith.select %eq3A_745, %broadcast_in_dim3A_206, %mul3A_746 : vector<16xi1>, vector<16xf32>
      %eq3A_748 = arith.constant 0.000000e+00 : f32
      %eq3A_749 = vector.broadcast %eq3A_748 : f32 to vector<16xf32>
      %eq3A_750 = arith.cmpf oeq, %get3A_205, %eq3A_749 : vector<16xf32>
      %mul3A_751 = arith.mulf %get3A_742, %get3A_205 : vector<16xf32>
      %select_n3A_752 = arith.select %eq3A_750, %broadcast_in_dim3A_206, %mul3A_751 : vector<16xi1>, vector<16xf32>
      %add3A_753 = arith.addf %select_n3A_747, %select_n3A_752 : vector<16xf32>
      %swap3A_754 = arith.index_cast %scan3A_114 : i32 to index
      %swap3A_755 = arith.constant 352 : index
      %swap3A_756 = tpu.vector_load %arg12[%swap3A_754, %swap3A_755] {strides = array<i32>} : memref<64x768xf32, #tpu.memory_space<vmem>>, vector<1x16xf32>,
      %swap3A_757 = vector.shape_cast %swap3A_756 : vector<1x16xf32> to vector<16xf32>
      %swap3A_758 = vector.shape_cast %add3A_753 : vector<16xf32> to vector<1x16xf32>
      tpu.vector_store %arg12[%swap3A_754, %swap3A_755], %swap3A_758 {strides = array<i32>} : memref<64x768xf32, #tpu.memory_space<vmem>>, vector<1x16xf32>,
      %get3A_759 = arith.index_cast %scan3A_114 : i32 to index
      %get3A_760 = arith.constant 368 : index
      %get3A_761 = tpu.vector_load %arg12[%get3A_759, %get3A_760] {strides = array<i32>} : memref<64x768xf32, #tpu.memory_space<vmem>>, vector<1x16xf32>,
      %get3A_762 = vector.shape_cast %get3A_761 : vector<1x16xf32> to vector<16xf32>
      %get3A_763 = arith.index_cast %scan3A_114 : i32 to index
      %get3A_764 = arith.constant 368 : index
      %get3A_765 = tpu.vector_load %arg13[%get3A_763, %get3A_764] {strides = array<i32>} : memref<64x768xf32, #tpu.memory_space<vmem>>, vector<1x16xf32>,
      %get3A_766 = vector.shape_cast %get3A_765 : vector<1x16xf32> to vector<16xf32>
      %eq3A_767 = arith.constant 0.000000e+00 : f32
      %eq3A_768 = vector.broadcast %eq3A_767 : f32 to vector<16xf32>
      %eq3A_769 = arith.cmpf oeq, %get3A_159, %eq3A_768 : vector<16xf32>
      %mul3A_770 = arith.mulf %get3A_762, %get3A_159 : vector<16xf32>
      %select_n3A_771 = arith.select %eq3A_769, %broadcast_in_dim3A_206, %mul3A_770 : vector<16xi1>, vector<16xf32>
      %eq3A_772 = arith.constant 0.000000e+00 : f32
      %eq3A_773 = vector.broadcast %eq3A_772 : f32 to vector<16xf32>
      %eq3A_774 = arith.cmpf oeq, %get3A_205, %eq3A_773 : vector<16xf32>
      %mul3A_775 = arith.mulf %get3A_766, %get3A_205 : vector<16xf32>
      %select_n3A_776 = arith.select %eq3A_774, %broadcast_in_dim3A_206, %mul3A_775 : vector<16xi1>, vector<16xf32>
      %add3A_777 = arith.addf %select_n3A_771, %select_n3A_776 : vector<16xf32>
      %swap3A_778 = arith.index_cast %scan3A_114 : i32 to index
      %swap3A_779 = arith.constant 368 : index
      %swap3A_780 = tpu.vector_load %arg12[%swap3A_778, %swap3A_779] {strides = array<i32>} : memref<64x768xf32, #tpu.memory_space<vmem>>, vector<1x16xf32>,
      %swap3A_781 = vector.shape_cast %swap3A_780 : vector<1x16xf32> to vector<16xf32>
      %swap3A_782 = vector.shape_cast %add3A_777 : vector<16xf32> to vector<1x16xf32>
      tpu.vector_store %arg12[%swap3A_778, %swap3A_779], %swap3A_782 {strides = array<i32>} : memref<64x768xf32, #tpu.memory_space<vmem>>, vector<1x16xf32>,
      %get3A_783 = arith.index_cast %scan3A_114 : i32 to index
      %get3A_784 = arith.constant 384 : index
      %get3A_785 = tpu.vector_load %arg12[%get3A_783, %get3A_784] {strides = array<i32>} : memref<64x768xf32, #tpu.memory_space<vmem>>, vector<1x16xf32>,
      %get3A_786 = vector.shape_cast %get3A_785 : vector<1x16xf32> to vector<16xf32>
      %get3A_787 = arith.index_cast %scan3A_114 : i32 to index
      %get3A_788 = arith.constant 384 : index
      %get3A_789 = tpu.vector_load %arg13[%get3A_787, %get3A_788] {strides = array<i32>} : memref<64x768xf32, #tpu.memory_space<vmem>>, vector<1x16xf32>,
      %get3A_790 = vector.shape_cast %get3A_789 : vector<1x16xf32> to vector<16xf32>
      %eq3A_791 = arith.constant 0.000000e+00 : f32
      %eq3A_792 = vector.broadcast %eq3A_791 : f32 to vector<16xf32>
      %eq3A_793 = arith.cmpf oeq, %get3A_159, %eq3A_792 : vector<16xf32>
      %mul3A_794 = arith.mulf %get3A_786, %get3A_159 : vector<16xf32>
      %select_n3A_795 = arith.select %eq3A_793, %broadcast_in_dim3A_206, %mul3A_794 : vector<16xi1>, vector<16xf32>
      %eq3A_796 = arith.constant 0.000000e+00 : f32
      %eq3A_797 = vector.broadcast %eq3A_796 : f32 to vector<16xf32>
      %eq3A_798 = arith.cmpf oeq, %get3A_205, %eq3A_797 : vector<16xf32>
      %mul3A_799 = arith.mulf %get3A_790, %get3A_205 : vector<16xf32>
      %select_n3A_800 = arith.select %eq3A_798, %broadcast_in_dim3A_206, %mul3A_799 : vector<16xi1>, vector<16xf32>
      %add3A_801 = arith.addf %select_n3A_795, %select_n3A_800 : vector<16xf32>
      %swap3A_802 = arith.index_cast %scan3A_114 : i32 to index
      %swap3A_803 = arith.constant 384 : index
      %swap3A_804 = tpu.vector_load %arg12[%swap3A_802, %swap3A_803] {strides = array<i32>} : memref<64x768xf32, #tpu.memory_space<vmem>>, vector<1x16xf32>,
      %swap3A_805 = vector.shape_cast %swap3A_804 : vector<1x16xf32> to vector<16xf32>
      %swap3A_806 = vector.shape_cast %add3A_801 : vector<16xf32> to vector<1x16xf32>
      tpu.vector_store %arg12[%swap3A_802, %swap3A_803], %swap3A_806 {strides = array<i32>} : memref<64x768xf32, #tpu.memory_space<vmem>>, vector<1x16xf32>,
      %get3A_807 = arith.index_cast %scan3A_114 : i32 to index
      %get3A_808 = arith.constant 400 : index
      %get3A_809 = tpu.vector_load %arg12[%get3A_807, %get3A_808] {strides = array<i32>} : memref<64x768xf32, #tpu.memory_space<vmem>>, vector<1x16xf32>,
      %get3A_810 = vector.shape_cast %get3A_809 : vector<1x16xf32> to vector<16xf32>
      %get3A_811 = arith.index_cast %scan3A_114 : i32 to index
      %get3A_812 = arith.constant 400 : index
      %get3A_813 = tpu.vector_load %arg13[%get3A_811, %get3A_812] {strides = array<i32>} : memref<64x768xf32, #tpu.memory_space<vmem>>, vector<1x16xf32>,
      %get3A_814 = vector.shape_cast %get3A_813 : vector<1x16xf32> to vector<16xf32>
      %eq3A_815 = arith.constant 0.000000e+00 : f32
      %eq3A_816 = vector.broadcast %eq3A_815 : f32 to vector<16xf32>
      %eq3A_817 = arith.cmpf oeq, %get3A_159, %eq3A_816 : vector<16xf32>
      %mul3A_818 = arith.mulf %get3A_810, %get3A_159 : vector<16xf32>
      %select_n3A_819 = arith.select %eq3A_817, %broadcast_in_dim3A_206, %mul3A_818 : vector<16xi1>, vector<16xf32>
      %eq3A_820 = arith.constant 0.000000e+00 : f32
      %eq3A_821 = vector.broadcast %eq3A_820 : f32 to vector<16xf32>
      %eq3A_822 = arith.cmpf oeq, %get3A_205, %eq3A_821 : vector<16xf32>
      %mul3A_823 = arith.mulf %get3A_814, %get3A_205 : vector<16xf32>
      %select_n3A_824 = arith.select %eq3A_822, %broadcast_in_dim3A_206, %mul3A_823 : vector<16xi1>, vector<16xf32>
      %add3A_825 = arith.addf %select_n3A_819, %select_n3A_824 : vector<16xf32>
      %swap3A_826 = arith.index_cast %scan3A_114 : i32 to index
      %swap3A_827 = arith.constant 400 : index
      %swap3A_828 = tpu.vector_load %arg12[%swap3A_826, %swap3A_827] {strides = array<i32>} : memref<64x768xf32, #tpu.memory_space<vmem>>, vector<1x16xf32>,
      %swap3A_829 = vector.shape_cast %swap3A_828 : vector<1x16xf32> to vector<16xf32>
      %swap3A_830 = vector.shape_cast %add3A_825 : vector<16xf32> to vector<1x16xf32>
      tpu.vector_store %arg12[%swap3A_826, %swap3A_827], %swap3A_830 {strides = array<i32>} : memref<64x768xf32, #tpu.memory_space<vmem>>, vector<1x16xf32>,
      %get3A_831 = arith.index_cast %scan3A_114 : i32 to index
      %get3A_832 = arith.constant 416 : index
      %get3A_833 = tpu.vector_load %arg12[%get3A_831, %get3A_832] {strides = array<i32>} : memref<64x768xf32, #tpu.memory_space<vmem>>, vector<1x16xf32>,
      %get3A_834 = vector.shape_cast %get3A_833 : vector<1x16xf32> to vector<16xf32>
      %get3A_835 = arith.index_cast %scan3A_114 : i32 to index
      %get3A_836 = arith.constant 416 : index
      %get3A_837 = tpu.vector_load %arg13[%get3A_835, %get3A_836] {strides = array<i32>} : memref<64x768xf32, #tpu.memory_space<vmem>>, vector<1x16xf32>,
      %get3A_838 = vector.shape_cast %get3A_837 : vector<1x16xf32> to vector<16xf32>
      %eq3A_839 = arith.constant 0.000000e+00 : f32
      %eq3A_840 = vector.broadcast %eq3A_839 : f32 to vector<16xf32>
      %eq3A_841 = arith.cmpf oeq, %get3A_159, %eq3A_840 : vector<16xf32>
      %mul3A_842 = arith.mulf %get3A_834, %get3A_159 : vector<16xf32>
      %select_n3A_843 = arith.select %eq3A_841, %broadcast_in_dim3A_206, %mul3A_842 : vector<16xi1>, vector<16xf32>
      %eq3A_844 = arith.constant 0.000000e+00 : f32
      %eq3A_845 = vector.broadcast %eq3A_844 : f32 to vector<16xf32>
      %eq3A_846 = arith.cmpf oeq, %get3A_205, %eq3A_845 : vector<16xf32>
      %mul3A_847 = arith.mulf %get3A_838, %get3A_205 : vector<16xf32>
      %select_n3A_848 = arith.select %eq3A_846, %broadcast_in_dim3A_206, %mul3A_847 : vector<16xi1>, vector<16xf32>
      %add3A_849 = arith.addf %select_n3A_843, %select_n3A_848 : vector<16xf32>
      %swap3A_850 = arith.index_cast %scan3A_114 : i32 to index
      %swap3A_851 = arith.constant 416 : index
      %swap3A_852 = tpu.vector_load %arg12[%swap3A_850, %swap3A_851] {strides = array<i32>} : memref<64x768xf32, #tpu.memory_space<vmem>>, vector<1x16xf32>,
      %swap3A_853 = vector.shape_cast %swap3A_852 : vector<1x16xf32> to vector<16xf32>
      %swap3A_854 = vector.shape_cast %add3A_849 : vector<16xf32> to vector<1x16xf32>
      tpu.vector_store %arg12[%swap3A_850, %swap3A_851], %swap3A_854 {strides = array<i32>} : memref<64x768xf32, #tpu.memory_space<vmem>>, vector<1x16xf32>,
      %get3A_855 = arith.index_cast %scan3A_114 : i32 to index
      %get3A_856 = arith.constant 432 : index
      %get3A_857 = tpu.vector_load %arg12[%get3A_855, %get3A_856] {strides = array<i32>} : memref<64x768xf32, #tpu.memory_space<vmem>>, vector<1x16xf32>,
      %get3A_858 = vector.shape_cast %get3A_857 : vector<1x16xf32> to vector<16xf32>
      %get3A_859 = arith.index_cast %scan3A_114 : i32 to index
      %get3A_860 = arith.constant 432 : index
      %get3A_861 = tpu.vector_load %arg13[%get3A_859, %get3A_860] {strides = array<i32>} : memref<64x768xf32, #tpu.memory_space<vmem>>, vector<1x16xf32>,
      %get3A_862 = vector.shape_cast %get3A_861 : vector<1x16xf32> to vector<16xf32>
      %eq3A_863 = arith.constant 0.000000e+00 : f32
      %eq3A_864 = vector.broadcast %eq3A_863 : f32 to vector<16xf32>
      %eq3A_865 = arith.cmpf oeq, %get3A_159, %eq3A_864 : vector<16xf32>
      %mul3A_866 = arith.mulf %get3A_858, %get3A_159 : vector<16xf32>
      %select_n3A_867 = arith.select %eq3A_865, %broadcast_in_dim3A_206, %mul3A_866 : vector<16xi1>, vector<16xf32>
      %eq3A_868 = arith.constant 0.000000e+00 : f32
      %eq3A_869 = vector.broadcast %eq3A_868 : f32 to vector<16xf32>
      %eq3A_870 = arith.cmpf oeq, %get3A_205, %eq3A_869 : vector<16xf32>
      %mul3A_871 = arith.mulf %get3A_862, %get3A_205 : vector<16xf32>
      %select_n3A_872 = arith.select %eq3A_870, %broadcast_in_dim3A_206, %mul3A_871 : vector<16xi1>, vector<16xf32>
      %add3A_873 = arith.addf %select_n3A_867, %select_n3A_872 : vector<16xf32>
      %swap3A_874 = arith.index_cast %scan3A_114 : i32 to index
      %swap3A_875 = arith.constant 432 : index
      %swap3A_876 = tpu.vector_load %arg12[%swap3A_874, %swap3A_875] {strides = array<i32>} : memref<64x768xf32, #tpu.memory_space<vmem>>, vector<1x16xf32>,
      %swap3A_877 = vector.shape_cast %swap3A_876 : vector<1x16xf32> to vector<16xf32>
      %swap3A_878 = vector.shape_cast %add3A_873 : vector<16xf32> to vector<1x16xf32>
      tpu.vector_store %arg12[%swap3A_874, %swap3A_875], %swap3A_878 {strides = array<i32>} : memref<64x768xf32, #tpu.memory_space<vmem>>, vector<1x16xf32>,
      %get3A_879 = arith.index_cast %scan3A_114 : i32 to index
      %get3A_880 = arith.constant 448 : index
      %get3A_881 = tpu.vector_load %arg12[%get3A_879, %get3A_880] {strides = array<i32>} : memref<64x768xf32, #tpu.memory_space<vmem>>, vector<1x16xf32>,
      %get3A_882 = vector.shape_cast %get3A_881 : vector<1x16xf32> to vector<16xf32>
      %get3A_883 = arith.index_cast %scan3A_114 : i32 to index
      %get3A_884 = arith.constant 448 : index
      %get3A_885 = tpu.vector_load %arg13[%get3A_883, %get3A_884] {strides = array<i32>} : memref<64x768xf32, #tpu.memory_space<vmem>>, vector<1x16xf32>,
      %get3A_886 = vector.shape_cast %get3A_885 : vector<1x16xf32> to vector<16xf32>
      %eq3A_887 = arith.constant 0.000000e+00 : f32
      %eq3A_888 = vector.broadcast %eq3A_887 : f32 to vector<16xf32>
      %eq3A_889 = arith.cmpf oeq, %get3A_159, %eq3A_888 : vector<16xf32>
      %mul3A_890 = arith.mulf %get3A_882, %get3A_159 : vector<16xf32>
      %select_n3A_891 = arith.select %eq3A_889, %broadcast_in_dim3A_206, %mul3A_890 : vector<16xi1>, vector<16xf32>
      %eq3A_892 = arith.constant 0.000000e+00 : f32
      %eq3A_893 = vector.broadcast %eq3A_892 : f32 to vector<16xf32>
      %eq3A_894 = arith.cmpf oeq, %get3A_205, %eq3A_893 : vector<16xf32>
      %mul3A_895 = arith.mulf %get3A_886, %get3A_205 : vector<16xf32>
      %select_n3A_896 = arith.select %eq3A_894, %broadcast_in_dim3A_206, %mul3A_895 : vector<16xi1>, vector<16xf32>
      %add3A_897 = arith.addf %select_n3A_891, %select_n3A_896 : vector<16xf32>
      %swap3A_898 = arith.index_cast %scan3A_114 : i32 to index
      %swap3A_899 = arith.constant 448 : index
      %swap3A_900 = tpu.vector_load %arg12[%swap3A_898, %swap3A_899] {strides = array<i32>} : memref<64x768xf32, #tpu.memory_space<vmem>>, vector<1x16xf32>,
      %swap3A_901 = vector.shape_cast %swap3A_900 : vector<1x16xf32> to vector<16xf32>
      %swap3A_902 = vector.shape_cast %add3A_897 : vector<16xf32> to vector<1x16xf32>
      tpu.vector_store %arg12[%swap3A_898, %swap3A_899], %swap3A_902 {strides = array<i32>} : memref<64x768xf32, #tpu.memory_space<vmem>>, vector<1x16xf32>,
      %get3A_903 = arith.index_cast %scan3A_114 : i32 to index
      %get3A_904 = arith.constant 464 : index
      %get3A_905 = tpu.vector_load %arg12[%get3A_903, %get3A_904] {strides = array<i32>} : memref<64x768xf32, #tpu.memory_space<vmem>>, vector<1x16xf32>,
      %get3A_906 = vector.shape_cast %get3A_905 : vector<1x16xf32> to vector<16xf32>
      %get3A_907 = arith.index_cast %scan3A_114 : i32 to index
      %get3A_908 = arith.constant 464 : index
      %get3A_909 = tpu.vector_load %arg13[%get3A_907, %get3A_908] {strides = array<i32>} : memref<64x768xf32, #tpu.memory_space<vmem>>, vector<1x16xf32>,
      %get3A_910 = vector.shape_cast %get3A_909 : vector<1x16xf32> to vector<16xf32>
      %eq3A_911 = arith.constant 0.000000e+00 : f32
      %eq3A_912 = vector.broadcast %eq3A_911 : f32 to vector<16xf32>
      %eq3A_913 = arith.cmpf oeq, %get3A_159, %eq3A_912 : vector<16xf32>
      %mul3A_914 = arith.mulf %get3A_906, %get3A_159 : vector<16xf32>
      %select_n3A_915 = arith.select %eq3A_913, %broadcast_in_dim3A_206, %mul3A_914 : vector<16xi1>, vector<16xf32>
      %eq3A_916 = arith.constant 0.000000e+00 : f32
      %eq3A_917 = vector.broadcast %eq3A_916 : f32 to vector<16xf32>
      %eq3A_918 = arith.cmpf oeq, %get3A_205, %eq3A_917 : vector<16xf32>
      %mul3A_919 = arith.mulf %get3A_910, %get3A_205 : vector<16xf32>
      %select_n3A_920 = arith.select %eq3A_918, %broadcast_in_dim3A_206, %mul3A_919 : vector<16xi1>, vector<16xf32>
      %add3A_921 = arith.addf %select_n3A_915, %select_n3A_920 : vector<16xf32>
      %swap3A_922 = arith.index_cast %scan3A_114 : i32 to index
      %swap3A_923 = arith.constant 464 : index
      %swap3A_924 = tpu.vector_load %arg12[%swap3A_922, %swap3A_923] {strides = array<i32>} : memref<64x768xf32, #tpu.memory_space<vmem>>, vector<1x16xf32>,
      %swap3A_925 = vector.shape_cast %swap3A_924 : vector<1x16xf32> to vector<16xf32>
      %swap3A_926 = vector.shape_cast %add3A_921 : vector<16xf32> to vector<1x16xf32>
      tpu.vector_store %arg12[%swap3A_922, %swap3A_923], %swap3A_926 {strides = array<i32>} : memref<64x768xf32, #tpu.memory_space<vmem>>, vector<1x16xf32>,
      %get3A_927 = arith.index_cast %scan3A_114 : i32 to index
      %get3A_928 = arith.constant 480 : index
      %get3A_929 = tpu.vector_load %arg12[%get3A_927, %get3A_928] {strides = array<i32>} : memref<64x768xf32, #tpu.memory_space<vmem>>, vector<1x16xf32>,
      %get3A_930 = vector.shape_cast %get3A_929 : vector<1x16xf32> to vector<16xf32>
      %get3A_931 = arith.index_cast %scan3A_114 : i32 to index
      %get3A_932 = arith.constant 480 : index
      %get3A_933 = tpu.vector_load %arg13[%get3A_931, %get3A_932] {strides = array<i32>} : memref<64x768xf32, #tpu.memory_space<vmem>>, vector<1x16xf32>,
      %get3A_934 = vector.shape_cast %get3A_933 : vector<1x16xf32> to vector<16xf32>
      %eq3A_935 = arith.constant 0.000000e+00 : f32
      %eq3A_936 = vector.broadcast %eq3A_935 : f32 to vector<16xf32>
      %eq3A_937 = arith.cmpf oeq, %get3A_159, %eq3A_936 : vector<16xf32>
      %mul3A_938 = arith.mulf %get3A_930, %get3A_159 : vector<16xf32>
      %select_n3A_939 = arith.select %eq3A_937, %broadcast_in_dim3A_206, %mul3A_938 : vector<16xi1>, vector<16xf32>
      %eq3A_940 = arith.constant 0.000000e+00 : f32
      %eq3A_941 = vector.broadcast %eq3A_940 : f32 to vector<16xf32>
      %eq3A_942 = arith.cmpf oeq, %get3A_205, %eq3A_941 : vector<16xf32>
      %mul3A_943 = arith.mulf %get3A_934, %get3A_205 : vector<16xf32>
      %select_n3A_944 = arith.select %eq3A_942, %broadcast_in_dim3A_206, %mul3A_943 : vector<16xi1>, vector<16xf32>
      %add3A_945 = arith.addf %select_n3A_939, %select_n3A_944 : vector<16xf32>
      %swap3A_946 = arith.index_cast %scan3A_114 : i32 to index
      %swap3A_947 = arith.constant 480 : index
      %swap3A_948 = tpu.vector_load %arg12[%swap3A_946, %swap3A_947] {strides = array<i32>} : memref<64x768xf32, #tpu.memory_space<vmem>>, vector<1x16xf32>,
      %swap3A_949 = vector.shape_cast %swap3A_948 : vector<1x16xf32> to vector<16xf32>
      %swap3A_950 = vector.shape_cast %add3A_945 : vector<16xf32> to vector<1x16xf32>
      tpu.vector_store %arg12[%swap3A_946, %swap3A_947], %swap3A_950 {strides = array<i32>} : memref<64x768xf32, #tpu.memory_space<vmem>>, vector<1x16xf32>,
      %get3A_951 = arith.index_cast %scan3A_114 : i32 to index
      %get3A_952 = arith.constant 496 : index
      %get3A_953 = tpu.vector_load %arg12[%get3A_951, %get3A_952] {strides = array<i32>} : memref<64x768xf32, #tpu.memory_space<vmem>>, vector<1x16xf32>,
      %get3A_954 = vector.shape_cast %get3A_953 : vector<1x16xf32> to vector<16xf32>
      %get3A_955 = arith.index_cast %scan3A_114 : i32 to index
      %get3A_956 = arith.constant 496 : index
      %get3A_957 = tpu.vector_load %arg13[%get3A_955, %get3A_956] {strides = array<i32>} : memref<64x768xf32, #tpu.memory_space<vmem>>, vector<1x16xf32>,
      %get3A_958 = vector.shape_cast %get3A_957 : vector<1x16xf32> to vector<16xf32>
      %eq3A_959 = arith.constant 0.000000e+00 : f32
      %eq3A_960 = vector.broadcast %eq3A_959 : f32 to vector<16xf32>
      %eq3A_961 = arith.cmpf oeq, %get3A_159, %eq3A_960 : vector<16xf32>
      %mul3A_962 = arith.mulf %get3A_954, %get3A_159 : vector<16xf32>
      %select_n3A_963 = arith.select %eq3A_961, %broadcast_in_dim3A_206, %mul3A_962 : vector<16xi1>, vector<16xf32>
      %eq3A_964 = arith.constant 0.000000e+00 : f32
      %eq3A_965 = vector.broadcast %eq3A_964 : f32 to vector<16xf32>
      %eq3A_966 = arith.cmpf oeq, %get3A_205, %eq3A_965 : vector<16xf32>
      %mul3A_967 = arith.mulf %get3A_958, %get3A_205 : vector<16xf32>
      %select_n3A_968 = arith.select %eq3A_966, %broadcast_in_dim3A_206, %mul3A_967 : vector<16xi1>, vector<16xf32>
      %add3A_969 = arith.addf %select_n3A_963, %select_n3A_968 : vector<16xf32>
      %swap3A_970 = arith.index_cast %scan3A_114 : i32 to index
      %swap3A_971 = arith.constant 496 : index
      %swap3A_972 = tpu.vector_load %arg12[%swap3A_970, %swap3A_971] {strides = array<i32>} : memref<64x768xf32, #tpu.memory_space<vmem>>, vector<1x16xf32>,
      %swap3A_973 = vector.shape_cast %swap3A_972 : vector<1x16xf32> to vector<16xf32>
      %swap3A_974 = vector.shape_cast %add3A_969 : vector<16xf32> to vector<1x16xf32>
      tpu.vector_store %arg12[%swap3A_970, %swap3A_971], %swap3A_974 {strides = array<i32>} : memref<64x768xf32, #tpu.memory_space<vmem>>, vector<1x16xf32>,
      %get3A_975 = arith.index_cast %scan3A_114 : i32 to index
      %get3A_976 = arith.constant 512 : index
      %get3A_977 = tpu.vector_load %arg12[%get3A_975, %get3A_976] {strides = array<i32>} : memref<64x768xf32, #tpu.memory_space<vmem>>, vector<1x16xf32>,
      %get3A_978 = vector.shape_cast %get3A_977 : vector<1x16xf32> to vector<16xf32>
      %get3A_979 = arith.index_cast %scan3A_114 : i32 to index
      %get3A_980 = arith.constant 512 : index
      %get3A_981 = tpu.vector_load %arg13[%get3A_979, %get3A_980] {strides = array<i32>} : memref<64x768xf32, #tpu.memory_space<vmem>>, vector<1x16xf32>,
      %get3A_982 = vector.shape_cast %get3A_981 : vector<1x16xf32> to vector<16xf32>
      %eq3A_983 = arith.constant 0.000000e+00 : f32
      %eq3A_984 = vector.broadcast %eq3A_983 : f32 to vector<16xf32>
      %eq3A_985 = arith.cmpf oeq, %get3A_159, %eq3A_984 : vector<16xf32>
      %mul3A_986 = arith.mulf %get3A_978, %get3A_159 : vector<16xf32>
      %select_n3A_987 = arith.select %eq3A_985, %broadcast_in_dim3A_206, %mul3A_986 : vector<16xi1>, vector<16xf32>
      %eq3A_988 = arith.constant 0.000000e+00 : f32
      %eq3A_989 = vector.broadcast %eq3A_988 : f32 to vector<16xf32>
      %eq3A_990 = arith.cmpf oeq, %get3A_205, %eq3A_989 : vector<16xf32>
      %mul3A_991 = arith.mulf %get3A_982, %get3A_205 : vector<16xf32>
      %select_n3A_992 = arith.select %eq3A_990, %broadcast_in_dim3A_206, %mul3A_991 : vector<16xi1>, vector<16xf32>
      %add3A_993 = arith.addf %select_n3A_987, %select_n3A_992 : vector<16xf32>
      %swap3A_994 = arith.index_cast %scan3A_114 : i32 to index
      %swap3A_995 = arith.constant 512 : index
      %swap3A_996 = tpu.vector_load %arg12[%swap3A_994, %swap3A_995] {strides = array<i32>} : memref<64x768xf32, #tpu.memory_space<vmem>>, vector<1x16xf32>,
      %swap3A_997 = vector.shape_cast %swap3A_996 : vector<1x16xf32> to vector<16xf32>
      %swap3A_998 = vector.shape_cast %add3A_993 : vector<16xf32> to vector<1x16xf32>
      tpu.vector_store %arg12[%swap3A_994, %swap3A_995], %swap3A_998 {strides = array<i32>} : memref<64x768xf32, #tpu.memory_space<vmem>>, vector<1x16xf32>,
      %get3A_999 = arith.index_cast %scan3A_114 : i32 to index
      %get3A_1000 = arith.constant 528 : index
      %get3A_1001 = tpu.vector_load %arg12[%get3A_999, %get3A_1000] {strides = array<i32>} : memref<64x768xf32, #tpu.memory_space<vmem>>, vector<1x16xf32>,
      %get3A_1002 = vector.shape_cast %get3A_1001 : vector<1x16xf32> to vector<16xf32>
      %get3A_1003 = arith.index_cast %scan3A_114 : i32 to index
      %get3A_1004 = arith.constant 528 : index
      %get3A_1005 = tpu.vector_load %arg13[%get3A_1003, %get3A_1004] {strides = array<i32>} : memref<64x768xf32, #tpu.memory_space<vmem>>, vector<1x16xf32>,
      %get3A_1006 = vector.shape_cast %get3A_1005 : vector<1x16xf32> to vector<16xf32>
      %eq3A_1007 = arith.constant 0.000000e+00 : f32
      %eq3A_1008 = vector.broadcast %eq3A_1007 : f32 to vector<16xf32>
      %eq3A_1009 = arith.cmpf oeq, %get3A_159, %eq3A_1008 : vector<16xf32>
      %mul3A_1010 = arith.mulf %get3A_1002, %get3A_159 : vector<16xf32>
      %select_n3A_1011 = arith.select %eq3A_1009, %broadcast_in_dim3A_206, %mul3A_1010 : vector<16xi1>, vector<16xf32>
      %eq3A_1012 = arith.constant 0.000000e+00 : f32
      %eq3A_1013 = vector.broadcast %eq3A_1012 : f32 to vector<16xf32>
      %eq3A_1014 = arith.cmpf oeq, %get3A_205, %eq3A_1013 : vector<16xf32>
      %mul3A_1015 = arith.mulf %get3A_1006, %get3A_205 : vector<16xf32>
      %select_n3A_1016 = arith.select %eq3A_1014, %broadcast_in_dim3A_206, %mul3A_1015 : vector<16xi1>, vector<16xf32>
      %add3A_1017 = arith.addf %select_n3A_1011, %select_n3A_1016 : vector<16xf32>
      %swap3A_1018 = arith.index_cast %scan3A_114 : i32 to index
      %swap3A_1019 = arith.constant 528 : index
      %swap3A_1020 = tpu.vector_load %arg12[%swap3A_1018, %swap3A_1019] {strides = array<i32>} : memref<64x768xf32, #tpu.memory_space<vmem>>, vector<1x16xf32>,
      %swap3A_1021 = vector.shape_cast %swap3A_1020 : vector<1x16xf32> to vector<16xf32>
      %swap3A_1022 = vector.shape_cast %add3A_1017 : vector<16xf32> to vector<1x16xf32>
      tpu.vector_store %arg12[%swap3A_1018, %swap3A_1019], %swap3A_1022 {strides = array<i32>} : memref<64x768xf32, #tpu.memory_space<vmem>>, vector<1x16xf32>,
      %get3A_1023 = arith.index_cast %scan3A_114 : i32 to index
      %get3A_1024 = arith.constant 544 : index
      %get3A_1025 = tpu.vector_load %arg12[%get3A_1023, %get3A_1024] {strides = array<i32>} : memref<64x768xf32, #tpu.memory_space<vmem>>, vector<1x16xf32>,
      %get3A_1026 = vector.shape_cast %get3A_1025 : vector<1x16xf32> to vector<16xf32>
      %get3A_1027 = arith.index_cast %scan3A_114 : i32 to index
      %get3A_1028 = arith.constant 544 : index
      %get3A_1029 = tpu.vector_load %arg13[%get3A_1027, %get3A_1028] {strides = array<i32>} : memref<64x768xf32, #tpu.memory_space<vmem>>, vector<1x16xf32>,
      %get3A_1030 = vector.shape_cast %get3A_1029 : vector<1x16xf32> to vector<16xf32>
      %eq3A_1031 = arith.constant 0.000000e+00 : f32
      %eq3A_1032 = vector.broadcast %eq3A_1031 : f32 to vector<16xf32>
      %eq3A_1033 = arith.cmpf oeq, %get3A_159, %eq3A_1032 : vector<16xf32>
      %mul3A_1034 = arith.mulf %get3A_1026, %get3A_159 : vector<16xf32>
      %select_n3A_1035 = arith.select %eq3A_1033, %broadcast_in_dim3A_206, %mul3A_1034 : vector<16xi1>, vector<16xf32>
      %eq3A_1036 = arith.constant 0.000000e+00 : f32
      %eq3A_1037 = vector.broadcast %eq3A_1036 : f32 to vector<16xf32>
      %eq3A_1038 = arith.cmpf oeq, %get3A_205, %eq3A_1037 : vector<16xf32>
      %mul3A_1039 = arith.mulf %get3A_1030, %get3A_205 : vector<16xf32>
      %select_n3A_1040 = arith.select %eq3A_1038, %broadcast_in_dim3A_206, %mul3A_1039 : vector<16xi1>, vector<16xf32>
      %add3A_1041 = arith.addf %select_n3A_1035, %select_n3A_1040 : vector<16xf32>
      %swap3A_1042 = arith.index_cast %scan3A_114 : i32 to index
      %swap3A_1043 = arith.constant 544 : index
      %swap3A_1044 = tpu.vector_load %arg12[%swap3A_1042, %swap3A_1043] {strides = array<i32>} : memref<64x768xf32, #tpu.memory_space<vmem>>, vector<1x16xf32>,
      %swap3A_1045 = vector.shape_cast %swap3A_1044 : vector<1x16xf32> to vector<16xf32>
      %swap3A_1046 = vector.shape_cast %add3A_1041 : vector<16xf32> to vector<1x16xf32>
      tpu.vector_store %arg12[%swap3A_1042, %swap3A_1043], %swap3A_1046 {strides = array<i32>} : memref<64x768xf32, #tpu.memory_space<vmem>>, vector<1x16xf32>,
      %get3A_1047 = arith.index_cast %scan3A_114 : i32 to index
      %get3A_1048 = arith.constant 560 : index
      %get3A_1049 = tpu.vector_load %arg12[%get3A_1047, %get3A_1048] {strides = array<i32>} : memref<64x768xf32, #tpu.memory_space<vmem>>, vector<1x16xf32>,
      %get3A_1050 = vector.shape_cast %get3A_1049 : vector<1x16xf32> to vector<16xf32>
      %get3A_1051 = arith.index_cast %scan3A_114 : i32 to index
      %get3A_1052 = arith.constant 560 : index
      %get3A_1053 = tpu.vector_load %arg13[%get3A_1051, %get3A_1052] {strides = array<i32>} : memref<64x768xf32, #tpu.memory_space<vmem>>, vector<1x16xf32>,
      %get3A_1054 = vector.shape_cast %get3A_1053 : vector<1x16xf32> to vector<16xf32>
      %eq3A_1055 = arith.constant 0.000000e+00 : f32
      %eq3A_1056 = vector.broadcast %eq3A_1055 : f32 to vector<16xf32>
      %eq3A_1057 = arith.cmpf oeq, %get3A_159, %eq3A_1056 : vector<16xf32>
      %mul3A_1058 = arith.mulf %get3A_1050, %get3A_159 : vector<16xf32>
      %select_n3A_1059 = arith.select %eq3A_1057, %broadcast_in_dim3A_206, %mul3A_1058 : vector<16xi1>, vector<16xf32>
      %eq3A_1060 = arith.constant 0.000000e+00 : f32
      %eq3A_1061 = vector.broadcast %eq3A_1060 : f32 to vector<16xf32>
      %eq3A_1062 = arith.cmpf oeq, %get3A_205, %eq3A_1061 : vector<16xf32>
      %mul3A_1063 = arith.mulf %get3A_1054, %get3A_205 : vector<16xf32>
      %select_n3A_1064 = arith.select %eq3A_1062, %broadcast_in_dim3A_206, %mul3A_1063 : vector<16xi1>, vector<16xf32>
      %add3A_1065 = arith.addf %select_n3A_1059, %select_n3A_1064 : vector<16xf32>
      %swap3A_1066 = arith.index_cast %scan3A_114 : i32 to index
      %swap3A_1067 = arith.constant 560 : index
      %swap3A_1068 = tpu.vector_load %arg12[%swap3A_1066, %swap3A_1067] {strides = array<i32>} : memref<64x768xf32, #tpu.memory_space<vmem>>, vector<1x16xf32>,
      %swap3A_1069 = vector.shape_cast %swap3A_1068 : vector<1x16xf32> to vector<16xf32>
      %swap3A_1070 = vector.shape_cast %add3A_1065 : vector<16xf32> to vector<1x16xf32>
      tpu.vector_store %arg12[%swap3A_1066, %swap3A_1067], %swap3A_1070 {strides = array<i32>} : memref<64x768xf32, #tpu.memory_space<vmem>>, vector<1x16xf32>,
      %get3A_1071 = arith.index_cast %scan3A_114 : i32 to index
      %get3A_1072 = arith.constant 576 : index
      %get3A_1073 = tpu.vector_load %arg12[%get3A_1071, %get3A_1072] {strides = array<i32>} : memref<64x768xf32, #tpu.memory_space<vmem>>, vector<1x16xf32>,
      %get3A_1074 = vector.shape_cast %get3A_1073 : vector<1x16xf32> to vector<16xf32>
      %get3A_1075 = arith.index_cast %scan3A_114 : i32 to index
      %get3A_1076 = arith.constant 576 : index
      %get3A_1077 = tpu.vector_load %arg13[%get3A_1075, %get3A_1076] {strides = array<i32>} : memref<64x768xf32, #tpu.memory_space<vmem>>, vector<1x16xf32>,
      %get3A_1078 = vector.shape_cast %get3A_1077 : vector<1x16xf32> to vector<16xf32>
      %eq3A_1079 = arith.constant 0.000000e+00 : f32
      %eq3A_1080 = vector.broadcast %eq3A_1079 : f32 to vector<16xf32>
      %eq3A_1081 = arith.cmpf oeq, %get3A_159, %eq3A_1080 : vector<16xf32>
      %mul3A_1082 = arith.mulf %get3A_1074, %get3A_159 : vector<16xf32>
      %select_n3A_1083 = arith.select %eq3A_1081, %broadcast_in_dim3A_206, %mul3A_1082 : vector<16xi1>, vector<16xf32>
      %eq3A_1084 = arith.constant 0.000000e+00 : f32
      %eq3A_1085 = vector.broadcast %eq3A_1084 : f32 to vector<16xf32>
      %eq3A_1086 = arith.cmpf oeq, %get3A_205, %eq3A_1085 : vector<16xf32>
      %mul3A_1087 = arith.mulf %get3A_1078, %get3A_205 : vector<16xf32>
      %select_n3A_1088 = arith.select %eq3A_1086, %broadcast_in_dim3A_206, %mul3A_1087 : vector<16xi1>, vector<16xf32>
      %add3A_1089 = arith.addf %select_n3A_1083, %select_n3A_1088 : vector<16xf32>
      %swap3A_1090 = arith.index_cast %scan3A_114 : i32 to index
      %swap3A_1091 = arith.constant 576 : index
      %swap3A_1092 = tpu.vector_load %arg12[%swap3A_1090, %swap3A_1091] {strides = array<i32>} : memref<64x768xf32, #tpu.memory_space<vmem>>, vector<1x16xf32>,
      %swap3A_1093 = vector.shape_cast %swap3A_1092 : vector<1x16xf32> to vector<16xf32>
      %swap3A_1094 = vector.shape_cast %add3A_1089 : vector<16xf32> to vector<1x16xf32>
      tpu.vector_store %arg12[%swap3A_1090, %swap3A_1091], %swap3A_1094 {strides = array<i32>} : memref<64x768xf32, #tpu.memory_space<vmem>>, vector<1x16xf32>,
      %get3A_1095 = arith.index_cast %scan3A_114 : i32 to index
      %get3A_1096 = arith.constant 592 : index
      %get3A_1097 = tpu.vector_load %arg12[%get3A_1095, %get3A_1096] {strides = array<i32>} : memref<64x768xf32, #tpu.memory_space<vmem>>, vector<1x16xf32>,
      %get3A_1098 = vector.shape_cast %get3A_1097 : vector<1x16xf32> to vector<16xf32>
      %get3A_1099 = arith.index_cast %scan3A_114 : i32 to index
      %get3A_1100 = arith.constant 592 : index
      %get3A_1101 = tpu.vector_load %arg13[%get3A_1099, %get3A_1100] {strides = array<i32>} : memref<64x768xf32, #tpu.memory_space<vmem>>, vector<1x16xf32>,
      %get3A_1102 = vector.shape_cast %get3A_1101 : vector<1x16xf32> to vector<16xf32>
      %eq3A_1103 = arith.constant 0.000000e+00 : f32
      %eq3A_1104 = vector.broadcast %eq3A_1103 : f32 to vector<16xf32>
      %eq3A_1105 = arith.cmpf oeq, %get3A_159, %eq3A_1104 : vector<16xf32>
      %mul3A_1106 = arith.mulf %get3A_1098, %get3A_159 : vector<16xf32>
      %select_n3A_1107 = arith.select %eq3A_1105, %broadcast_in_dim3A_206, %mul3A_1106 : vector<16xi1>, vector<16xf32>
      %eq3A_1108 = arith.constant 0.000000e+00 : f32
      %eq3A_1109 = vector.broadcast %eq3A_1108 : f32 to vector<16xf32>
      %eq3A_1110 = arith.cmpf oeq, %get3A_205, %eq3A_1109 : vector<16xf32>
      %mul3A_1111 = arith.mulf %get3A_1102, %get3A_205 : vector<16xf32>
      %select_n3A_1112 = arith.select %eq3A_1110, %broadcast_in_dim3A_206, %mul3A_1111 : vector<16xi1>, vector<16xf32>
      %add3A_1113 = arith.addf %select_n3A_1107, %select_n3A_1112 : vector<16xf32>
      %swap3A_1114 = arith.index_cast %scan3A_114 : i32 to index
      %swap3A_1115 = arith.constant 592 : index
      %swap3A_1116 = tpu.vector_load %arg12[%swap3A_1114, %swap3A_1115] {strides = array<i32>} : memref<64x768xf32, #tpu.memory_space<vmem>>, vector<1x16xf32>,
      %swap3A_1117 = vector.shape_cast %swap3A_1116 : vector<1x16xf32> to vector<16xf32>
      %swap3A_1118 = vector.shape_cast %add3A_1113 : vector<16xf32> to vector<1x16xf32>
      tpu.vector_store %arg12[%swap3A_1114, %swap3A_1115], %swap3A_1118 {strides = array<i32>} : memref<64x768xf32, #tpu.memory_space<vmem>>, vector<1x16xf32>,
      %get3A_1119 = arith.index_cast %scan3A_114 : i32 to index
      %get3A_1120 = arith.constant 608 : index
      %get3A_1121 = tpu.vector_load %arg12[%get3A_1119, %get3A_1120] {strides = array<i32>} : memref<64x768xf32, #tpu.memory_space<vmem>>, vector<1x16xf32>,
      %get3A_1122 = vector.shape_cast %get3A_1121 : vector<1x16xf32> to vector<16xf32>
      %get3A_1123 = arith.index_cast %scan3A_114 : i32 to index
      %get3A_1124 = arith.constant 608 : index
      %get3A_1125 = tpu.vector_load %arg13[%get3A_1123, %get3A_1124] {strides = array<i32>} : memref<64x768xf32, #tpu.memory_space<vmem>>, vector<1x16xf32>,
      %get3A_1126 = vector.shape_cast %get3A_1125 : vector<1x16xf32> to vector<16xf32>
      %eq3A_1127 = arith.constant 0.000000e+00 : f32
      %eq3A_1128 = vector.broadcast %eq3A_1127 : f32 to vector<16xf32>
      %eq3A_1129 = arith.cmpf oeq, %get3A_159, %eq3A_1128 : vector<16xf32>
      %mul3A_1130 = arith.mulf %get3A_1122, %get3A_159 : vector<16xf32>
      %select_n3A_1131 = arith.select %eq3A_1129, %broadcast_in_dim3A_206, %mul3A_1130 : vector<16xi1>, vector<16xf32>
      %eq3A_1132 = arith.constant 0.000000e+00 : f32
      %eq3A_1133 = vector.broadcast %eq3A_1132 : f32 to vector<16xf32>
      %eq3A_1134 = arith.cmpf oeq, %get3A_205, %eq3A_1133 : vector<16xf32>
      %mul3A_1135 = arith.mulf %get3A_1126, %get3A_205 : vector<16xf32>
      %select_n3A_1136 = arith.select %eq3A_1134, %broadcast_in_dim3A_206, %mul3A_1135 : vector<16xi1>, vector<16xf32>
      %add3A_1137 = arith.addf %select_n3A_1131, %select_n3A_1136 : vector<16xf32>
      %swap3A_1138 = arith.index_cast %scan3A_114 : i32 to index
      %swap3A_1139 = arith.constant 608 : index
      %swap3A_1140 = tpu.vector_load %arg12[%swap3A_1138, %swap3A_1139] {strides = array<i32>} : memref<64x768xf32, #tpu.memory_space<vmem>>, vector<1x16xf32>,
      %swap3A_1141 = vector.shape_cast %swap3A_1140 : vector<1x16xf32> to vector<16xf32>
      %swap3A_1142 = vector.shape_cast %add3A_1137 : vector<16xf32> to vector<1x16xf32>
      tpu.vector_store %arg12[%swap3A_1138, %swap3A_1139], %swap3A_1142 {strides = array<i32>} : memref<64x768xf32, #tpu.memory_space<vmem>>, vector<1x16xf32>,
      %get3A_1143 = arith.index_cast %scan3A_114 : i32 to index
      %get3A_1144 = arith.constant 624 : index
      %get3A_1145 = tpu.vector_load %arg12[%get3A_1143, %get3A_1144] {strides = array<i32>} : memref<64x768xf32, #tpu.memory_space<vmem>>, vector<1x16xf32>,
      %get3A_1146 = vector.shape_cast %get3A_1145 : vector<1x16xf32> to vector<16xf32>
      %get3A_1147 = arith.index_cast %scan3A_114 : i32 to index
      %get3A_1148 = arith.constant 624 : index
      %get3A_1149 = tpu.vector_load %arg13[%get3A_1147, %get3A_1148] {strides = array<i32>} : memref<64x768xf32, #tpu.memory_space<vmem>>, vector<1x16xf32>,
      %get3A_1150 = vector.shape_cast %get3A_1149 : vector<1x16xf32> to vector<16xf32>
      %eq3A_1151 = arith.constant 0.000000e+00 : f32
      %eq3A_1152 = vector.broadcast %eq3A_1151 : f32 to vector<16xf32>
      %eq3A_1153 = arith.cmpf oeq, %get3A_159, %eq3A_1152 : vector<16xf32>
      %mul3A_1154 = arith.mulf %get3A_1146, %get3A_159 : vector<16xf32>
      %select_n3A_1155 = arith.select %eq3A_1153, %broadcast_in_dim3A_206, %mul3A_1154 : vector<16xi1>, vector<16xf32>
      %eq3A_1156 = arith.constant 0.000000e+00 : f32
      %eq3A_1157 = vector.broadcast %eq3A_1156 : f32 to vector<16xf32>
      %eq3A_1158 = arith.cmpf oeq, %get3A_205, %eq3A_1157 : vector<16xf32>
      %mul3A_1159 = arith.mulf %get3A_1150, %get3A_205 : vector<16xf32>
      %select_n3A_1160 = arith.select %eq3A_1158, %broadcast_in_dim3A_206, %mul3A_1159 : vector<16xi1>, vector<16xf32>
      %add3A_1161 = arith.addf %select_n3A_1155, %select_n3A_1160 : vector<16xf32>
      %swap3A_1162 = arith.index_cast %scan3A_114 : i32 to index
      %swap3A_1163 = arith.constant 624 : index
      %swap3A_1164 = tpu.vector_load %arg12[%swap3A_1162, %swap3A_1163] {strides = array<i32>} : memref<64x768xf32, #tpu.memory_space<vmem>>, vector<1x16xf32>,
      %swap3A_1165 = vector.shape_cast %swap3A_1164 : vector<1x16xf32> to vector<16xf32>
      %swap3A_1166 = vector.shape_cast %add3A_1161 : vector<16xf32> to vector<1x16xf32>
      tpu.vector_store %arg12[%swap3A_1162, %swap3A_1163], %swap3A_1166 {strides = array<i32>} : memref<64x768xf32, #tpu.memory_space<vmem>>, vector<1x16xf32>,
      %get3A_1167 = arith.index_cast %scan3A_114 : i32 to index
      %get3A_1168 = arith.constant 640 : index
      %get3A_1169 = tpu.vector_load %arg12[%get3A_1167, %get3A_1168] {strides = array<i32>} : memref<64x768xf32, #tpu.memory_space<vmem>>, vector<1x16xf32>,
      %get3A_1170 = vector.shape_cast %get3A_1169 : vector<1x16xf32> to vector<16xf32>
      %get3A_1171 = arith.index_cast %scan3A_114 : i32 to index
      %get3A_1172 = arith.constant 640 : index
      %get3A_1173 = tpu.vector_load %arg13[%get3A_1171, %get3A_1172] {strides = array<i32>} : memref<64x768xf32, #tpu.memory_space<vmem>>, vector<1x16xf32>,
      %get3A_1174 = vector.shape_cast %get3A_1173 : vector<1x16xf32> to vector<16xf32>
      %eq3A_1175 = arith.constant 0.000000e+00 : f32
      %eq3A_1176 = vector.broadcast %eq3A_1175 : f32 to vector<16xf32>
      %eq3A_1177 = arith.cmpf oeq, %get3A_159, %eq3A_1176 : vector<16xf32>
      %mul3A_1178 = arith.mulf %get3A_1170, %get3A_159 : vector<16xf32>
      %select_n3A_1179 = arith.select %eq3A_1177, %broadcast_in_dim3A_206, %mul3A_1178 : vector<16xi1>, vector<16xf32>
      %eq3A_1180 = arith.constant 0.000000e+00 : f32
      %eq3A_1181 = vector.broadcast %eq3A_1180 : f32 to vector<16xf32>
      %eq3A_1182 = arith.cmpf oeq, %get3A_205, %eq3A_1181 : vector<16xf32>
      %mul3A_1183 = arith.mulf %get3A_1174, %get3A_205 : vector<16xf32>
      %select_n3A_1184 = arith.select %eq3A_1182, %broadcast_in_dim3A_206, %mul3A_1183 : vector<16xi1>, vector<16xf32>
      %add3A_1185 = arith.addf %select_n3A_1179, %select_n3A_1184 : vector<16xf32>
      %swap3A_1186 = arith.index_cast %scan3A_114 : i32 to index
      %swap3A_1187 = arith.constant 640 : index
      %swap3A_1188 = tpu.vector_load %arg12[%swap3A_1186, %swap3A_1187] {strides = array<i32>} : memref<64x768xf32, #tpu.memory_space<vmem>>, vector<1x16xf32>,
      %swap3A_1189 = vector.shape_cast %swap3A_1188 : vector<1x16xf32> to vector<16xf32>
      %swap3A_1190 = vector.shape_cast %add3A_1185 : vector<16xf32> to vector<1x16xf32>
      tpu.vector_store %arg12[%swap3A_1186, %swap3A_1187], %swap3A_1190 {strides = array<i32>} : memref<64x768xf32, #tpu.memory_space<vmem>>, vector<1x16xf32>,
      %get3A_1191 = arith.index_cast %scan3A_114 : i32 to index
      %get3A_1192 = arith.constant 656 : index
      %get3A_1193 = tpu.vector_load %arg12[%get3A_1191, %get3A_1192] {strides = array<i32>} : memref<64x768xf32, #tpu.memory_space<vmem>>, vector<1x16xf32>,
      %get3A_1194 = vector.shape_cast %get3A_1193 : vector<1x16xf32> to vector<16xf32>
      %get3A_1195 = arith.index_cast %scan3A_114 : i32 to index
      %get3A_1196 = arith.constant 656 : index
      %get3A_1197 = tpu.vector_load %arg13[%get3A_1195, %get3A_1196] {strides = array<i32>} : memref<64x768xf32, #tpu.memory_space<vmem>>, vector<1x16xf32>,
      %get3A_1198 = vector.shape_cast %get3A_1197 : vector<1x16xf32> to vector<16xf32>
      %eq3A_1199 = arith.constant 0.000000e+00 : f32
      %eq3A_1200 = vector.broadcast %eq3A_1199 : f32 to vector<16xf32>
      %eq3A_1201 = arith.cmpf oeq, %get3A_159, %eq3A_1200 : vector<16xf32>
      %mul3A_1202 = arith.mulf %get3A_1194, %get3A_159 : vector<16xf32>
      %select_n3A_1203 = arith.select %eq3A_1201, %broadcast_in_dim3A_206, %mul3A_1202 : vector<16xi1>, vector<16xf32>
      %eq3A_1204 = arith.constant 0.000000e+00 : f32
      %eq3A_1205 = vector.broadcast %eq3A_1204 : f32 to vector<16xf32>
      %eq3A_1206 = arith.cmpf oeq, %get3A_205, %eq3A_1205 : vector<16xf32>
      %mul3A_1207 = arith.mulf %get3A_1198, %get3A_205 : vector<16xf32>
      %select_n3A_1208 = arith.select %eq3A_1206, %broadcast_in_dim3A_206, %mul3A_1207 : vector<16xi1>, vector<16xf32>
      %add3A_1209 = arith.addf %select_n3A_1203, %select_n3A_1208 : vector<16xf32>
      %swap3A_1210 = arith.index_cast %scan3A_114 : i32 to index
      %swap3A_1211 = arith.constant 656 : index
      %swap3A_1212 = tpu.vector_load %arg12[%swap3A_1210, %swap3A_1211] {strides = array<i32>} : memref<64x768xf32, #tpu.memory_space<vmem>>, vector<1x16xf32>,
      %swap3A_1213 = vector.shape_cast %swap3A_1212 : vector<1x16xf32> to vector<16xf32>
      %swap3A_1214 = vector.shape_cast %add3A_1209 : vector<16xf32> to vector<1x16xf32>
      tpu.vector_store %arg12[%swap3A_1210, %swap3A_1211], %swap3A_1214 {strides = array<i32>} : memref<64x768xf32, #tpu.memory_space<vmem>>, vector<1x16xf32>,
      %get3A_1215 = arith.index_cast %scan3A_114 : i32 to index
      %get3A_1216 = arith.constant 672 : index
      %get3A_1217 = tpu.vector_load %arg12[%get3A_1215, %get3A_1216] {strides = array<i32>} : memref<64x768xf32, #tpu.memory_space<vmem>>, vector<1x16xf32>,
      %get3A_1218 = vector.shape_cast %get3A_1217 : vector<1x16xf32> to vector<16xf32>
      %get3A_1219 = arith.index_cast %scan3A_114 : i32 to index
      %get3A_1220 = arith.constant 672 : index
      %get3A_1221 = tpu.vector_load %arg13[%get3A_1219, %get3A_1220] {strides = array<i32>} : memref<64x768xf32, #tpu.memory_space<vmem>>, vector<1x16xf32>,
      %get3A_1222 = vector.shape_cast %get3A_1221 : vector<1x16xf32> to vector<16xf32>
      %eq3A_1223 = arith.constant 0.000000e+00 : f32
      %eq3A_1224 = vector.broadcast %eq3A_1223 : f32 to vector<16xf32>
      %eq3A_1225 = arith.cmpf oeq, %get3A_159, %eq3A_1224 : vector<16xf32>
      %mul3A_1226 = arith.mulf %get3A_1218, %get3A_159 : vector<16xf32>
      %select_n3A_1227 = arith.select %eq3A_1225, %broadcast_in_dim3A_206, %mul3A_1226 : vector<16xi1>, vector<16xf32>
      %eq3A_1228 = arith.constant 0.000000e+00 : f32
      %eq3A_1229 = vector.broadcast %eq3A_1228 : f32 to vector<16xf32>
      %eq3A_1230 = arith.cmpf oeq, %get3A_205, %eq3A_1229 : vector<16xf32>
      %mul3A_1231 = arith.mulf %get3A_1222, %get3A_205 : vector<16xf32>
      %select_n3A_1232 = arith.select %eq3A_1230, %broadcast_in_dim3A_206, %mul3A_1231 : vector<16xi1>, vector<16xf32>
      %add3A_1233 = arith.addf %select_n3A_1227, %select_n3A_1232 : vector<16xf32>
      %swap3A_1234 = arith.index_cast %scan3A_114 : i32 to index
      %swap3A_1235 = arith.constant 672 : index
      %swap3A_1236 = tpu.vector_load %arg12[%swap3A_1234, %swap3A_1235] {strides = array<i32>} : memref<64x768xf32, #tpu.memory_space<vmem>>, vector<1x16xf32>,
      %swap3A_1237 = vector.shape_cast %swap3A_1236 : vector<1x16xf32> to vector<16xf32>
      %swap3A_1238 = vector.shape_cast %add3A_1233 : vector<16xf32> to vector<1x16xf32>
      tpu.vector_store %arg12[%swap3A_1234, %swap3A_1235], %swap3A_1238 {strides = array<i32>} : memref<64x768xf32, #tpu.memory_space<vmem>>, vector<1x16xf32>,
      %get3A_1239 = arith.index_cast %scan3A_114 : i32 to index
      %get3A_1240 = arith.constant 688 : index
      %get3A_1241 = tpu.vector_load %arg12[%get3A_1239, %get3A_1240] {strides = array<i32>} : memref<64x768xf32, #tpu.memory_space<vmem>>, vector<1x16xf32>,
      %get3A_1242 = vector.shape_cast %get3A_1241 : vector<1x16xf32> to vector<16xf32>
      %get3A_1243 = arith.index_cast %scan3A_114 : i32 to index
      %get3A_1244 = arith.constant 688 : index
      %get3A_1245 = tpu.vector_load %arg13[%get3A_1243, %get3A_1244] {strides = array<i32>} : memref<64x768xf32, #tpu.memory_space<vmem>>, vector<1x16xf32>,
      %get3A_1246 = vector.shape_cast %get3A_1245 : vector<1x16xf32> to vector<16xf32>
      %eq3A_1247 = arith.constant 0.000000e+00 : f32
      %eq3A_1248 = vector.broadcast %eq3A_1247 : f32 to vector<16xf32>
      %eq3A_1249 = arith.cmpf oeq, %get3A_159, %eq3A_1248 : vector<16xf32>
      %mul3A_1250 = arith.mulf %get3A_1242, %get3A_159 : vector<16xf32>
      %select_n3A_1251 = arith.select %eq3A_1249, %broadcast_in_dim3A_206, %mul3A_1250 : vector<16xi1>, vector<16xf32>
      %eq3A_1252 = arith.constant 0.000000e+00 : f32
      %eq3A_1253 = vector.broadcast %eq3A_1252 : f32 to vector<16xf32>
      %eq3A_1254 = arith.cmpf oeq, %get3A_205, %eq3A_1253 : vector<16xf32>
      %mul3A_1255 = arith.mulf %get3A_1246, %get3A_205 : vector<16xf32>
      %select_n3A_1256 = arith.select %eq3A_1254, %broadcast_in_dim3A_206, %mul3A_1255 : vector<16xi1>, vector<16xf32>
      %add3A_1257 = arith.addf %select_n3A_1251, %select_n3A_1256 : vector<16xf32>
      %swap3A_1258 = arith.index_cast %scan3A_114 : i32 to index
      %swap3A_1259 = arith.constant 688 : index
      %swap3A_1260 = tpu.vector_load %arg12[%swap3A_1258, %swap3A_1259] {strides = array<i32>} : memref<64x768xf32, #tpu.memory_space<vmem>>, vector<1x16xf32>,
      %swap3A_1261 = vector.shape_cast %swap3A_1260 : vector<1x16xf32> to vector<16xf32>
      %swap3A_1262 = vector.shape_cast %add3A_1257 : vector<16xf32> to vector<1x16xf32>
      tpu.vector_store %arg12[%swap3A_1258, %swap3A_1259], %swap3A_1262 {strides = array<i32>} : memref<64x768xf32, #tpu.memory_space<vmem>>, vector<1x16xf32>,
      %get3A_1263 = arith.index_cast %scan3A_114 : i32 to index
      %get3A_1264 = arith.constant 704 : index
      %get3A_1265 = tpu.vector_load %arg12[%get3A_1263, %get3A_1264] {strides = array<i32>} : memref<64x768xf32, #tpu.memory_space<vmem>>, vector<1x16xf32>,
      %get3A_1266 = vector.shape_cast %get3A_1265 : vector<1x16xf32> to vector<16xf32>
      %get3A_1267 = arith.index_cast %scan3A_114 : i32 to index
      %get3A_1268 = arith.constant 704 : index
      %get3A_1269 = tpu.vector_load %arg13[%get3A_1267, %get3A_1268] {strides = array<i32>} : memref<64x768xf32, #tpu.memory_space<vmem>>, vector<1x16xf32>,
      %get3A_1270 = vector.shape_cast %get3A_1269 : vector<1x16xf32> to vector<16xf32>
      %eq3A_1271 = arith.constant 0.000000e+00 : f32
      %eq3A_1272 = vector.broadcast %eq3A_1271 : f32 to vector<16xf32>
      %eq3A_1273 = arith.cmpf oeq, %get3A_159, %eq3A_1272 : vector<16xf32>
      %mul3A_1274 = arith.mulf %get3A_1266, %get3A_159 : vector<16xf32>
      %select_n3A_1275 = arith.select %eq3A_1273, %broadcast_in_dim3A_206, %mul3A_1274 : vector<16xi1>, vector<16xf32>
      %eq3A_1276 = arith.constant 0.000000e+00 : f32
      %eq3A_1277 = vector.broadcast %eq3A_1276 : f32 to vector<16xf32>
      %eq3A_1278 = arith.cmpf oeq, %get3A_205, %eq3A_1277 : vector<16xf32>
      %mul3A_1279 = arith.mulf %get3A_1270, %get3A_205 : vector<16xf32>
      %select_n3A_1280 = arith.select %eq3A_1278, %broadcast_in_dim3A_206, %mul3A_1279 : vector<16xi1>, vector<16xf32>
      %add3A_1281 = arith.addf %select_n3A_1275, %select_n3A_1280 : vector<16xf32>
      %swap3A_1282 = arith.index_cast %scan3A_114 : i32 to index
      %swap3A_1283 = arith.constant 704 : index
      %swap3A_1284 = tpu.vector_load %arg12[%swap3A_1282, %swap3A_1283] {strides = array<i32>} : memref<64x768xf32, #tpu.memory_space<vmem>>, vector<1x16xf32>,
      %swap3A_1285 = vector.shape_cast %swap3A_1284 : vector<1x16xf32> to vector<16xf32>
      %swap3A_1286 = vector.shape_cast %add3A_1281 : vector<16xf32> to vector<1x16xf32>
      tpu.vector_store %arg12[%swap3A_1282, %swap3A_1283], %swap3A_1286 {strides = array<i32>} : memref<64x768xf32, #tpu.memory_space<vmem>>, vector<1x16xf32>,
      %get3A_1287 = arith.index_cast %scan3A_114 : i32 to index
      %get3A_1288 = arith.constant 720 : index
      %get3A_1289 = tpu.vector_load %arg12[%get3A_1287, %get3A_1288] {strides = array<i32>} : memref<64x768xf32, #tpu.memory_space<vmem>>, vector<1x16xf32>,
      %get3A_1290 = vector.shape_cast %get3A_1289 : vector<1x16xf32> to vector<16xf32>
      %get3A_1291 = arith.index_cast %scan3A_114 : i32 to index
      %get3A_1292 = arith.constant 720 : index
      %get3A_1293 = tpu.vector_load %arg13[%get3A_1291, %get3A_1292] {strides = array<i32>} : memref<64x768xf32, #tpu.memory_space<vmem>>, vector<1x16xf32>,
      %get3A_1294 = vector.shape_cast %get3A_1293 : vector<1x16xf32> to vector<16xf32>
      %eq3A_1295 = arith.constant 0.000000e+00 : f32
      %eq3A_1296 = vector.broadcast %eq3A_1295 : f32 to vector<16xf32>
      %eq3A_1297 = arith.cmpf oeq, %get3A_159, %eq3A_1296 : vector<16xf32>
      %mul3A_1298 = arith.mulf %get3A_1290, %get3A_159 : vector<16xf32>
      %select_n3A_1299 = arith.select %eq3A_1297, %broadcast_in_dim3A_206, %mul3A_1298 : vector<16xi1>, vector<16xf32>
      %eq3A_1300 = arith.constant 0.000000e+00 : f32
      %eq3A_1301 = vector.broadcast %eq3A_1300 : f32 to vector<16xf32>
      %eq3A_1302 = arith.cmpf oeq, %get3A_205, %eq3A_1301 : vector<16xf32>
      %mul3A_1303 = arith.mulf %get3A_1294, %get3A_205 : vector<16xf32>
      %select_n3A_1304 = arith.select %eq3A_1302, %broadcast_in_dim3A_206, %mul3A_1303 : vector<16xi1>, vector<16xf32>
      %add3A_1305 = arith.addf %select_n3A_1299, %select_n3A_1304 : vector<16xf32>
      %swap3A_1306 = arith.index_cast %scan3A_114 : i32 to index
      %swap3A_1307 = arith.constant 720 : index
      %swap3A_1308 = tpu.vector_load %arg12[%swap3A_1306, %swap3A_1307] {strides = array<i32>} : memref<64x768xf32, #tpu.memory_space<vmem>>, vector<1x16xf32>,
      %swap3A_1309 = vector.shape_cast %swap3A_1308 : vector<1x16xf32> to vector<16xf32>
      %swap3A_1310 = vector.shape_cast %add3A_1305 : vector<16xf32> to vector<1x16xf32>
      tpu.vector_store %arg12[%swap3A_1306, %swap3A_1307], %swap3A_1310 {strides = array<i32>} : memref<64x768xf32, #tpu.memory_space<vmem>>, vector<1x16xf32>,
      %get3A_1311 = arith.index_cast %scan3A_114 : i32 to index
      %get3A_1312 = arith.constant 736 : index
      %get3A_1313 = tpu.vector_load %arg12[%get3A_1311, %get3A_1312] {strides = array<i32>} : memref<64x768xf32, #tpu.memory_space<vmem>>, vector<1x16xf32>,
      %get3A_1314 = vector.shape_cast %get3A_1313 : vector<1x16xf32> to vector<16xf32>
      %get3A_1315 = arith.index_cast %scan3A_114 : i32 to index
      %get3A_1316 = arith.constant 736 : index
      %get3A_1317 = tpu.vector_load %arg13[%get3A_1315, %get3A_1316] {strides = array<i32>} : memref<64x768xf32, #tpu.memory_space<vmem>>, vector<1x16xf32>,
      %get3A_1318 = vector.shape_cast %get3A_1317 : vector<1x16xf32> to vector<16xf32>
      %eq3A_1319 = arith.constant 0.000000e+00 : f32
      %eq3A_1320 = vector.broadcast %eq3A_1319 : f32 to vector<16xf32>
      %eq3A_1321 = arith.cmpf oeq, %get3A_159, %eq3A_1320 : vector<16xf32>
      %mul3A_1322 = arith.mulf %get3A_1314, %get3A_159 : vector<16xf32>
      %select_n3A_1323 = arith.select %eq3A_1321, %broadcast_in_dim3A_206, %mul3A_1322 : vector<16xi1>, vector<16xf32>
      %eq3A_1324 = arith.constant 0.000000e+00 : f32
      %eq3A_1325 = vector.broadcast %eq3A_1324 : f32 to vector<16xf32>
      %eq3A_1326 = arith.cmpf oeq, %get3A_205, %eq3A_1325 : vector<16xf32>
      %mul3A_1327 = arith.mulf %get3A_1318, %get3A_205 : vector<16xf32>
      %select_n3A_1328 = arith.select %eq3A_1326, %broadcast_in_dim3A_206, %mul3A_1327 : vector<16xi1>, vector<16xf32>
      %add3A_1329 = arith.addf %select_n3A_1323, %select_n3A_1328 : vector<16xf32>
      %swap3A_1330 = arith.index_cast %scan3A_114 : i32 to index
      %swap3A_1331 = arith.constant 736 : index
      %swap3A_1332 = tpu.vector_load %arg12[%swap3A_1330, %swap3A_1331] {strides = array<i32>} : memref<64x768xf32, #tpu.memory_space<vmem>>, vector<1x16xf32>,
      %swap3A_1333 = vector.shape_cast %swap3A_1332 : vector<1x16xf32> to vector<16xf32>
      %swap3A_1334 = vector.shape_cast %add3A_1329 : vector<16xf32> to vector<1x16xf32>
      tpu.vector_store %arg12[%swap3A_1330, %swap3A_1331], %swap3A_1334 {strides = array<i32>} : memref<64x768xf32, #tpu.memory_space<vmem>>, vector<1x16xf32>,
      %get3A_1335 = arith.index_cast %scan3A_114 : i32 to index
      %get3A_1336 = arith.constant 752 : index
      %get3A_1337 = tpu.vector_load %arg12[%get3A_1335, %get3A_1336] {strides = array<i32>} : memref<64x768xf32, #tpu.memory_space<vmem>>, vector<1x16xf32>,
      %get3A_1338 = vector.shape_cast %get3A_1337 : vector<1x16xf32> to vector<16xf32>
      %get3A_1339 = arith.index_cast %scan3A_114 : i32 to index
      %get3A_1340 = arith.constant 752 : index
      %get3A_1341 = tpu.vector_load %arg13[%get3A_1339, %get3A_1340] {strides = array<i32>} : memref<64x768xf32, #tpu.memory_space<vmem>>, vector<1x16xf32>,
      %get3A_1342 = vector.shape_cast %get3A_1341 : vector<1x16xf32> to vector<16xf32>
      %eq3A_1343 = arith.constant 0.000000e+00 : f32
      %eq3A_1344 = vector.broadcast %eq3A_1343 : f32 to vector<16xf32>
      %eq3A_1345 = arith.cmpf oeq, %get3A_159, %eq3A_1344 : vector<16xf32>
      %mul3A_1346 = arith.mulf %get3A_1338, %get3A_159 : vector<16xf32>
      %select_n3A_1347 = arith.select %eq3A_1345, %broadcast_in_dim3A_206, %mul3A_1346 : vector<16xi1>, vector<16xf32>
      %eq3A_1348 = arith.constant 0.000000e+00 : f32
      %eq3A_1349 = vector.broadcast %eq3A_1348 : f32 to vector<16xf32>
      %eq3A_1350 = arith.cmpf oeq, %get3A_205, %eq3A_1349 : vector<16xf32>
      %mul3A_1351 = arith.mulf %get3A_1342, %get3A_205 : vector<16xf32>
      %select_n3A_1352 = arith.select %eq3A_1350, %broadcast_in_dim3A_206, %mul3A_1351 : vector<16xi1>, vector<16xf32>
      %add3A_1353 = arith.addf %select_n3A_1347, %select_n3A_1352 : vector<16xf32>
      %swap3A_1354 = arith.index_cast %scan3A_114 : i32 to index
      %swap3A_1355 = arith.constant 752 : index
      %swap3A_1356 = tpu.vector_load %arg12[%swap3A_1354, %swap3A_1355] {strides = array<i32>} : memref<64x768xf32, #tpu.memory_space<vmem>>, vector<1x16xf32>,
      %swap3A_1357 = vector.shape_cast %swap3A_1356 : vector<1x16xf32> to vector<16xf32>
      %swap3A_1358 = vector.shape_cast %add3A_1353 : vector<16xf32> to vector<1x16xf32>
      tpu.vector_store %arg12[%swap3A_1354, %swap3A_1355], %swap3A_1358 {strides = array<i32>} : memref<64x768xf32, #tpu.memory_space<vmem>>, vector<1x16xf32>,
      %scan3A_1359 = arith.constant 0 : i32
      scf.yield %scan3A_1359 : i32
    }
    %scan3A_113 = arith.constant 64 : i32
    "tpu.region"() ({
      %run_scoped3A = tpu.sem_alloc : memref<!tpu.dma_semaphore, #tpu.memory_space<semaphore_mem>>
      %dma_start3A_114 = arith.constant 0 : i32
      %dma_start3A_115 = tpu.memref_slice %arg7[%mul3A_2, %dma_start3A_114] : memref<2048x768xf32, #tpu.memory_space<hbm>> -> memref<64x768xf32, #tpu.memory_space<hbm>>
      %dma_start3A_116 = arith.constant 0 : i32
      %dma_start3A_117 = tpu.memref_slice %arg7[%mul3A_2, %dma_start3A_116] : memref<2048x768xf32, #tpu.memory_space<hbm>> -> memref<64x768xf32, #tpu.memory_space<hbm>>
      tpu.enqueue_dma source(%arg12 : memref<64x768xf32, #tpu.memory_space<vmem>>) target(%dma_start3A_117 : memref<64x768xf32, #tpu.memory_space<hbm>>) target_semaphore(%run_scoped3A : memref<!tpu.dma_semaphore, #tpu.memory_space<semaphore_mem>>)
      %dma_wait3A_118 = arith.constant 0 : i32
      %dma_wait3A_119 = tpu.memref_slice %arg7[%mul3A_2, %dma_wait3A_118] : memref<2048x768xf32, #tpu.memory_space<hbm>> -> memref<64x768xf32, #tpu.memory_space<hbm>>
      %dma_wait3A_120 = arith.constant 0 : i32
      %dma_wait3A_121 = tpu.memref_slice %arg7[%mul3A_2, %dma_wait3A_120] : memref<2048x768xf32, #tpu.memory_space<hbm>> -> memref<64x768xf32, #tpu.memory_space<hbm>>
      tpu.wait_dma2 semaphore(%run_scoped3A : memref<!tpu.dma_semaphore, #tpu.memory_space<semaphore_mem>>) src(%arg12 : memref<64x768xf32, #tpu.memory_space<vmem>>) dst(%dma_wait3A_121 : memref<64x768xf32, #tpu.memory_space<hbm>>)
      tpu.yield
    }) : () -> ()
    return
  }
}

#map = affine_map<(d0, d1) -> (0, 0)>
#map1 = affine_map<(d0, d1) -> (0)>
module attributes {stable_mosaic.version = 14 : i64} {
  func.func @_dispatch_body(%arg0: i32, %arg1: i32, %arg2: memref<2048x768xf32, #tpu.memory_space<hbm>>, %arg3: memref<2048xi32, #tpu.memory_space<hbm>>, %arg4: memref<2048xi32, #tpu.memory_space<hbm>>, %arg5: memref<8200x768xf32, #tpu.memory_space<hbm>>, %arg6: memref<64xi32, #tpu.memory_space<vmem>>, %arg7: memref<64xi32, #tpu.memory_space<vmem>>, %arg8: memref<64x768xf32, #tpu.memory_space<vmem>>, %arg9: memref<!tpu.dma_semaphore, #tpu.memory_space<semaphore_mem>>, %arg10: memref<!tpu.dma_semaphore, #tpu.memory_space<semaphore_mem>>, %arg11: memref<!tpu.dma_semaphore, #tpu.memory_space<semaphore_mem>>) attributes {dimension_semantics = [#tpu.dimension_semantics<core_parallel>, #tpu.dimension_semantics<subcore_parallel>], iteration_bounds = array<i64: 2, 16>, scalar_prefetch = 0 : i64, scratch_operands = 6 : i64, tpu.core_type = #tpu.core_type<sc_vector_subcore>, window_params = [{transform_indices = #map}, {transform_indices = #map1}, {transform_indices = #map1}, {transform_indices = #map}]} {
    %mul3A = arith.constant 2 : i32
    %mul3A_0 = arith.muli %arg1, %mul3A : i32
    %add3A = arith.addi %mul3A_0, %arg0 : i32
    %mul3A_1 = arith.constant 64 : i32
    %mul3A_2 = arith.muli %add3A, %mul3A_1 : i32
    %dma_start3A = arith.constant 0 : i32
    %dma_start3A_3 = tpu.memref_slice %arg2[%mul3A_2, %dma_start3A] : memref<2048x768xf32, #tpu.memory_space<hbm>> -> memref<64x768xf32, #tpu.memory_space<hbm>>
    %dma_start3A_4 = arith.constant 0 : i32
    %dma_start3A_5 = tpu.memref_slice %arg2[%mul3A_2, %dma_start3A_4] : memref<2048x768xf32, #tpu.memory_space<hbm>> -> memref<64x768xf32, #tpu.memory_space<hbm>>
    tpu.enqueue_dma source(%dma_start3A_5 : memref<64x768xf32, #tpu.memory_space<hbm>>) target(%arg8 : memref<64x768xf32, #tpu.memory_space<vmem>>) target_semaphore(%arg9 : memref<!tpu.dma_semaphore, #tpu.memory_space<semaphore_mem>>)
    "tpu.region"() ({
      %run_scoped3A = tpu.sem_alloc : memref<!tpu.dma_semaphore, #tpu.memory_space<semaphore_mem>>
      %dma_start3A_21 = tpu.memref_slice %arg3[%mul3A_2] : memref<2048xi32, #tpu.memory_space<hbm>> -> memref<64xi32, #tpu.memory_space<hbm>>
      %dma_start3A_22 = tpu.memref_slice %arg3[%mul3A_2] : memref<2048xi32, #tpu.memory_space<hbm>> -> memref<64xi32, #tpu.memory_space<hbm>>
      tpu.enqueue_dma source(%dma_start3A_22 : memref<64xi32, #tpu.memory_space<hbm>>) target(%arg6 : memref<64xi32, #tpu.memory_space<vmem>>) target_semaphore(%run_scoped3A : memref<!tpu.dma_semaphore, #tpu.memory_space<semaphore_mem>>)
      %dma_wait3A_23 = tpu.memref_slice %arg3[%mul3A_2] : memref<2048xi32, #tpu.memory_space<hbm>> -> memref<64xi32, #tpu.memory_space<hbm>>
      %dma_wait3A_24 = tpu.memref_slice %arg3[%mul3A_2] : memref<2048xi32, #tpu.memory_space<hbm>> -> memref<64xi32, #tpu.memory_space<hbm>>
      tpu.wait_dma2 semaphore(%run_scoped3A : memref<!tpu.dma_semaphore, #tpu.memory_space<semaphore_mem>>) src(%dma_wait3A_24 : memref<64xi32, #tpu.memory_space<hbm>>) dst(%arg6 : memref<64xi32, #tpu.memory_space<vmem>>)
      tpu.yield
    }) : () -> ()
    "tpu.region"() ({
      %run_scoped3A = tpu.sem_alloc : memref<!tpu.dma_semaphore, #tpu.memory_space<semaphore_mem>>
      %dma_start3A_21 = tpu.memref_slice %arg4[%mul3A_2] : memref<2048xi32, #tpu.memory_space<hbm>> -> memref<64xi32, #tpu.memory_space<hbm>>
      %dma_start3A_22 = tpu.memref_slice %arg4[%mul3A_2] : memref<2048xi32, #tpu.memory_space<hbm>> -> memref<64xi32, #tpu.memory_space<hbm>>
      tpu.enqueue_dma source(%dma_start3A_22 : memref<64xi32, #tpu.memory_space<hbm>>) target(%arg7 : memref<64xi32, #tpu.memory_space<vmem>>) target_semaphore(%run_scoped3A : memref<!tpu.dma_semaphore, #tpu.memory_space<semaphore_mem>>)
      %dma_wait3A_23 = tpu.memref_slice %arg4[%mul3A_2] : memref<2048xi32, #tpu.memory_space<hbm>> -> memref<64xi32, #tpu.memory_space<hbm>>
      %dma_wait3A_24 = tpu.memref_slice %arg4[%mul3A_2] : memref<2048xi32, #tpu.memory_space<hbm>> -> memref<64xi32, #tpu.memory_space<hbm>>
      tpu.wait_dma2 semaphore(%run_scoped3A : memref<!tpu.dma_semaphore, #tpu.memory_space<semaphore_mem>>) src(%dma_wait3A_24 : memref<64xi32, #tpu.memory_space<hbm>>) dst(%arg7 : memref<64xi32, #tpu.memory_space<vmem>>)
      tpu.yield
    }) : () -> ()
    %dma_wait3A = arith.constant 0 : i32
    %dma_wait3A_6 = tpu.memref_slice %arg2[%mul3A_2, %dma_wait3A] : memref<2048x768xf32, #tpu.memory_space<hbm>> -> memref<64x768xf32, #tpu.memory_space<hbm>>
    %dma_wait3A_7 = arith.constant 0 : i32
    %dma_wait3A_8 = tpu.memref_slice %arg2[%mul3A_2, %dma_wait3A_7] : memref<2048x768xf32, #tpu.memory_space<hbm>> -> memref<64x768xf32, #tpu.memory_space<hbm>>
    tpu.wait_dma2 semaphore(%arg9 : memref<!tpu.dma_semaphore, #tpu.memory_space<semaphore_mem>>) src(%dma_wait3A_8 : memref<64x768xf32, #tpu.memory_space<hbm>>) dst(%arg8 : memref<64x768xf32, #tpu.memory_space<vmem>>)
    %dma_start3A_9 = arith.constant 0 : i32
    %dma_start3A_10 = arith.constant 0 : i32
    %dma_start3A_11 = tpu.memref_slice %arg5[%dma_start3A_9, %dma_start3A_10] : memref<8200x768xf32, #tpu.memory_space<hbm>> -> memref<8200x768xf32, #tpu.memory_space<hbm>>
    tpu.enqueue_indirect_dma source(%arg8 : memref<64x768xf32, #tpu.memory_space<vmem>>) target(%dma_start3A_11 : memref<8200x768xf32, #tpu.memory_space<hbm>>) offsets(%arg6 : memref<64xi32, #tpu.memory_space<vmem>>) semaphore(%arg10 : memref<!tpu.dma_semaphore, #tpu.memory_space<semaphore_mem>>)
    %dma_start3A_12 = arith.constant 0 : i32
    %dma_start3A_13 = arith.constant 0 : i32
    %dma_start3A_14 = tpu.memref_slice %arg5[%dma_start3A_12, %dma_start3A_13] : memref<8200x768xf32, #tpu.memory_space<hbm>> -> memref<8200x768xf32, #tpu.memory_space<hbm>>
    tpu.enqueue_indirect_dma source(%arg8 : memref<64x768xf32, #tpu.memory_space<vmem>>) target(%dma_start3A_14 : memref<8200x768xf32, #tpu.memory_space<hbm>>) offsets(%arg7 : memref<64xi32, #tpu.memory_space<vmem>>) semaphore(%arg11 : memref<!tpu.dma_semaphore, #tpu.memory_space<semaphore_mem>>)
    %dma_wait3A_15 = arith.constant 0 : i32
    %dma_wait3A_16 = arith.constant 0 : i32
    %dma_wait3A_17 = tpu.memref_slice %arg5[%dma_wait3A_15, %dma_wait3A_16] : memref<8200x768xf32, #tpu.memory_space<hbm>> -> memref<8200x768xf32, #tpu.memory_space<hbm>>
    tpu.wait_indirect_dma semaphore(%arg10 : memref<!tpu.dma_semaphore, #tpu.memory_space<semaphore_mem>>) src(%arg8 : memref<64x768xf32, #tpu.memory_space<vmem>>) dst(%dma_wait3A_17 : memref<8200x768xf32, #tpu.memory_space<hbm>>)
    %dma_wait3A_18 = arith.constant 0 : i32
    %dma_wait3A_19 = arith.constant 0 : i32
    %dma_wait3A_20 = tpu.memref_slice %arg5[%dma_wait3A_18, %dma_wait3A_19] : memref<8200x768xf32, #tpu.memory_space<hbm>> -> memref<8200x768xf32, #tpu.memory_space<hbm>>
    tpu.wait_indirect_dma semaphore(%arg11 : memref<!tpu.dma_semaphore, #tpu.memory_space<semaphore_mem>>) src(%arg8 : memref<64x768xf32, #tpu.memory_space<vmem>>) dst(%dma_wait3A_20 : memref<8200x768xf32, #tpu.memory_space<hbm>>)
    return
  }
}

module attributes {stable_mosaic.version = 14 : i64} {
  func.func @_routing_body(%arg0: memref<2048x768xf32, #tpu.memory_space<vmem>>, %arg1: memref<8x768xf32, #tpu.memory_space<vmem>>, %arg2: memref<16x128xi32, #tpu.memory_space<vmem>>, %arg3: memref<16x128xi32, #tpu.memory_space<vmem>>, %arg4: memref<256x128xf32, #tpu.memory_space<vmem>>, %arg5: memref<256x128xf32, #tpu.memory_space<vmem>>, %arg6: memref<1x8xi32, #tpu.memory_space<vmem>>) attributes {dimension_semantics = [], scalar_prefetch = 0 : i64, scratch_operands = 0 : i64, tpu.core_type = #tpu.core_type<tc>} {
    %get3A = arith.constant 0 : index
    %get3A_0 = arith.constant 0 : index
    %get3A_1 = vector.load %arg0[%get3A, %get3A_0] : memref<2048x768xf32, #tpu.memory_space<vmem>>, vector<2048x768xf32>
    %get3A_2 = arith.constant 0 : index
    %get3A_3 = arith.constant 0 : index
    %get3A_4 = vector.load %arg1[%get3A_2, %get3A_3] : memref<8x768xf32, #tpu.memory_space<vmem>>, vector<8x768xf32>
    %dot_general3A = arith.constant dense<0.000000e+00> : vector<2048x8xf32>
    %dot_general3A_5 = tpu.matmul %get3A_1, %get3A_4, %dot_general3A {dimension_numbers = #tpu.dot_dimension_numbers<[1], [1], [0], [0], [0, 0, 1, 0], [], []>, transpose_lhs_hint = false} : vector<2048x768xf32>, vector<8x768xf32>, vector<2048x8xf32> -> vector<2048x8xf32>
    %reduce_max3A = arith.constant dense<0xFF800000> : vector<2048xf32>
    %reduce_max3A_6 = vector.multi_reduction <maximumf>, %dot_general3A_5, %reduce_max3A [1] : vector<2048x8xf32> to vector<2048xf32>
    %broadcast_in_dim3A = vector.shape_cast %reduce_max3A_6 : vector<2048xf32> to vector<2048x1xf32>
    %sub3A = vector.broadcast %broadcast_in_dim3A : vector<2048x1xf32> to vector<2048x8xf32>
    %sub3A_7 = arith.subf %dot_general3A_5, %sub3A : vector<2048x8xf32>
    %exp3A = math.exp %sub3A_7 : vector<2048x8xf32>
    %reduce_sum3A = arith.constant dense<0.000000e+00> : vector<2048xf32>
    %reduce_sum3A_8 = vector.multi_reduction <add>, %exp3A, %reduce_sum3A [1] : vector<2048x8xf32> to vector<2048xf32>
    %broadcast_in_dim3A_9 = vector.shape_cast %reduce_sum3A_8 : vector<2048xf32> to vector<2048x1xf32>
    %div3A = vector.broadcast %broadcast_in_dim3A_9 : vector<2048x1xf32> to vector<2048x8xf32>
    %div3A_10 = arith.divf %exp3A, %div3A : vector<2048x8xf32>
    %iota3A = tpu.iota {dimensions = array<i32: 1>} : vector<2048x8xi32>
    %reduce_max3A_11 = arith.constant dense<0xFF800000> : vector<2048xf32>
    %reduce_max3A_12 = vector.multi_reduction <maximumf>, %div3A_10, %reduce_max3A_11 [1] : vector<2048x8xf32> to vector<2048xf32>
    %broadcast_in_dim3A_13 = vector.shape_cast %reduce_max3A_12 : vector<2048xf32> to vector<2048x1xf32>
    %eq3A = vector.broadcast %broadcast_in_dim3A_13 : vector<2048x1xf32> to vector<2048x8xf32>
    %eq3A_14 = arith.cmpf oeq, %div3A_10, %eq3A : vector<2048x8xf32>
    %jit3A = arith.constant 8 : i32
    %broadcast_in_dim3A_15 = vector.broadcast %jit3A : i32 to vector<2048x8xi32>
    %select_n3A = arith.select %eq3A_14, %iota3A, %broadcast_in_dim3A_15 : vector<2048x8xi1>, vector<2048x8xi32>
    %reduce_min3A = arith.constant dense<2147483647> : vector<2048xi32>
    %reduce_min3A_16 = vector.multi_reduction <minsi>, %select_n3A, %reduce_min3A [1] : vector<2048x8xi32> to vector<2048xi32>
    %broadcast_in_dim3A_17 = vector.shape_cast %reduce_min3A_16 : vector<2048xi32> to vector<2048x1xi32>
    %eq3A_18 = vector.broadcast %broadcast_in_dim3A_17 : vector<2048x1xi32> to vector<2048x8xi32>
    %eq3A_19 = arith.cmpi eq, %iota3A, %eq3A_18 : vector<2048x8xi32>
    %jit3A_20 = arith.constant -1.000000e+00 : f32
    %broadcast_in_dim3A_21 = vector.broadcast %jit3A_20 : f32 to vector<2048x8xf32>
    %select_n3A_22 = arith.select %eq3A_19, %broadcast_in_dim3A_21, %div3A_10 : vector<2048x8xi1>, vector<2048x8xf32>
    %reduce_max3A_23 = arith.constant dense<0xFF800000> : vector<2048xf32>
    %reduce_max3A_24 = vector.multi_reduction <maximumf>, %select_n3A_22, %reduce_max3A_23 [1] : vector<2048x8xf32> to vector<2048xf32>
    %broadcast_in_dim3A_25 = vector.shape_cast %reduce_max3A_24 : vector<2048xf32> to vector<2048x1xf32>
    %eq3A_26 = vector.broadcast %broadcast_in_dim3A_25 : vector<2048x1xf32> to vector<2048x8xf32>
    %eq3A_27 = arith.cmpf oeq, %select_n3A_22, %eq3A_26 : vector<2048x8xf32>
    %jit3A_28 = arith.constant 8 : i32
    %broadcast_in_dim3A_29 = vector.broadcast %jit3A_28 : i32 to vector<2048x8xi32>
    %select_n3A_30 = arith.select %eq3A_27, %iota3A, %broadcast_in_dim3A_29 : vector<2048x8xi1>, vector<2048x8xi32>
    %reduce_min3A_31 = arith.constant dense<2147483647> : vector<2048xi32>
    %reduce_min3A_32 = vector.multi_reduction <minsi>, %select_n3A_30, %reduce_min3A_31 [1] : vector<2048x8xi32> to vector<2048xi32>
    %broadcast_in_dim3A_33 = vector.shape_cast %reduce_min3A_32 : vector<2048xi32> to vector<2048x1xi32>
    %eq3A_34 = vector.broadcast %broadcast_in_dim3A_17 : vector<2048x1xi32> to vector<2048x8xi32>
    %eq3A_35 = arith.cmpi eq, %iota3A, %eq3A_34 : vector<2048x8xi32>
    %convert_element_type3A = arith.extui %eq3A_35 : vector<2048x8xi1> to vector<2048x8xi32>
    %convert_element_type3A_36 = arith.sitofp %convert_element_type3A : vector<2048x8xi32> to vector<2048x8xf32>
    %eq3A_37 = vector.broadcast %broadcast_in_dim3A_33 : vector<2048x1xi32> to vector<2048x8xi32>
    %eq3A_38 = arith.cmpi eq, %iota3A, %eq3A_37 : vector<2048x8xi32>
    %convert_element_type3A_39 = arith.extui %eq3A_38 : vector<2048x8xi1> to vector<2048x8xi32>
    %convert_element_type3A_40 = arith.sitofp %convert_element_type3A_39 : vector<2048x8xi32> to vector<2048x8xf32>
    %add3A = arith.addf %convert_element_type3A_36, %convert_element_type3A_40 : vector<2048x8xf32>
    %iota3A_41 = tpu.iota {dimensions = array<i32: 0>} : vector<2048x256xi32>
    %iota3A_42 = tpu.iota {dimensions = array<i32: 1>} : vector<2048x256xi32>
    %broadcast_in_dim3A_43 = arith.constant 0.000000e+00 : f32
    %broadcast_in_dim3A_44 = vector.broadcast %broadcast_in_dim3A_43 : f32 to vector<2048x8xf32>
    %add3A_45 = arith.constant 0 : i32
    %add3A_46 = vector.broadcast %add3A_45 : i32 to vector<2048x256xi32>
    %add3A_47 = arith.addi %iota3A_42, %add3A_46 : vector<2048x256xi32>
    %lt3A = arith.cmpi slt, %add3A_47, %iota3A_41 : vector<2048x256xi32>
    %convert_element_type3A_48 = arith.extui %lt3A : vector<2048x256xi1> to vector<2048x256xi32>
    %convert_element_type3A_49 = arith.sitofp %convert_element_type3A_48 : vector<2048x256xi32> to vector<2048x256xf32>
    %slice3A = vector.extract_strided_slice %add3A {offsets = [0, 0], sizes = [256, 8], strides = [1, 1]} : vector<2048x8xf32> to vector<256x8xf32>
    %dot_general3A_50 = arith.constant dense<0.000000e+00> : vector<2048x8xf32>
    %dot_general3A_51 = tpu.matmul %convert_element_type3A_49, %slice3A, %dot_general3A_50 {dimension_numbers = #tpu.dot_dimension_numbers<[1], [0], [0], [1], [0, 0, 1, 1], [], []>, transpose_lhs_hint = false} : vector<2048x256xf32>, vector<256x8xf32>, vector<2048x8xf32> -> vector<2048x8xf32>
    %add3A_52 = arith.addf %broadcast_in_dim3A_44, %dot_general3A_51 : vector<2048x8xf32>
    %add3A_53 = arith.constant 256 : i32
    %add3A_54 = vector.broadcast %add3A_53 : i32 to vector<2048x256xi32>
    %add3A_55 = arith.addi %iota3A_42, %add3A_54 : vector<2048x256xi32>
    %lt3A_56 = arith.cmpi slt, %add3A_55, %iota3A_41 : vector<2048x256xi32>
    %convert_element_type3A_57 = arith.extui %lt3A_56 : vector<2048x256xi1> to vector<2048x256xi32>
    %convert_element_type3A_58 = arith.sitofp %convert_element_type3A_57 : vector<2048x256xi32> to vector<2048x256xf32>
    %slice3A_59 = vector.extract_strided_slice %add3A {offsets = [256, 0], sizes = [256, 8], strides = [1, 1]} : vector<2048x8xf32> to vector<256x8xf32>
    %dot_general3A_60 = arith.constant dense<0.000000e+00> : vector<2048x8xf32>
    %dot_general3A_61 = tpu.matmul %convert_element_type3A_58, %slice3A_59, %dot_general3A_60 {dimension_numbers = #tpu.dot_dimension_numbers<[1], [0], [0], [1], [0, 0, 1, 1], [], []>, transpose_lhs_hint = false} : vector<2048x256xf32>, vector<256x8xf32>, vector<2048x8xf32> -> vector<2048x8xf32>
    %add3A_62 = arith.addf %add3A_52, %dot_general3A_61 : vector<2048x8xf32>
    %add3A_63 = arith.constant 512 : i32
    %add3A_64 = vector.broadcast %add3A_63 : i32 to vector<2048x256xi32>
    %add3A_65 = arith.addi %iota3A_42, %add3A_64 : vector<2048x256xi32>
    %lt3A_66 = arith.cmpi slt, %add3A_65, %iota3A_41 : vector<2048x256xi32>
    %convert_element_type3A_67 = arith.extui %lt3A_66 : vector<2048x256xi1> to vector<2048x256xi32>
    %convert_element_type3A_68 = arith.sitofp %convert_element_type3A_67 : vector<2048x256xi32> to vector<2048x256xf32>
    %slice3A_69 = vector.extract_strided_slice %add3A {offsets = [512, 0], sizes = [256, 8], strides = [1, 1]} : vector<2048x8xf32> to vector<256x8xf32>
    %dot_general3A_70 = arith.constant dense<0.000000e+00> : vector<2048x8xf32>
    %dot_general3A_71 = tpu.matmul %convert_element_type3A_68, %slice3A_69, %dot_general3A_70 {dimension_numbers = #tpu.dot_dimension_numbers<[1], [0], [0], [1], [0, 0, 1, 1], [], []>, transpose_lhs_hint = false} : vector<2048x256xf32>, vector<256x8xf32>, vector<2048x8xf32> -> vector<2048x8xf32>
    %add3A_72 = arith.addf %add3A_62, %dot_general3A_71 : vector<2048x8xf32>
    %add3A_73 = arith.constant 768 : i32
    %add3A_74 = vector.broadcast %add3A_73 : i32 to vector<2048x256xi32>
    %add3A_75 = arith.addi %iota3A_42, %add3A_74 : vector<2048x256xi32>
    %lt3A_76 = arith.cmpi slt, %add3A_75, %iota3A_41 : vector<2048x256xi32>
    %convert_element_type3A_77 = arith.extui %lt3A_76 : vector<2048x256xi1> to vector<2048x256xi32>
    %convert_element_type3A_78 = arith.sitofp %convert_element_type3A_77 : vector<2048x256xi32> to vector<2048x256xf32>
    %slice3A_79 = vector.extract_strided_slice %add3A {offsets = [768, 0], sizes = [256, 8], strides = [1, 1]} : vector<2048x8xf32> to vector<256x8xf32>
    %dot_general3A_80 = arith.constant dense<0.000000e+00> : vector<2048x8xf32>
    %dot_general3A_81 = tpu.matmul %convert_element_type3A_78, %slice3A_79, %dot_general3A_80 {dimension_numbers = #tpu.dot_dimension_numbers<[1], [0], [0], [1], [0, 0, 1, 1], [], []>, transpose_lhs_hint = false} : vector<2048x256xf32>, vector<256x8xf32>, vector<2048x8xf32> -> vector<2048x8xf32>
    %add3A_82 = arith.addf %add3A_72, %dot_general3A_81 : vector<2048x8xf32>
    %add3A_83 = arith.constant 1024 : i32
    %add3A_84 = vector.broadcast %add3A_83 : i32 to vector<2048x256xi32>
    %add3A_85 = arith.addi %iota3A_42, %add3A_84 : vector<2048x256xi32>
    %lt3A_86 = arith.cmpi slt, %add3A_85, %iota3A_41 : vector<2048x256xi32>
    %convert_element_type3A_87 = arith.extui %lt3A_86 : vector<2048x256xi1> to vector<2048x256xi32>
    %convert_element_type3A_88 = arith.sitofp %convert_element_type3A_87 : vector<2048x256xi32> to vector<2048x256xf32>
    %slice3A_89 = vector.extract_strided_slice %add3A {offsets = [1024, 0], sizes = [256, 8], strides = [1, 1]} : vector<2048x8xf32> to vector<256x8xf32>
    %dot_general3A_90 = arith.constant dense<0.000000e+00> : vector<2048x8xf32>
    %dot_general3A_91 = tpu.matmul %convert_element_type3A_88, %slice3A_89, %dot_general3A_90 {dimension_numbers = #tpu.dot_dimension_numbers<[1], [0], [0], [1], [0, 0, 1, 1], [], []>, transpose_lhs_hint = false} : vector<2048x256xf32>, vector<256x8xf32>, vector<2048x8xf32> -> vector<2048x8xf32>
    %add3A_92 = arith.addf %add3A_82, %dot_general3A_91 : vector<2048x8xf32>
    %add3A_93 = arith.constant 1280 : i32
    %add3A_94 = vector.broadcast %add3A_93 : i32 to vector<2048x256xi32>
    %add3A_95 = arith.addi %iota3A_42, %add3A_94 : vector<2048x256xi32>
    %lt3A_96 = arith.cmpi slt, %add3A_95, %iota3A_41 : vector<2048x256xi32>
    %convert_element_type3A_97 = arith.extui %lt3A_96 : vector<2048x256xi1> to vector<2048x256xi32>
    %convert_element_type3A_98 = arith.sitofp %convert_element_type3A_97 : vector<2048x256xi32> to vector<2048x256xf32>
    %slice3A_99 = vector.extract_strided_slice %add3A {offsets = [1280, 0], sizes = [256, 8], strides = [1, 1]} : vector<2048x8xf32> to vector<256x8xf32>
    %dot_general3A_100 = arith.constant dense<0.000000e+00> : vector<2048x8xf32>
    %dot_general3A_101 = tpu.matmul %convert_element_type3A_98, %slice3A_99, %dot_general3A_100 {dimension_numbers = #tpu.dot_dimension_numbers<[1], [0], [0], [1], [0, 0, 1, 1], [], []>, transpose_lhs_hint = false} : vector<2048x256xf32>, vector<256x8xf32>, vector<2048x8xf32> -> vector<2048x8xf32>
    %add3A_102 = arith.addf %add3A_92, %dot_general3A_101 : vector<2048x8xf32>
    %add3A_103 = arith.constant 1536 : i32
    %add3A_104 = vector.broadcast %add3A_103 : i32 to vector<2048x256xi32>
    %add3A_105 = arith.addi %iota3A_42, %add3A_104 : vector<2048x256xi32>
    %lt3A_106 = arith.cmpi slt, %add3A_105, %iota3A_41 : vector<2048x256xi32>
    %convert_element_type3A_107 = arith.extui %lt3A_106 : vector<2048x256xi1> to vector<2048x256xi32>
    %convert_element_type3A_108 = arith.sitofp %convert_element_type3A_107 : vector<2048x256xi32> to vector<2048x256xf32>
    %slice3A_109 = vector.extract_strided_slice %add3A {offsets = [1536, 0], sizes = [256, 8], strides = [1, 1]} : vector<2048x8xf32> to vector<256x8xf32>
    %dot_general3A_110 = arith.constant dense<0.000000e+00> : vector<2048x8xf32>
    %dot_general3A_111 = tpu.matmul %convert_element_type3A_108, %slice3A_109, %dot_general3A_110 {dimension_numbers = #tpu.dot_dimension_numbers<[1], [0], [0], [1], [0, 0, 1, 1], [], []>, transpose_lhs_hint = false} : vector<2048x256xf32>, vector<256x8xf32>, vector<2048x8xf32> -> vector<2048x8xf32>
    %add3A_112 = arith.addf %add3A_102, %dot_general3A_111 : vector<2048x8xf32>
    %add3A_113 = arith.constant 1792 : i32
    %add3A_114 = vector.broadcast %add3A_113 : i32 to vector<2048x256xi32>
    %add3A_115 = arith.addi %iota3A_42, %add3A_114 : vector<2048x256xi32>
    %lt3A_116 = arith.cmpi slt, %add3A_115, %iota3A_41 : vector<2048x256xi32>
    %convert_element_type3A_117 = arith.extui %lt3A_116 : vector<2048x256xi1> to vector<2048x256xi32>
    %convert_element_type3A_118 = arith.sitofp %convert_element_type3A_117 : vector<2048x256xi32> to vector<2048x256xf32>
    %slice3A_119 = vector.extract_strided_slice %add3A {offsets = [1792, 0], sizes = [256, 8], strides = [1, 1]} : vector<2048x8xf32> to vector<256x8xf32>
    %dot_general3A_120 = arith.constant dense<0.000000e+00> : vector<2048x8xf32>
    %dot_general3A_121 = tpu.matmul %convert_element_type3A_118, %slice3A_119, %dot_general3A_120 {dimension_numbers = #tpu.dot_dimension_numbers<[1], [0], [0], [1], [0, 0, 1, 1], [], []>, transpose_lhs_hint = false} : vector<2048x256xf32>, vector<256x8xf32>, vector<2048x8xf32> -> vector<2048x8xf32>
    %add3A_122 = arith.addf %add3A_112, %dot_general3A_121 : vector<2048x8xf32>
    %reduce_sum3A_123 = arith.constant dense<0.000000e+00> : vector<8xf32>
    %reduce_sum3A_124 = vector.multi_reduction <add>, %add3A, %reduce_sum3A_123 [0] : vector<2048x8xf32> to vector<8xf32>
    %broadcast_in_dim3A_125 = vector.shape_cast %reduce_sum3A_124 : vector<8xf32> to vector<1x8xf32>
    %convert_element_type3A_126 = arith.fptosi %broadcast_in_dim3A_125 : vector<1x8xf32> to vector<1x8xi32>
    %le3A = arith.constant 1024 : i32
    %le3A_127 = vector.broadcast %le3A : i32 to vector<1x8xi32>
    %le3A_128 = arith.cmpi sle, %convert_element_type3A_126, %le3A_127 : vector<1x8xi32>
    %mul3A = arith.mulf %add3A_122, %convert_element_type3A_36 : vector<2048x8xf32>
    %reduce_sum3A_129 = arith.constant dense<0.000000e+00> : vector<2048xf32>
    %reduce_sum3A_130 = vector.multi_reduction <add>, %mul3A, %reduce_sum3A_129 [1] : vector<2048x8xf32> to vector<2048xf32>
    %broadcast_in_dim3A_131 = vector.shape_cast %reduce_sum3A_130 : vector<2048xf32> to vector<2048x1xf32>
    %mul3A_132 = arith.mulf %add3A_122, %convert_element_type3A_40 : vector<2048x8xf32>
    %reduce_sum3A_133 = arith.constant dense<0.000000e+00> : vector<2048xf32>
    %reduce_sum3A_134 = vector.multi_reduction <add>, %mul3A_132, %reduce_sum3A_133 [1] : vector<2048x8xf32> to vector<2048xf32>
    %broadcast_in_dim3A_135 = vector.shape_cast %reduce_sum3A_134 : vector<2048xf32> to vector<2048x1xf32>
    %convert_element_type3A_136 = arith.extui %le3A_128 : vector<1x8xi1> to vector<1x8xi32>
    %convert_element_type3A_137 = arith.sitofp %convert_element_type3A_136 : vector<1x8xi32> to vector<1x8xf32>
    %mul3A_138 = vector.broadcast %convert_element_type3A_137 : vector<1x8xf32> to vector<2048x8xf32>
    %mul3A_139 = arith.mulf %mul3A_138, %convert_element_type3A_36 : vector<2048x8xf32>
    %reduce_sum3A_140 = arith.constant dense<0.000000e+00> : vector<2048xf32>
    %reduce_sum3A_141 = vector.multi_reduction <add>, %mul3A_139, %reduce_sum3A_140 [1] : vector<2048x8xf32> to vector<2048xf32>
    %broadcast_in_dim3A_142 = vector.shape_cast %reduce_sum3A_141 : vector<2048xf32> to vector<2048x1xf32>
    %mul3A_143 = vector.broadcast %convert_element_type3A_137 : vector<1x8xf32> to vector<2048x8xf32>
    %mul3A_144 = arith.mulf %mul3A_143, %convert_element_type3A_40 : vector<2048x8xf32>
    %reduce_sum3A_145 = arith.constant dense<0.000000e+00> : vector<2048xf32>
    %reduce_sum3A_146 = vector.multi_reduction <add>, %mul3A_144, %reduce_sum3A_145 [1] : vector<2048x8xf32> to vector<2048xf32>
    %broadcast_in_dim3A_147 = vector.shape_cast %reduce_sum3A_146 : vector<2048xf32> to vector<2048x1xf32>
    %convert_element_type3A_148 = arith.sitofp %broadcast_in_dim3A_17 : vector<2048x1xi32> to vector<2048x1xf32>
    %mul3A_149 = arith.constant 1.024000e+03 : f32
    %mul3A_150 = vector.broadcast %mul3A_149 : f32 to vector<2048x1xf32>
    %mul3A_151 = arith.mulf %convert_element_type3A_148, %mul3A_150 : vector<2048x1xf32>
    %convert_element_type3A_152 = arith.sitofp %broadcast_in_dim3A_33 : vector<2048x1xi32> to vector<2048x1xf32>
    %mul3A_153 = arith.constant 1.024000e+03 : f32
    %mul3A_154 = vector.broadcast %mul3A_153 : f32 to vector<2048x1xf32>
    %mul3A_155 = arith.mulf %convert_element_type3A_152, %mul3A_154 : vector<2048x1xf32>
    %gt3A = arith.constant 0.000000e+00 : f32
    %gt3A_156 = vector.broadcast %gt3A : f32 to vector<2048x1xf32>
    %gt3A_157 = arith.cmpf ogt, %broadcast_in_dim3A_142, %gt3A_156 : vector<2048x1xf32>
    %add3A_158 = arith.addf %mul3A_151, %broadcast_in_dim3A_131 : vector<2048x1xf32>
    %jit3A_159 = arith.constant 8.192000e+03 : f32
    %broadcast_in_dim3A_160 = vector.broadcast %jit3A_159 : f32 to vector<2048x1xf32>
    %select_n3A_161 = arith.select %gt3A_157, %add3A_158, %broadcast_in_dim3A_160 : vector<2048x1xi1>, vector<2048x1xf32>
    %gt3A_162 = arith.constant 0.000000e+00 : f32
    %gt3A_163 = vector.broadcast %gt3A_162 : f32 to vector<2048x1xf32>
    %gt3A_164 = arith.cmpf ogt, %broadcast_in_dim3A_147, %gt3A_163 : vector<2048x1xf32>
    %add3A_165 = arith.addf %mul3A_155, %broadcast_in_dim3A_135 : vector<2048x1xf32>
    %jit3A_166 = arith.constant 8.192000e+03 : f32
    %broadcast_in_dim3A_167 = vector.broadcast %jit3A_166 : f32 to vector<2048x1xf32>
    %select_n3A_168 = arith.select %gt3A_164, %add3A_165, %broadcast_in_dim3A_167 : vector<2048x1xi1>, vector<2048x1xf32>
    %iota3A_169 = tpu.iota {dimensions = array<i32: 0>} : vector<2048x128xi32>
    %iota3A_170 = tpu.iota {dimensions = array<i32: 1>} : vector<2048x128xi32>
    %jit3A_171 = arith.constant 128 : i32
    %eq3A_172 = arith.constant 0 : i32
    %eq3A_173 = arith.cmpi eq, %jit3A_171, %eq3A_172 : i32
    %jit3A_174 = arith.constant 1 : i32
    %select_n3A_175 = arith.select %eq3A_173, %jit3A_174, %jit3A_171 : i32
    %rem3A = vector.broadcast %select_n3A_175 : i32 to vector<2048x128xi32>
    %rem3A_176 = arith.remsi %iota3A_169, %rem3A : vector<2048x128xi32>
    %ne3A = arith.constant 0 : i32
    %ne3A_177 = vector.broadcast %ne3A : i32 to vector<2048x128xi32>
    %ne3A_178 = arith.cmpi ne, %rem3A_176, %ne3A_177 : vector<2048x128xi32>
    %lt3A_179 = arith.constant 0 : i32
    %lt3A_180 = vector.broadcast %lt3A_179 : i32 to vector<2048x128xi32>
    %lt3A_181 = arith.cmpi slt, %rem3A_176, %lt3A_180 : vector<2048x128xi32>
    %lt3A_182 = arith.constant 0 : i32
    %lt3A_183 = arith.cmpi slt, %select_n3A_175, %lt3A_182 : i32
    %ne3A_184 = vector.broadcast %lt3A_183 : i1 to vector<2048x128xi1>
    %ne3A_185 = vector.broadcast %ne3A_184 : vector<2048x128xi1> to vector<2048x128xi1>
    %ne3A_186 = arith.xori %lt3A_181, %ne3A_185 : vector<2048x128xi1>
    %and3A = arith.andi %ne3A_186, %ne3A_178 : vector<2048x128xi1>
    %add3A_187 = vector.broadcast %select_n3A_175 : i32 to vector<2048x128xi32>
    %add3A_188 = arith.addi %rem3A_176, %add3A_187 : vector<2048x128xi32>
    %select_n3A_189 = arith.select %and3A, %add3A_188, %rem3A_176 : vector<2048x128xi1>, vector<2048x128xi32>
    %eq3A_190 = arith.cmpi eq, %select_n3A_189, %iota3A_170 : vector<2048x128xi32>
    %convert_element_type3A_191 = arith.extui %eq3A_190 : vector<2048x128xi1> to vector<2048x128xi32>
    %convert_element_type3A_192 = arith.sitofp %convert_element_type3A_191 : vector<2048x128xi32> to vector<2048x128xf32>
    %iota3A_193 = tpu.iota {dimensions = array<i32: 0>} : vector<16x2048xi32>
    %iota3A_194 = tpu.iota {dimensions = array<i32: 1>} : vector<16x2048xi32>
    %jit3A_195 = arith.constant 128 : i32
    %div3A_196 = vector.broadcast %jit3A_195 : i32 to vector<16x2048xi32>
    %div3A_197 = arith.divsi %iota3A_194, %div3A_196 : vector<16x2048xi32>
    %sign3A = arith.constant 0 : i32
    %sign3A_198 = vector.broadcast %sign3A : i32 to vector<16x2048xi32>
    %sign3A_199 = arith.cmpi sgt, %iota3A_194, %sign3A_198 : vector<16x2048xi32>
    %sign3A_200 = arith.extui %sign3A_199 : vector<16x2048xi1> to vector<16x2048xi32>
    %sign3A_201 = arith.constant 0 : i32
    %sign3A_202 = vector.broadcast %sign3A_201 : i32 to vector<16x2048xi32>
    %sign3A_203 = arith.cmpi slt, %iota3A_194, %sign3A_202 : vector<16x2048xi32>
    %sign3A_204 = arith.extui %sign3A_203 : vector<16x2048xi1> to vector<16x2048xi32>
    %sign3A_205 = arith.subi %sign3A_200, %sign3A_204 : vector<16x2048xi32>
    %sign3A_206 = arith.constant 0 : i32
    %sign3A_207 = arith.cmpi sgt, %jit3A_195, %sign3A_206 : i32
    %sign3A_208 = arith.extui %sign3A_207 : i1 to i32
    %sign3A_209 = arith.constant 0 : i32
    %sign3A_210 = arith.cmpi slt, %jit3A_195, %sign3A_209 : i32
    %sign3A_211 = arith.extui %sign3A_210 : i1 to i32
    %sign3A_212 = arith.subi %sign3A_208, %sign3A_211 : i32
    %ne3A_213 = vector.broadcast %sign3A_212 : i32 to vector<16x2048xi32>
    %ne3A_214 = arith.cmpi ne, %sign3A_205, %ne3A_213 : vector<16x2048xi32>
    %rem3A_215 = vector.broadcast %jit3A_195 : i32 to vector<16x2048xi32>
    %rem3A_216 = arith.remsi %iota3A_194, %rem3A_215 : vector<16x2048xi32>
    %ne3A_217 = arith.constant 0 : i32
    %ne3A_218 = vector.broadcast %ne3A_217 : i32 to vector<16x2048xi32>
    %ne3A_219 = arith.cmpi ne, %rem3A_216, %ne3A_218 : vector<16x2048xi32>
    %and3A_220 = arith.andi %ne3A_214, %ne3A_219 : vector<16x2048xi1>
    %sub3A_221 = arith.constant 1 : i32
    %sub3A_222 = vector.broadcast %sub3A_221 : i32 to vector<16x2048xi32>
    %sub3A_223 = arith.subi %div3A_197, %sub3A_222 : vector<16x2048xi32>
    %select_n3A_224 = arith.select %and3A_220, %sub3A_223, %div3A_197 : vector<16x2048xi1>, vector<16x2048xi32>
    %eq3A_225 = arith.cmpi eq, %select_n3A_224, %iota3A_193 : vector<16x2048xi32>
    %convert_element_type3A_226 = arith.extui %eq3A_225 : vector<16x2048xi1> to vector<16x2048xi32>
    %convert_element_type3A_227 = arith.sitofp %convert_element_type3A_226 : vector<16x2048xi32> to vector<16x2048xf32>
    %mul3A_228 = vector.broadcast %select_n3A_161 : vector<2048x1xf32> to vector<2048x128xf32>
    %mul3A_229 = arith.mulf %mul3A_228, %convert_element_type3A_192 : vector<2048x128xf32>
    %dot_general3A_230 = arith.constant dense<0.000000e+00> : vector<16x128xf32>
    %dot_general3A_231 = tpu.matmul %convert_element_type3A_227, %mul3A_229, %dot_general3A_230 {dimension_numbers = #tpu.dot_dimension_numbers<[1], [0], [0], [1], [0, 0, 1, 1], [], []>, precision = #tpu.contract_precision<fp32>, transpose_lhs_hint = false} : vector<16x2048xf32>, vector<2048x128xf32>, vector<16x128xf32> -> vector<16x128xf32>
    %mul3A_232 = vector.broadcast %select_n3A_168 : vector<2048x1xf32> to vector<2048x128xf32>
    %mul3A_233 = arith.mulf %mul3A_232, %convert_element_type3A_192 : vector<2048x128xf32>
    %dot_general3A_234 = arith.constant dense<0.000000e+00> : vector<16x128xf32>
    %dot_general3A_235 = tpu.matmul %convert_element_type3A_227, %mul3A_233, %dot_general3A_234 {dimension_numbers = #tpu.dot_dimension_numbers<[1], [0], [0], [1], [0, 0, 1, 1], [], []>, precision = #tpu.contract_precision<fp32>, transpose_lhs_hint = false} : vector<16x2048xf32>, vector<2048x128xf32>, vector<16x128xf32> -> vector<16x128xf32>
    %add3A_236 = arith.constant 5.000000e-01 : f32
    %add3A_237 = vector.broadcast %add3A_236 : f32 to vector<16x128xf32>
    %add3A_238 = arith.addf %dot_general3A_231, %add3A_237 : vector<16x128xf32>
    %convert_element_type3A_239 = arith.fptosi %add3A_238 : vector<16x128xf32> to vector<16x128xi32>
    %swap3A = arith.constant 0 : index
    %swap3A_240 = arith.constant 0 : index
    %swap3A_241 = vector.load %arg2[%swap3A, %swap3A_240] : memref<16x128xi32, #tpu.memory_space<vmem>>, vector<16x128xi32>
    tpu.vector_store %arg2[%swap3A, %swap3A_240], %convert_element_type3A_239 {strides = array<i32>} : memref<16x128xi32, #tpu.memory_space<vmem>>, vector<16x128xi32>,
    %add3A_242 = arith.constant 5.000000e-01 : f32
    %add3A_243 = vector.broadcast %add3A_242 : f32 to vector<16x128xf32>
    %add3A_244 = arith.addf %dot_general3A_235, %add3A_243 : vector<16x128xf32>
    %convert_element_type3A_245 = arith.fptosi %add3A_244 : vector<16x128xf32> to vector<16x128xi32>
    %swap3A_246 = arith.constant 0 : index
    %swap3A_247 = arith.constant 0 : index
    %swap3A_248 = vector.load %arg3[%swap3A_246, %swap3A_247] : memref<16x128xi32, #tpu.memory_space<vmem>>, vector<16x128xi32>
    tpu.vector_store %arg3[%swap3A_246, %swap3A_247], %convert_element_type3A_245 {strides = array<i32>} : memref<16x128xi32, #tpu.memory_space<vmem>>, vector<16x128xi32>,
    %jit3A_249 = arith.constant 8 : i32
    %eq3A_250 = arith.constant 0 : i32
    %eq3A_251 = arith.cmpi eq, %jit3A_249, %eq3A_250 : i32
    %jit3A_252 = arith.constant 1 : i32
    %select_n3A_253 = arith.select %eq3A_251, %jit3A_252, %jit3A_249 : i32
    %rem3A_254 = vector.broadcast %select_n3A_253 : i32 to vector<2048x128xi32>
    %rem3A_255 = arith.remsi %iota3A_169, %rem3A_254 : vector<2048x128xi32>
    %ne3A_256 = arith.constant 0 : i32
    %ne3A_257 = vector.broadcast %ne3A_256 : i32 to vector<2048x128xi32>
    %ne3A_258 = arith.cmpi ne, %rem3A_255, %ne3A_257 : vector<2048x128xi32>
    %lt3A_259 = arith.constant 0 : i32
    %lt3A_260 = vector.broadcast %lt3A_259 : i32 to vector<2048x128xi32>
    %lt3A_261 = arith.cmpi slt, %rem3A_255, %lt3A_260 : vector<2048x128xi32>
    %lt3A_262 = arith.constant 0 : i32
    %lt3A_263 = arith.cmpi slt, %select_n3A_253, %lt3A_262 : i32
    %ne3A_264 = vector.broadcast %lt3A_263 : i1 to vector<2048x128xi1>
    %ne3A_265 = vector.broadcast %ne3A_264 : vector<2048x128xi1> to vector<2048x128xi1>
    %ne3A_266 = arith.xori %lt3A_261, %ne3A_265 : vector<2048x128xi1>
    %and3A_267 = arith.andi %ne3A_266, %ne3A_258 : vector<2048x128xi1>
    %add3A_268 = vector.broadcast %select_n3A_253 : i32 to vector<2048x128xi32>
    %add3A_269 = arith.addi %rem3A_255, %add3A_268 : vector<2048x128xi32>
    %select_n3A_270 = arith.select %and3A_267, %add3A_269, %rem3A_255 : vector<2048x128xi1>, vector<2048x128xi32>
    %jit3A_271 = arith.constant 16 : i32
    %div3A_272 = vector.broadcast %jit3A_271 : i32 to vector<2048x128xi32>
    %div3A_273 = arith.divsi %iota3A_170, %div3A_272 : vector<2048x128xi32>
    %sign3A_274 = arith.constant 0 : i32
    %sign3A_275 = vector.broadcast %sign3A_274 : i32 to vector<2048x128xi32>
    %sign3A_276 = arith.cmpi sgt, %iota3A_170, %sign3A_275 : vector<2048x128xi32>
    %sign3A_277 = arith.extui %sign3A_276 : vector<2048x128xi1> to vector<2048x128xi32>
    %sign3A_278 = arith.constant 0 : i32
    %sign3A_279 = vector.broadcast %sign3A_278 : i32 to vector<2048x128xi32>
    %sign3A_280 = arith.cmpi slt, %iota3A_170, %sign3A_279 : vector<2048x128xi32>
    %sign3A_281 = arith.extui %sign3A_280 : vector<2048x128xi1> to vector<2048x128xi32>
    %sign3A_282 = arith.subi %sign3A_277, %sign3A_281 : vector<2048x128xi32>
    %sign3A_283 = arith.constant 0 : i32
    %sign3A_284 = arith.cmpi sgt, %jit3A_271, %sign3A_283 : i32
    %sign3A_285 = arith.extui %sign3A_284 : i1 to i32
    %sign3A_286 = arith.constant 0 : i32
    %sign3A_287 = arith.cmpi slt, %jit3A_271, %sign3A_286 : i32
    %sign3A_288 = arith.extui %sign3A_287 : i1 to i32
    %sign3A_289 = arith.subi %sign3A_285, %sign3A_288 : i32
    %ne3A_290 = vector.broadcast %sign3A_289 : i32 to vector<2048x128xi32>
    %ne3A_291 = arith.cmpi ne, %sign3A_282, %ne3A_290 : vector<2048x128xi32>
    %rem3A_292 = vector.broadcast %jit3A_271 : i32 to vector<2048x128xi32>
    %rem3A_293 = arith.remsi %iota3A_170, %rem3A_292 : vector<2048x128xi32>
    %ne3A_294 = arith.constant 0 : i32
    %ne3A_295 = vector.broadcast %ne3A_294 : i32 to vector<2048x128xi32>
    %ne3A_296 = arith.cmpi ne, %rem3A_293, %ne3A_295 : vector<2048x128xi32>
    %and3A_297 = arith.andi %ne3A_291, %ne3A_296 : vector<2048x128xi1>
    %sub3A_298 = arith.constant 1 : i32
    %sub3A_299 = vector.broadcast %sub3A_298 : i32 to vector<2048x128xi32>
    %sub3A_300 = arith.subi %div3A_273, %sub3A_299 : vector<2048x128xi32>
    %select_n3A_301 = arith.select %and3A_297, %sub3A_300, %div3A_273 : vector<2048x128xi1>, vector<2048x128xi32>
    %eq3A_302 = arith.cmpi eq, %select_n3A_270, %select_n3A_301 : vector<2048x128xi32>
    %convert_element_type3A_303 = arith.extui %eq3A_302 : vector<2048x128xi1> to vector<2048x128xi32>
    %convert_element_type3A_304 = arith.sitofp %convert_element_type3A_303 : vector<2048x128xi32> to vector<2048x128xf32>
    %iota3A_305 = tpu.iota {dimensions = array<i32: 0>} : vector<256x2048xi32>
    %iota3A_306 = tpu.iota {dimensions = array<i32: 1>} : vector<256x2048xi32>
    %jit3A_307 = arith.constant 8 : i32
    %div3A_308 = vector.broadcast %jit3A_307 : i32 to vector<256x2048xi32>
    %div3A_309 = arith.divsi %iota3A_306, %div3A_308 : vector<256x2048xi32>
    %sign3A_310 = arith.constant 0 : i32
    %sign3A_311 = vector.broadcast %sign3A_310 : i32 to vector<256x2048xi32>
    %sign3A_312 = arith.cmpi sgt, %iota3A_306, %sign3A_311 : vector<256x2048xi32>
    %sign3A_313 = arith.extui %sign3A_312 : vector<256x2048xi1> to vector<256x2048xi32>
    %sign3A_314 = arith.constant 0 : i32
    %sign3A_315 = vector.broadcast %sign3A_314 : i32 to vector<256x2048xi32>
    %sign3A_316 = arith.cmpi slt, %iota3A_306, %sign3A_315 : vector<256x2048xi32>
    %sign3A_317 = arith.extui %sign3A_316 : vector<256x2048xi1> to vector<256x2048xi32>
    %sign3A_318 = arith.subi %sign3A_313, %sign3A_317 : vector<256x2048xi32>
    %sign3A_319 = arith.constant 0 : i32
    %sign3A_320 = arith.cmpi sgt, %jit3A_307, %sign3A_319 : i32
    %sign3A_321 = arith.extui %sign3A_320 : i1 to i32
    %sign3A_322 = arith.constant 0 : i32
    %sign3A_323 = arith.cmpi slt, %jit3A_307, %sign3A_322 : i32
    %sign3A_324 = arith.extui %sign3A_323 : i1 to i32
    %sign3A_325 = arith.subi %sign3A_321, %sign3A_324 : i32
    %ne3A_326 = vector.broadcast %sign3A_325 : i32 to vector<256x2048xi32>
    %ne3A_327 = arith.cmpi ne, %sign3A_318, %ne3A_326 : vector<256x2048xi32>
    %rem3A_328 = vector.broadcast %jit3A_307 : i32 to vector<256x2048xi32>
    %rem3A_329 = arith.remsi %iota3A_306, %rem3A_328 : vector<256x2048xi32>
    %ne3A_330 = arith.constant 0 : i32
    %ne3A_331 = vector.broadcast %ne3A_330 : i32 to vector<256x2048xi32>
    %ne3A_332 = arith.cmpi ne, %rem3A_329, %ne3A_331 : vector<256x2048xi32>
    %and3A_333 = arith.andi %ne3A_327, %ne3A_332 : vector<256x2048xi1>
    %sub3A_334 = arith.constant 1 : i32
    %sub3A_335 = vector.broadcast %sub3A_334 : i32 to vector<256x2048xi32>
    %sub3A_336 = arith.subi %div3A_309, %sub3A_335 : vector<256x2048xi32>
    %select_n3A_337 = arith.select %and3A_333, %sub3A_336, %div3A_309 : vector<256x2048xi1>, vector<256x2048xi32>
    %eq3A_338 = arith.cmpi eq, %select_n3A_337, %iota3A_305 : vector<256x2048xi32>
    %convert_element_type3A_339 = arith.extui %eq3A_338 : vector<256x2048xi1> to vector<256x2048xi32>
    %convert_element_type3A_340 = arith.sitofp %convert_element_type3A_339 : vector<256x2048xi32> to vector<256x2048xf32>
    %mul3A_341 = arith.mulf %broadcast_in_dim3A_13, %broadcast_in_dim3A_142 : vector<2048x1xf32>
    %mul3A_342 = vector.broadcast %mul3A_341 : vector<2048x1xf32> to vector<2048x128xf32>
    %mul3A_343 = arith.mulf %mul3A_342, %convert_element_type3A_304 : vector<2048x128xf32>
    %dot_general3A_344 = arith.constant dense<0.000000e+00> : vector<256x128xf32>
    %dot_general3A_345 = tpu.matmul %convert_element_type3A_340, %mul3A_343, %dot_general3A_344 {dimension_numbers = #tpu.dot_dimension_numbers<[1], [0], [0], [1], [0, 0, 1, 1], [], []>, precision = #tpu.contract_precision<fp32>, transpose_lhs_hint = false} : vector<256x2048xf32>, vector<2048x128xf32>, vector<256x128xf32> -> vector<256x128xf32>
    %swap3A_346 = arith.constant 0 : index
    %swap3A_347 = arith.constant 0 : index
    %swap3A_348 = vector.load %arg4[%swap3A_346, %swap3A_347] : memref<256x128xf32, #tpu.memory_space<vmem>>, vector<256x128xf32>
    tpu.vector_store %arg4[%swap3A_346, %swap3A_347], %dot_general3A_345 {strides = array<i32>} : memref<256x128xf32, #tpu.memory_space<vmem>>, vector<256x128xf32>,
    %mul3A_349 = arith.mulf %broadcast_in_dim3A_25, %broadcast_in_dim3A_147 : vector<2048x1xf32>
    %mul3A_350 = vector.broadcast %mul3A_349 : vector<2048x1xf32> to vector<2048x128xf32>
    %mul3A_351 = arith.mulf %mul3A_350, %convert_element_type3A_304 : vector<2048x128xf32>
    %dot_general3A_352 = arith.constant dense<0.000000e+00> : vector<256x128xf32>
    %dot_general3A_353 = tpu.matmul %convert_element_type3A_340, %mul3A_351, %dot_general3A_352 {dimension_numbers = #tpu.dot_dimension_numbers<[1], [0], [0], [1], [0, 0, 1, 1], [], []>, precision = #tpu.contract_precision<fp32>, transpose_lhs_hint = false} : vector<256x2048xf32>, vector<2048x128xf32>, vector<256x128xf32> -> vector<256x128xf32>
    %swap3A_354 = arith.constant 0 : index
    %swap3A_355 = arith.constant 0 : index
    %swap3A_356 = vector.load %arg5[%swap3A_354, %swap3A_355] : memref<256x128xf32, #tpu.memory_space<vmem>>, vector<256x128xf32>
    tpu.vector_store %arg5[%swap3A_354, %swap3A_355], %dot_general3A_353 {strides = array<i32>} : memref<256x128xf32, #tpu.memory_space<vmem>>, vector<256x128xf32>,
    %swap3A_357 = arith.constant 0 : index
    %swap3A_358 = arith.constant 0 : index
    %swap3A_359 = vector.load %arg6[%swap3A_357, %swap3A_358] : memref<1x8xi32, #tpu.memory_space<vmem>>, vector<1x8xi32>
    tpu.vector_store %arg6[%swap3A_357, %swap3A_358], %convert_element_type3A_126 {strides = array<i32>} : memref<1x8xi32, #tpu.memory_space<vmem>>, vector<1x8xi32>,
    return
  }
}

module attributes {stable_mosaic.version = 14 : i64} {
  func.func @_expert_body(%arg0: i32, %arg1: memref<8xi32, #tpu.memory_space<smem>>, %arg2: memref<1024x768xf32, #tpu.memory_space<vmem>>, %arg3: memref<1x768x768xf32, #tpu.memory_space<vmem>>, %arg4: memref<1x1x768xf32, #tpu.memory_space<vmem>>, %arg5: memref<1x768x768xf32, #tpu.memory_space<vmem>>, %arg6: memref<1x1x768xf32, #tpu.memory_space<vmem>>, %arg7: memref<1024x768xf32, #tpu.memory_space<vmem>>) attributes {dimension_semantics = [#tpu.dimension_semantics<arbitrary>], iteration_bounds = array<i64: 8>, scalar_prefetch = 1 : i64, scratch_operands = 0 : i64, tpu.core_type = #tpu.core_type<tc>, window_params = [{transform_indices = @transform_0, window_bounds = array<i64: 1024, 768>}, {transform_indices = @transform_1, window_bounds = array<i64: 1, 768, 768>}, {transform_indices = @transform_2, window_bounds = array<i64: 1, 1, 768>}, {transform_indices = @transform_3, window_bounds = array<i64: 1, 768, 768>}, {transform_indices = @transform_4, window_bounds = array<i64: 1, 1, 768>}, {transform_indices = @transform_5, window_bounds = array<i64: 1024, 768>}]} {
    %get3A = arith.index_cast %arg0 : i32 to index
    %get3A_0 = memref.load %arg1[%get3A] : memref<8xi32, #tpu.memory_space<smem>>
    %gt3A = arith.constant 0 : i32
    %gt3A_1 = arith.cmpi sgt, %get3A_0, %gt3A : i32
    %le3A = arith.constant 1024 : i32
    %le3A_2 = arith.cmpi sle, %get3A_0, %le3A : i32
    %and3A = arith.andi %gt3A_1, %le3A_2 : i1
    %convert_element_type3A = arith.extui %and3A : i1 to i32
    %cond3A = arith.constant 0 : i32
    %cond3A_3 = arith.cmpi ne, %convert_element_type3A, %cond3A : i32
    scf.if %cond3A_3 {
      %get3A_4 = arith.constant 0 : index
      %get3A_5 = arith.constant 0 : index
      %get3A_6 = vector.load %arg2[%get3A_4, %get3A_5] : memref<1024x768xf32, #tpu.memory_space<vmem>>, vector<1024x768xf32>
      %convert_element_type3A_7 = arith.truncf %get3A_6 : vector<1024x768xf32> to vector<1024x768xbf16>
      %get3A_8 = arith.constant 0 : index
      %get3A_9 = arith.constant 0 : index
      %get3A_10 = arith.constant 0 : index
      %get3A_11 = vector.load %arg3[%get3A_8, %get3A_9, %get3A_10] : memref<1x768x768xf32, #tpu.memory_space<vmem>>, vector<1x768x768xf32>
      %get3A_12 = vector.shape_cast %get3A_11 : vector<1x768x768xf32> to vector<768x768xf32>
      %convert_element_type3A_13 = arith.truncf %get3A_12 : vector<768x768xf32> to vector<768x768xbf16>
      %dot_general3A = arith.constant dense<0.000000e+00> : vector<1024x768xf32>
      %dot_general3A_14 = tpu.matmul %convert_element_type3A_7, %convert_element_type3A_13, %dot_general3A {dimension_numbers = #tpu.dot_dimension_numbers<[1], [1], [0], [0], [0, 0, 1, 0], [], []>, transpose_lhs_hint = false} : vector<1024x768xbf16>, vector<768x768xbf16>, vector<1024x768xf32> -> vector<1024x768xf32>
      %get3A_15 = arith.constant 0 : index
      %get3A_16 = arith.constant 0 : index
      %get3A_17 = arith.constant 0 : index
      %get3A_18 = vector.load %arg4[%get3A_15, %get3A_16, %get3A_17] : memref<1x1x768xf32, #tpu.memory_space<vmem>>, vector<1x1x768xf32>
      %get3A_19 = vector.shape_cast %get3A_18 : vector<1x1x768xf32> to vector<1x768xf32>
      %add3A = vector.broadcast %get3A_19 : vector<1x768xf32> to vector<1024x768xf32>
      %add3A_20 = arith.addf %dot_general3A_14, %add3A : vector<1024x768xf32>
      %neg3A = arith.constant 0.000000e+00 : f32
      %neg3A_21 = vector.broadcast %neg3A : f32 to vector<1024x768xf32>
      %neg3A_22 = arith.subf %neg3A_21, %add3A_20 : vector<1024x768xf32>
      %exp3A = math.exp %neg3A_22 : vector<1024x768xf32>
      %add3A_23 = arith.constant 1.000000e+00 : f32
      %add3A_24 = vector.broadcast %add3A_23 : f32 to vector<1024x768xf32>
      %add3A_25 = arith.addf %add3A_24, %exp3A : vector<1024x768xf32>
      %div3A = arith.constant 1.000000e+00 : f32
      %div3A_26 = vector.broadcast %div3A : f32 to vector<1024x768xf32>
      %div3A_27 = arith.divf %div3A_26, %add3A_25 : vector<1024x768xf32>
      %mul3A = arith.mulf %add3A_20, %div3A_27 : vector<1024x768xf32>
      %convert_element_type3A_28 = arith.truncf %mul3A : vector<1024x768xf32> to vector<1024x768xbf16>
      %get3A_29 = arith.constant 0 : index
      %get3A_30 = arith.constant 0 : index
      %get3A_31 = arith.constant 0 : index
      %get3A_32 = vector.load %arg5[%get3A_29, %get3A_30, %get3A_31] : memref<1x768x768xf32, #tpu.memory_space<vmem>>, vector<1x768x768xf32>
      %get3A_33 = vector.shape_cast %get3A_32 : vector<1x768x768xf32> to vector<768x768xf32>
      %convert_element_type3A_34 = arith.truncf %get3A_33 : vector<768x768xf32> to vector<768x768xbf16>
      %dot_general3A_35 = arith.constant dense<0.000000e+00> : vector<1024x768xf32>
      %dot_general3A_36 = tpu.matmul %convert_element_type3A_28, %convert_element_type3A_34, %dot_general3A_35 {dimension_numbers = #tpu.dot_dimension_numbers<[1], [1], [0], [0], [0, 0, 1, 0], [], []>, transpose_lhs_hint = false} : vector<1024x768xbf16>, vector<768x768xbf16>, vector<1024x768xf32> -> vector<1024x768xf32>
      %get3A_37 = arith.constant 0 : index
      %get3A_38 = arith.constant 0 : index
      %get3A_39 = arith.constant 0 : index
      %get3A_40 = vector.load %arg6[%get3A_37, %get3A_38, %get3A_39] : memref<1x1x768xf32, #tpu.memory_space<vmem>>, vector<1x1x768xf32>
      %get3A_41 = vector.shape_cast %get3A_40 : vector<1x1x768xf32> to vector<1x768xf32>
      %add3A_42 = vector.broadcast %get3A_41 : vector<1x768xf32> to vector<1024x768xf32>
      %add3A_43 = arith.addf %dot_general3A_36, %add3A_42 : vector<1024x768xf32>
      %swap3A = arith.constant 0 : index
      %swap3A_44 = arith.constant 0 : index
      %swap3A_45 = vector.load %arg7[%swap3A, %swap3A_44] : memref<1024x768xf32, #tpu.memory_space<vmem>>, vector<1024x768xf32>
      tpu.vector_store %arg7[%swap3A, %swap3A_44], %add3A_43 {strides = array<i32>} : memref<1024x768xf32, #tpu.memory_space<vmem>>, vector<1024x768xf32>,
    } else {
    }
    return
  }
  func.func @transform_0(%arg0: i32, %arg1: memref<8xi32, #tpu.memory_space<smem>>) -> (i32, i32) {
    %c0_i32 = arith.constant 0 : i32
    %c0_i32_0 = arith.constant 0 : i32
    return %arg0, %c0_i32 : i32, i32
  }
  func.func @transform_1(%arg0: i32, %arg1: memref<8xi32, #tpu.memory_space<smem>>) -> (i32, i32, i32) {
    %c0_i32 = arith.constant 0 : i32
    %c0_i32_0 = arith.constant 0 : i32
    %c0_i32_1 = arith.constant 0 : i32
    return %arg0, %c0_i32, %c0_i32_0 : i32, i32, i32
  }
  func.func @transform_2(%arg0: i32, %arg1: memref<8xi32, #tpu.memory_space<smem>>) -> (i32, i32, i32) {
    %c0_i32 = arith.constant 0 : i32
    %c0_i32_0 = arith.constant 0 : i32
    %c0_i32_1 = arith.constant 0 : i32
    return %arg0, %c0_i32, %c0_i32_0 : i32, i32, i32
  }
  func.func @transform_3(%arg0: i32, %arg1: memref<8xi32, #tpu.memory_space<smem>>) -> (i32, i32, i32) {
    %c0_i32 = arith.constant 0 : i32
    %c0_i32_0 = arith.constant 0 : i32
    %c0_i32_1 = arith.constant 0 : i32
    return %arg0, %c0_i32, %c0_i32_0 : i32, i32, i32
  }
  func.func @transform_4(%arg0: i32, %arg1: memref<8xi32, #tpu.memory_space<smem>>) -> (i32, i32, i32) {
    %c0_i32 = arith.constant 0 : i32
    %c0_i32_0 = arith.constant 0 : i32
    %c0_i32_1 = arith.constant 0 : i32
    return %arg0, %c0_i32, %c0_i32_0 : i32, i32, i32
  }
  func.func @transform_5(%arg0: i32, %arg1: memref<8xi32, #tpu.memory_space<smem>>) -> (i32, i32) {
    %c0_i32 = arith.constant 0 : i32
    %c0_i32_0 = arith.constant 0 : i32
    return %arg0, %c0_i32 : i32, i32
  }
}

</mosaic_0001>

<sc_bundles>
// kernel: kernel.6.cloned.1.call-start
scs
__scs_entry_jumppad:
0x0: {  	(pc) =	sbr.rel $0x88, $3  }
0x1: {  	(tag) =	ssettag $0x0;
	lr =	simm.s32 $0x1  }
0x2: {  	[smem:$0x3F9B] =	sst lr;
	_ =	strace $0xD0000000  }
0x3: {  	_ = 	snop  }
0x4: {  	_ = 	snop  }
0x5: {  	_ = 	snop  }
0x6: {  	_ = 	snop  }
0x7: {  	_ = 	snop  }
__scs_overlays_trampoline_lowered:
0x8: {  	[smem:$0x3FAA] =	sst s0  }
0x9: {  	[smem:$0x3FAB] =	sst s1  }
0xa: {  	[smem:$0x3FAC] =	sst s2  }
0xb: {  	[smem:$0x3FAD] =	sst s3  }
0xc: {  	[smem:$0x3FAE] =	sst s4  }
0xd: {  	[smem:$0x3FAF] =	sst s5  }
0xe: {  	[smem:$0x3FB0] =	sst s6  }
0xf: {  	[smem:$0x3FB1] =	sst s7  }
0x10: {  	[smem:$0x3FB2] =	sst s8  }
0x11: {  	[smem:$0x3FB3] =	sst s9;
	s0 =	simm.s32 @!p0 $0x0  }
0x12: {  	s1 =	sld [smem:$0x3F99];
	s0 =	simm.s32 @p0 $0x1  }
0x13: {  	[smem:$0x3FB4] =	sst s0;
	s0 =	simm.s32 @!p1 $0x0  }
0x14: {  	s2 =	sld [smem:$0x3F98];
	s0 =	simm.s32 @p1 $0x1  }
0x15: {  	[smem:$0x3FB5] =	sst s0;
	s0 =	simm.s32 @!p2 $0x0  }
0x16: {  	s3 =	sld [smem:$0x3FDB];
	s0 =	simm.s32 @p2 $0x1  }
0x17: {  	s4 =	simm.s32 $0x1BF5;
	[smem:$0x3FB7] =	sst s0  }
0x18: {  	s0 =	sld [smem:$0x3F9A];
	_ =	swait.ge [sflag:s4], $0x0  }
0x19: {  	s7 =	sld [smem:$0x3F9B]  }
0x1a: {  	s8 =	sadd.s32 $0xFFFFE003, lr  }
0x1b: {  	s9 =	sadd.s32 $0xFFFFFEF7, lr;
	s5 =	simm.s32 $0xFFFFFFFF;
	p2 =	slt.u32 s8, $0xFFFFF086  }
0x1c: {  	p1 =	slt.u32 s9, $0xF7A;
	s5 =	simm.s32 @!p2 $0x0  }
0x1d: {  	s5 =	simm.s32 @p1 $0x1;
	p0 =	seq.s32 s7, s2  }
0x1e: {  	s7 =	smul.u32 @!p0 $0xF7A, s2;
	p2 =	seq.s32 @!p0 s5, $0x0  }
0x1f: {  	s9 =	smul.u32 $0xF7A, s1;
	s8 =	simm.s32 @!p0 $0x1BF5;
	p2 =	por !p2, p0  }
0x20: {  	[sflag:s8] =	ssyncset.s32 @!p0 $0xFFFFF086;
	s6 =	sadd.s32 @!p0 s3, s7;
	s7 =	simm.s32 @!p0 $0x108  }
0x21: {  	s3 =	sadd.s32 s3, s9;
	s6 =	sadd.s32 @!p0 $0x88, s6;
	s7 =	simm.s32 @p2 $0x1082  }
0x22: {  	[simem:s7], [sflag:s8] =	dma.local @!p0 [hbm:s6], $0xF7A  }
0x23: {  	s9 =	sor.u32 $0xD0000000, s2;
	s6 =	simm.s32 $0x108;
	_ =	swait.ge @!p0 [sflag:s8], $0x0  }
0x24: {  	s3 =	sadd.s32 $0x88, s3;
	s6 =	simm.s32 @!p1 $0x1082;
	[sflag:s4] =	ssyncset.s32 $0xFFFFF086  }
0x25: {  	[simem:s6], [sflag:s4] =	dma.local [hbm:s3], $0xF7A  }
0x26: {  	[smem:$0x3F9B] =	sst s1;
	(tag) =	ssettag s2;
	_ =	strace s9  }
0x27: {  	s1 =	sld [smem:$0x3FAB]  }
0x28: {  	s2 =	sld [smem:$0x3FAC]  }
0x29: {  	s4 =	sld [smem:$0x3FAE]  }
0x2a: {  	p0 =	seq.s32 s5, $0x0;
	s5 =	sld [smem:$0x3FAF]  }
0x2b: {  	s6 =	sld [smem:$0x3FB0]  }
0x2c: {  	s7 =	sld [smem:$0x3FB1]  }
0x2d: {  	s3 =	simm.s32 $0x108;
	s8 =	sld [smem:$0x3FB2]  }
0x2e: {  	s3 =	simm.s32 @!p0 $0x1082;
	s9 =	sld [smem:$0x3FB3]  }
0x2f: {  	lr =	sadd.s32 s0, s3;
	s0 =	sld [smem:$0x3FAA]  }
0x30: {  	s3 =	sld [smem:$0x3FAD]  }
0x31: {  	[smem:$0x3FB6] =	sst s10  }
0x32: {  	s10 =	sld [smem:$0x3FB4];
	_ =	sdelay $0x3  }
0x33: {  	p0 =	seq.s32 s10, $0x1;
	s10 =	sld [smem:$0x3FB6];
	_ =	sdelay $0x3  }
0x34: {  	[smem:$0x3FB6] =	sst s10  }
0x35: {  	s10 =	sld [smem:$0x3FB5];
	_ =	sdelay $0x3  }
0x36: {  	p1 =	seq.s32 s10, $0x1;
	s10 =	sld [smem:$0x3FB6];
	_ =	sdelay $0x3  }
0x37: {  	[smem:$0x3FB6] =	sst s10  }
0x38: {  	s10 =	sld [smem:$0x3FB7]  }
0x39: {  	_ = 	snop;
	(pc) =	sbr.ind lr, $3  }
0x3a: {  	_ = 	snop  }
0x3b: {  	_ = 	snop  }
0x3c: {  	p2 =	seq.s32 s10, $0x1;
	s10 =	sld [smem:$0x3FB6]  }
0x3d: {  	_ =	shalt  }
0x3e: {  	_ =	shalt  }
0x3f: {  	_ =	shalt  }
0x40: {  	_ =	shalt  }
0x41: {  	_ =	shalt  }
0x42: {  	_ =	shalt  }
0x43: {  	_ =	shalt  }
0x44: {  	_ =	shalt  }
0x45: {  	_ =	shalt  }
0x46: {  	_ =	shalt  }
0x47: {  	_ =	shalt  }
0x48: {  	_ =	shalt  }
0x49: {  	_ =	shalt  }
0x4a: {  	_ =	shalt  }
0x4b: {  	_ =	shalt  }
0x4c: {  	_ =	shalt  }
0x4d: {  	_ =	shalt  }
0x4e: {  	_ =	shalt  }
0x4f: {  	_ =	shalt  }
0x50: {  	_ =	shalt  }
0x51: {  	_ =	shalt  }
0x52: {  	_ =	shalt  }
0x53: {  	_ =	shalt  }
0x54: {  	_ =	shalt  }
0x55: {  	_ =	shalt  }
0x56: {  	_ =	shalt  }
0x57: {  	_ =	shalt  }
0x58: {  	_ =	shalt  }
0x59: {  	_ =	shalt  }
0x5a: {  	_ =	shalt  }
0x5b: {  	_ =	shalt  }
0x5c: {  	_ =	shalt  }
0x5d: {  	_ =	shalt  }
0x5e: {  	_ =	shalt  }
0x5f: {  	_ =	shalt  }
0x60: {  	_ =	shalt  }
0x61: {  	_ =	shalt  }
0x62: {  	_ =	shalt  }
0x63: {  	_ =	shalt  }
0x64: {  	_ =	shalt  }
0x65: {  	_ =	shalt  }
0x66: {  	_ =	shalt  }
0x67: {  	_ =	shalt  }
0x68: {  	_ =	shalt  }
0x69: {  	_ =	shalt  }
0x6a: {  	_ =	shalt  }
0x6b: {  	_ =	shalt  }
0x6c: {  	_ =	shalt  }
0x6d: {  	_ =	shalt  }
0x6e: {  	_ =	shalt  }
0x6f: {  	_ =	shalt  }
0x70: {  	_ =	shalt  }
0x71: {  	_ =	shalt  }
0x72: {  	_ =	shalt  }
0x73: {  	_ =	shalt  }
0x74: {  	_ =	shalt  }
0x75: {  	_ =	shalt  }
0x76: {  	_ =	shalt  }
0x77: {  	_ =	shalt  }
0x78: {  	_ =	shalt  }
0x79: {  	_ =	shalt  }
0x7a: {  	_ =	shalt  }
0x7b: {  	_ =	shalt  }
0x7c: {  	_ =	shalt  }
0x7d: {  	_ =	shalt  }
0x7e: {  	_ =	shalt  }
0x7f: {  	_ =	shalt  }
0x80: {  	_ =	shalt  }
0x81: {  	_ =	shalt  }
0x82: {  	_ =	shalt  }
0x83: {  	_ =	shalt  }
0x84: {  	_ =	shalt  }
0x85: {  	_ =	shalt  }
0x86: {  	_ =	shalt  }
0x87: {  	_ =	shalt  }
.Lfunc_end0:
.L_simem_size_0:
called_computation_lowered:
.L_overlay_start_0:
0x88: {  	s2 =	sld [smem:$0x3FD9]  }
0x89: {  	s3 =	sld [smem:$0x3FFE];
	_ =	sdelay $0x1  }
0x8a: {  	s1 =	srdreg.scid  }
0x8b: {  	s0 =	sand.u32 $0x1, s1  }
0x8c: {  	s17 =	sshll.u32 s0, $0xA;
	s2 =	sadd.s32 s3, s2  }
0x8d: {  	s2 =	sadd.s32 s2, s17  }
0x8e: {  	[smem:$0x3FC2] =	sst s2  }
0x8f: {  	_ = 	snop  }
0x90: {  	s2 =	sld [smem:$0x3FC9];
	(tm) =	ssettm $0x1  }
0x91: {  	s18 =	sld [smem:$0x3FFB];
	_ =	sdelay $0x3  }
0x92: {  	_ =	strace s18  }
0x93: {  	s3 =	sld [smem:$0x3FFC];
	_ =	sdelay $0x3  }
0x94: {  	_ =	strace s3  }
0x95: {  	s3 =	sld [smem:$0x3FFD];
	_ =	sdelay $0x3  }
0x96: {  	_ =	strace s3  }
0x97: {  	_ =	strace $0x8FFFFFFF  }
0x98: {  	s19 =	sld [smem:$0x3FDB];
	_ =	sdelay $0x1  }
0x99: {  	s4 =	simm.s32 $_scs_section_size  }
0x9a: {  	s5 =	simm.s32 $_size__tile_overlayer_lowered;
	s6 =	simm.s32 $_tile_overlayer_lowered  }
0x9b: {  	s22 =	simm.s32 $0x1BFF;
	s21 =	sshll.u32 s6, $0x1;
	s3 =	sadd.s32 s4, s19  }
0x9c: {  	s7 =	simm.s32 $0x0;
	s20 =	sshll.u32 s5, $0x1;
	s5 =	sadd.s32 s21, s3  }
0x9d: {  	[timem:s7], [sflag:s22] =	dma.local [hbm:s5], s20  }
0x9e: {  	_ =	swait.ge [sflag:s22], s20  }
0x9f: {  	s4 =	ssub.s32 $0x0, s20;
	[sflag:s22] =	ssyncset.done $0x0  }
0xa0: {  	[sflag:s22] =	ssyncadd.s32 s4;
	_ =	sdelay $0x1  }
0xa1: {  	s23 =	simm.s32 $0x1B8B  }
0xa2: {  	_ =	swait.ge [sflag:s23], $0x1  }
0xa3: {  	[sflag:s23] =	ssyncset.done $0x0  }
0xa4: {  	s25 =	simm.s32 $0x1B8E;
	s24 =	sld [smem:$0x3FFE];
	[sflag:s23] =	ssyncadd.s32 $0xFFFFFFFF  }
0xa5: {  	s26 =	simm.s32 $execute0_lowered;
	[smem:$0x3FD2] =	sst s25  }
0xa6: {  	s5 =	sshll.u32 s26, $0x1;
	_ =	strace $0x80000046;
	[dreg:$0x1] =	wrdreg $0xFFFFFFFF  }
0xa7: {  	s28 =	simm.s32 $_size_execute0_lowered;
	s3 =	sadd.s32 s3, s5;
	[dreg:$0x0] =	wrdreg $0x0  }
0xa8: {  	s5 =	sshll.u32 s28, $0x1;
	[dreg:$0x2] =	wrdreg s3  }
0xa9: {  	[dreg:$0x3] =	wrdreg s5  }
0xaa: {  	[dreg:$0x4] =	wrdreg $0xC0  }
0xab: {  	_ =	task [dreg:s7], $0x5FFFF  }
0xac: {  	[dreg:$0x1] =	wrdreg $0xFFFFFFFF  }
0xad: {  	[dreg:$0x0] =	wrdreg $0x60  }
0xae: {  	[dreg:$0x2] =	wrdreg s2  }
0xaf: {  	[dreg:$0x3] =	wrdreg s24  }
0xb0: {  	[dreg:$0x4] =	wrdreg $0x9  }
0xb1: {  	_ =	task.clear_ibuf [dreg:s7], $0x5FFFF;
	_ =	strace $0x90000046  }
0xb2: {  	s29 =	simm.s32 $0x9;
	_ =	strace $0x80000048  }
0xb3: {  	_ =	swait.ge [sflag:s29], $0x1  }
0xb4: {  	[sflag:s29] =	ssyncadd.s32 $0xFFFFFFFF  }
0xb5: {  	_ =	strace $0x90000048  }
0xb6: {  	_ =	sfence  }
0xb7: {  	s30 =	sld [smem:$0x0];
	_ =	sdelay $0x2  }
0xb8: {  	s31 =	sshll.u32 s1, $0xD;
	s1 =	sshrl.u32 s1, $0x2  }
0xb9: {  	s3 =	sand.u32 $0x4000, s31;
	s1 =	sadd.s32 s1, s30  }
0xba: {  	s0 =	sor.u32 s3, s0;
	s1 =	sshll.u32 s1, $0x11  }
0xbb: {  	s0 =	sor.u32 s1, s0  }
0xbc: {  	s0 =	sadd.s32 $0x8F2B, s0  }
0xbd: {  	[sflag:s0] =	ssyncadd.remote.s32 $0x1  }
0xbe: {  	_ =	sfence.sel $0xFFFF  }
0xbf: {  	[dreg:$0x0] =	wrdreg $0xFFFFFFFF;
	(pc) =	sbr.abs _section_cstart, $3  }
0xc0: {  	[dreg:$0x1] =	wrdreg $0xFFFFFFFF  }
0xc1: {  	_ =	task.clear_ibuf [dreg:s7], $0x2FFFF;
	_ =	strace $0x9FFFFFFF  }
0xc2: {  	(tm) =	ssettm $0x7FFFFFFF  }
0xc3: {  	_ =	shalt  }
tec
execute0_lowered:
.L_overlay_start_1:
0x0: {  	(tag) =	ssettag $0x1  }
0x1: {  	s0 =	srdreg.scid  }
0x2: {  	s2 =	stileid.u32;
	s1 =	rddreg [dreg:$0x0]  }
0x3: {  	s5 =	rddreg [dreg:$0x1];
	s8 =	simm.s32 $0x4;
	s26 =	simm.s32 $0x80  }
0x4: {  	s11 =	simm.s32 $0x3;
	s9 =	simm.s32 $0x100;
	s14 =	simm.s32 $0x1900  }
0x5: {  	s15 =	simm.s32 $0x2100;
	s16 =	simm.s32 $0x2900;
	s17 =	simm.s32 $0x3100  }
0x6: {  	s18 =	simm.s32 $0x3900;
	s19 =	simm.s32 $0x4100;
	s20 =	simm.s32 $0x4900  }
0x7: {  	s21 =	simm.s32 $0x5100;
	s22 =	simm.s32 $0x5900;
	s28 =	simm.s32 $0x8100  }
0x8: {  	s29 =	simm.s32 $0x8900;
	s30 =	simm.s32 $0x9100;
	s31 =	simm.s32 $0x9900  }
0x9: {  	s7 =	simm.s32 $0xB100;
	s10 =	simm.s32 $0xB900;
	s0 =	sand.u32 $0x1, s0  }
0xa: {  	s2 =	sshll.u32 s2, $0x4;
	s3 =	sshll.u32 s0, $0x3;
	s0 =	ssub.s32 $0x2, s0  }
0xb: {  	s3 =	sor.u32 s3, s2;
	s2 =	simm.s32 $0x0;
	s24 =	sshrl.u32 s0, $0x1  }
0xc: {  	s4 =	smul.u32 $0x300, s3;
	[smem:$0x7FF] =	sst s2;
	s3 =	sadd.s32 s3, s5  }
0xd: {  	s0 =	ssub.s32 s0, s24;
	s24 =	simm.s32 $0x6900;
	_ =	strace $0x80000047  }
0xe: {  	s23 =	sadd.s32 $0x4E00, s3;
	s25 =	sadd.s32 $0x5000, s3;
	[dreg:$0x6] =	wrdreg s26  }
0xf: {  	s3 =	sadd.s32 $0x5200, s5;
	s6 =	smax.u32 s0, $0x1;
	[dreg:$0x4] =	wrdreg s23  }
0x10: {  	v2 =	vlaneseq.u32;
	s26 =	simm.s32 $0x7900;
	s1 =	sadd.s32 s1, s4;
	[dreg:$0x5] =	wrdreg s25  }
0x11: {  	vm0 =	vmmov $0xffff;
	v1 =	vshrl.u32 v2, $0x3;
	s4 =	sadd.s32 $0x5300, s5;
	s5 =	sadd.s32 $0x5400, s5;
	s23 =	simm.s32 $0x6100  }
0x12: {  	v0 =	vand.u32 $0x7, v2;
	v2 =	vor.u32 $0x8, v2;
	v1 =	vmul.u32 $0x8, v1;
	s25 =	simm.s32 $0x7100;
	[dreg:$0x3] =	wrdreg s1;
	s1 =	simm.s32 $0xA100  }
.LBB2_1:
0x13: {  	s12 =	rddreg [dreg:$0x3]  }
0x14: {  	[tilespmem:s9], [sflag:$0x1] =	stream.linear.gather [hbm4b:s12+s2], $0xC000, $0x38;
	[tilespmem:$0xC100] =	vst v63  }
0x15: {  	s13 =	rddreg [dreg:$0x4]  }
0x16: {  	[tilespmem:s2], [sflag:$0x4] =	stream.linear.gather [hbm4b:s13+s2], $0x40, $0x38;
	[tilespmem:$0xC100] =	vst v63  }
0x17: {  	_ =	swait.ge [sflag:s8], $0x40  }
0x18: {  	s13 =	rddreg [dreg:$0x5];
	[sflag:s8] =	ssyncset.done $0x0  }
0x19: {  	s0 =	rddreg [dreg:$0x6];
	[sflag:s8] =	ssyncadd.s32 $0xFFFFFFC0  }
0x1a: {  	[tilespmem:s0], [sflag:$0x4] =	stream.linear.gather [hbm4b:s13+s2], $0x40, $0x38;
	[tilespmem:$0xC100] =	vst v63  }
0x1b: {  	_ =	swait.ge [sflag:s8], $0x40  }
0x1c: {  	[sflag:s8] =	ssyncset.done $0x0  }
0x1d: {  	s0 =	simm.s32 $0x1;
	[sflag:s8] =	ssyncadd.s32 $0xFFFFFFC0  }
0x1e: {  	_ =	swait.ge [sflag:s0], $0xC000  }
0x1f: {  	[sflag:s0] =	ssyncset.done $0x0  }
0x20: {  	[sflag:s0] =	ssyncadd.s32 $0xFFFF4000  }
0x21: {  	v3 =	vld [tilespmem:$0x0];
	_ =	sdelay $0x4  }
0x22: {  	v4 =	vshrl.u32 v3, $0x3  }
0x23: {  	v4 =	vmul.u32 $0x30, v4  }
0x24: {  	v3 =	vand.u32 $0x7, v3  }
0x25: {  	v3 =	vor.u32 v3, v4  }
0x26: {  	v4 =	vperm.xlane v3, v0;
	_ =	sdelay $0x1  }
0x27: {  	v4 =	vadd.s32 v1, v4;
	_ =	sdelay $0x3  }
0x28: {  	v3 =	vperm.xlane v3, v2  }
0x29: {  	[hbm4b:s3+s2] =	stream.indirect_vreg.scatter [tilespmem:s9], [sflag:$0x2], $0x80, v4, vm0, $0xb8;
	[tilespmem:$0xC100] =	vst v63  }
0x2a: {  	s12 =	simm.s32 $0x900;
	v3 =	vadd.s32 v1, v3  }
0x2b: {  	[hbm4b:s4+s2] =	stream.indirect_vreg.scatter [tilespmem:s12], [sflag:$0x2], $0x80, v4, vm0, $0xb8;
	[tilespmem:$0xC100] =	vst v63  }
0x2c: {  	s13 =	simm.s32 $0x1100  }
0x2d: {  	[hbm4b:s5+s2] =	stream.indirect_vreg.scatter [tilespmem:s13], [sflag:$0x2], $0x80, v4, vm0, $0xb8;
	[tilespmem:$0xC100] =	vst v63  }
0x2e: {  	_ = 	snop  }
0x2f: {  	[hbm4b:s3+s2] =	stream.indirect_vreg.scatter [tilespmem:s14], [sflag:$0x2], $0x80, v3, vm0, $0xb8;
	[tilespmem:$0xC100] =	vst v63  }
0x30: {  	_ = 	snop  }
0x31: {  	[hbm4b:s4+s2] =	stream.indirect_vreg.scatter [tilespmem:s15], [sflag:$0x2], $0x80, v3, vm0, $0xb8;
	[tilespmem:$0xC100] =	vst v63  }
0x32: {  	_ = 	snop  }
0x33: {  	[hbm4b:s5+s2] =	stream.indirect_vreg.scatter [tilespmem:s16], [sflag:$0x2], $0x80, v3, vm0, $0xb8;
	[tilespmem:$0xC100] =	vst v63  }
0x34: {  	v3 =	vld [tilespmem:$0x10];
	_ =	sdelay $0x4  }
0x35: {  	v57 =	vshrl.u32 v3, $0x3  }
0x36: {  	v4 =	vmul.u32 $0x30, v57  }
0x37: {  	v3 =	vand.u32 $0x7, v3  }
0x38: {  	v3 =	vor.u32 v3, v4  }
0x39: {  	v4 =	vperm.xlane v3, v0;
	_ =	sdelay $0x1  }
0x3a: {  	v4 =	vadd.s32 v1, v4;
	_ =	sdelay $0x3  }
0x3b: {  	v3 =	vperm.xlane v3, v2  }
0x3c: {  	[hbm4b:s3+s2] =	stream.indirect_vreg.scatter [tilespmem:s17], [sflag:$0x2], $0x80, v4, vm0, $0xb8;
	[tilespmem:$0xC100] =	vst v63  }
0x3d: {  	v3 =	vadd.s32 v1, v3  }
0x3e: {  	[hbm4b:s4+s2] =	stream.indirect_vreg.scatter [tilespmem:s18], [sflag:$0x2], $0x80, v4, vm0, $0xb8;
	[tilespmem:$0xC100] =	vst v63  }
0x3f: {  	_ = 	snop  }
0x40: {  	[hbm4b:s5+s2] =	stream.indirect_vreg.scatter [tilespmem:s19], [sflag:$0x2], $0x80, v4, vm0, $0xb8;
	[tilespmem:$0xC100] =	vst v63  }
0x41: {  	_ = 	snop  }
0x42: {  	[hbm4b:s3+s2] =	stream.indirect_vreg.scatter [tilespmem:s20], [sflag:$0x2], $0x80, v3, vm0, $0xb8;
	[tilespmem:$0xC100] =	vst v63  }
0x43: {  	_ = 	snop  }
0x44: {  	[hbm4b:s4+s2] =	stream.indirect_vreg.scatter [tilespmem:s21], [sflag:$0x2], $0x80, v3, vm0, $0xb8;
	[tilespmem:$0xC100] =	vst v63  }
0x45: {  	_ = 	snop  }
0x46: {  	[hbm4b:s5+s2] =	stream.indirect_vreg.scatter [tilespmem:s22], [sflag:$0x2], $0x80, v3, vm0, $0xb8;
	[tilespmem:$0xC100] =	vst v63  }
0x47: {  	v3 =	vld [tilespmem:$0x20];
	_ =	sdelay $0x4  }
0x48: {  	v58 =	vshrl.u32 v3, $0x3  }
0x49: {  	v4 =	vmul.u32 $0x30, v58  }
0x4a: {  	v3 =	vand.u32 $0x7, v3  }
0x4b: {  	v3 =	vor.u32 v3, v4  }
0x4c: {  	v4 =	vperm.xlane v3, v0;
	_ =	sdelay $0x1  }
0x4d: {  	v4 =	vadd.s32 v1, v4;
	_ =	sdelay $0x3  }
0x4e: {  	v3 =	vperm.xlane v3, v2  }
0x4f: {  	[hbm4b:s3+s2] =	stream.indirect_vreg.scatter [tilespmem:s23], [sflag:$0x2], $0x80, v4, vm0, $0xb8;
	[tilespmem:$0xC100] =	vst v63  }
0x50: {  	v3 =	vadd.s32 v1, v3  }
0x51: {  	[hbm4b:s4+s2] =	stream.indirect_vreg.scatter [tilespmem:s24], [sflag:$0x2], $0x80, v4, vm0, $0xb8;
	[tilespmem:$0xC100] =	vst v63  }
0x52: {  	_ = 	snop  }
0x53: {  	[hbm4b:s5+s2] =	stream.indirect_vreg.scatter [tilespmem:s25], [sflag:$0x2], $0x80, v4, vm0, $0xb8;
	[tilespmem:$0xC100] =	vst v63  }
0x54: {  	_ = 	snop  }
0x55: {  	[hbm4b:s3+s2] =	stream.indirect_vreg.scatter [tilespmem:s26], [sflag:$0x2], $0x80, v3, vm0, $0xb8;
	[tilespmem:$0xC100] =	vst v63  }
0x56: {  	_ = 	snop  }
0x57: {  	[hbm4b:s4+s2] =	stream.indirect_vreg.scatter [tilespmem:s28], [sflag:$0x2], $0x80, v3, vm0, $0xb8;
	[tilespmem:$0xC100] =	vst v63  }
0x58: {  	_ = 	snop  }
0x59: {  	[hbm4b:s5+s2] =	stream.indirect_vreg.scatter [tilespmem:s29], [sflag:$0x2], $0x80, v3, vm0, $0xb8;
	[tilespmem:$0xC100] =	vst v63  }
0x5a: {  	v3 =	vld [tilespmem:$0x30];
	_ =	sdelay $0x4  }
0x5b: {  	v59 =	vshrl.u32 v3, $0x3  }
0x5c: {  	v4 =	vmul.u32 $0x30, v59  }
0x5d: {  	v3 =	vand.u32 $0x7, v3  }
0x5e: {  	v3 =	vor.u32 v3, v4  }
0x5f: {  	v4 =	vperm.xlane v3, v0;
	_ =	sdelay $0x1  }
0x60: {  	v4 =	vadd.s32 v1, v4;
	_ =	sdelay $0x3  }
0x61: {  	v3 =	vperm.xlane v3, v2  }
0x62: {  	[hbm4b:s3+s2] =	stream.indirect_vreg.scatter [tilespmem:s30], [sflag:$0x2], $0x80, v4, vm0, $0xb8;
	[tilespmem:$0xC100] =	vst v63  }
0x63: {  	v3 =	vadd.s32 v1, v3  }
0x64: {  	[hbm4b:s4+s2] =	stream.indirect_vreg.scatter [tilespmem:s31], [sflag:$0x2], $0x80, v4, vm0, $0xb8;
	[tilespmem:$0xC100] =	vst v63  }
0x65: {  	_ = 	snop  }
0x66: {  	[hbm4b:s5+s2] =	stream.indirect_vreg.scatter [tilespmem:s1], [sflag:$0x2], $0x80, v4, vm0, $0xb8;
	[tilespmem:$0xC100] =	vst v63  }
0x67: {  	s0 =	simm.s32 $0xA900  }
0x68: {  	[hbm4b:s3+s2] =	stream.indirect_vreg.scatter [tilespmem:s0], [sflag:$0x2], $0x80, v3, vm0, $0xb8;
	[tilespmem:$0xC100] =	vst v63  }
0x69: {  	_ = 	snop  }
0x6a: {  	[hbm4b:s4+s2] =	stream.indirect_vreg.scatter [tilespmem:s7], [sflag:$0x2], $0x80, v3, vm0, $0xb8;
	[tilespmem:$0xC100] =	vst v63  }
0x6b: {  	_ = 	snop  }
0x6c: {  	[hbm4b:s5+s2] =	stream.indirect_vreg.scatter [tilespmem:s10], [sflag:$0x2], $0x80, v3, vm0, $0xb8;
	[tilespmem:$0xC100] =	vst v63  }
0x6d: {  	v3 =	vld [tilespmem:$0x80];
	_ =	sdelay $0x4  }
0x6e: {  	v60 =	vshrl.u32 v3, $0x3  }
0x6f: {  	v4 =	vmul.u32 $0x30, v60  }
0x70: {  	v3 =	vand.u32 $0x7, v3  }
0x71: {  	v3 =	vor.u32 v3, v4  }
0x72: {  	v4 =	vperm.xlane v3, v0;
	_ =	sdelay $0x1  }
0x73: {  	v4 =	vadd.s32 v1, v4;
	_ =	sdelay $0x3  }
0x74: {  	v3 =	vperm.xlane v3, v2  }
0x75: {  	[hbm4b:s3+s2] =	stream.indirect_vreg.scatter [tilespmem:s9], [sflag:$0x3], $0x80, v4, vm0, $0xb8;
	[tilespmem:$0xC100] =	vst v63  }
0x76: {  	v3 =	vadd.s32 v1, v3  }
0x77: {  	[hbm4b:s4+s2] =	stream.indirect_vreg.scatter [tilespmem:s12], [sflag:$0x3], $0x80, v4, vm0, $0xb8;
	[tilespmem:$0xC100] =	vst v63  }
0x78: {  	_ = 	snop  }
0x79: {  	[hbm4b:s5+s2] =	stream.indirect_vreg.scatter [tilespmem:s13], [sflag:$0x3], $0x80, v4, vm0, $0xb8;
	[tilespmem:$0xC100] =	vst v63  }
0x7a: {  	_ = 	snop  }
0x7b: {  	[hbm4b:s3+s2] =	stream.indirect_vreg.scatter [tilespmem:s14], [sflag:$0x3], $0x80, v3, vm0, $0xb8;
	[tilespmem:$0xC100] =	vst v63  }
0x7c: {  	_ = 	snop  }
0x7d: {  	[hbm4b:s4+s2] =	stream.indirect_vreg.scatter [tilespmem:s15], [sflag:$0x3], $0x80, v3, vm0, $0xb8;
	[tilespmem:$0xC100] =	vst v63  }
0x7e: {  	_ = 	snop  }
0x7f: {  	[hbm4b:s5+s2] =	stream.indirect_vreg.scatter [tilespmem:s16], [sflag:$0x3], $0x80, v3, vm0, $0xb8;
	[tilespmem:$0xC100] =	vst v63  }
0x80: {  	v3 =	vld [tilespmem:$0x90];
	_ =	sdelay $0x4  }
0x81: {  	v61 =	vshrl.u32 v3, $0x3  }
0x82: {  	v4 =	vmul.u32 $0x30, v61  }
0x83: {  	v3 =	vand.u32 $0x7, v3  }
0x84: {  	v3 =	vor.u32 v3, v4  }
0x85: {  	v4 =	vperm.xlane v3, v0;
	_ =	sdelay $0x1  }
0x86: {  	v4 =	vadd.s32 v1, v4;
	_ =	sdelay $0x3  }
0x87: {  	v3 =	vperm.xlane v3, v2  }
0x88: {  	[hbm4b:s3+s2] =	stream.indirect_vreg.scatter [tilespmem:s17], [sflag:$0x3], $0x80, v4, vm0, $0xb8;
	[tilespmem:$0xC100] =	vst v63  }
0x89: {  	v3 =	vadd.s32 v1, v3  }
0x8a: {  	[hbm4b:s4+s2] =	stream.indirect_vreg.scatter [tilespmem:s18], [sflag:$0x3], $0x80, v4, vm0, $0xb8;
	[tilespmem:$0xC100] =	vst v63  }
0x8b: {  	_ = 	snop  }
0x8c: {  	[hbm4b:s5+s2] =	stream.indirect_vreg.scatter [tilespmem:s19], [sflag:$0x3], $0x80, v4, vm0, $0xb8;
	[tilespmem:$0xC100] =	vst v63  }
0x8d: {  	_ = 	snop  }
0x8e: {  	[hbm4b:s3+s2] =	stream.indirect_vreg.scatter [tilespmem:s20], [sflag:$0x3], $0x80, v3, vm0, $0xb8;
	[tilespmem:$0xC100] =	vst v63  }
0x8f: {  	_ = 	snop  }
0x90: {  	[hbm4b:s4+s2] =	stream.indirect_vreg.scatter [tilespmem:s21], [sflag:$0x3], $0x80, v3, vm0, $0xb8;
	[tilespmem:$0xC100] =	vst v63  }
0x91: {  	_ = 	snop  }
0x92: {  	[hbm4b:s5+s2] =	stream.indirect_vreg.scatter [tilespmem:s22], [sflag:$0x3], $0x80, v3, vm0, $0xb8;
	[tilespmem:$0xC100] =	vst v63  }
0x93: {  	v3 =	vld [tilespmem:$0xA0];
	_ =	sdelay $0x4  }
0x94: {  	v62 =	vshrl.u32 v3, $0x3  }
0x95: {  	v4 =	vmul.u32 $0x30, v62  }
0x96: {  	v3 =	vand.u32 $0x7, v3  }
0x97: {  	v3 =	vor.u32 v3, v4  }
0x98: {  	v4 =	vperm.xlane v3, v0;
	_ =	sdelay $0x1  }
0x99: {  	v4 =	vadd.s32 v1, v4;
	_ =	sdelay $0x3  }
0x9a: {  	v3 =	vperm.xlane v3, v2  }
0x9b: {  	[hbm4b:s3+s2] =	stream.indirect_vreg.scatter [tilespmem:s23], [sflag:$0x3], $0x80, v4, vm0, $0xb8;
	[tilespmem:$0xC100] =	vst v63  }
0x9c: {  	v3 =	vadd.s32 v1, v3  }
0x9d: {  	[hbm4b:s4+s2] =	stream.indirect_vreg.scatter [tilespmem:s24], [sflag:$0x3], $0x80, v4, vm0, $0xb8;
	[tilespmem:$0xC100] =	vst v63  }
0x9e: {  	_ = 	snop  }
0x9f: {  	[hbm4b:s5+s2] =	stream.indirect_vreg.scatter [tilespmem:s25], [sflag:$0x3], $0x80, v4, vm0, $0xb8;
	[tilespmem:$0xC100] =	vst v63  }
0xa0: {  	_ = 	snop  }
0xa1: {  	[hbm4b:s3+s2] =	stream.indirect_vreg.scatter [tilespmem:s26], [sflag:$0x3], $0x80, v3, vm0, $0xb8;
	[tilespmem:$0xC100] =	vst v63  }
0xa2: {  	_ = 	snop  }
0xa3: {  	[hbm4b:s4+s2] =	stream.indirect_vreg.scatter [tilespmem:s28], [sflag:$0x3], $0x80, v3, vm0, $0xb8;
	[tilespmem:$0xC100] =	vst v63  }
0xa4: {  	_ = 	snop  }
0xa5: {  	[hbm4b:s5+s2] =	stream.indirect_vreg.scatter [tilespmem:s29], [sflag:$0x3], $0x80, v3, vm0, $0xb8;
	[tilespmem:$0xC100] =	vst v63  }
0xa6: {  	v3 =	vld [tilespmem:$0xB0];
	_ =	sdelay $0x4  }
0xa7: {  	v63 =	vshrl.u32 v3, $0x3  }
0xa8: {  	v4 =	vmul.u32 $0x30, v63  }
0xa9: {  	v3 =	vand.u32 $0x7, v3  }
0xaa: {  	v3 =	vor.u32 v3, v4  }
0xab: {  	v4 =	vperm.xlane v3, v0;
	_ =	sdelay $0x1  }
0xac: {  	v4 =	vadd.s32 v1, v4;
	_ =	sdelay $0x3  }
0xad: {  	v3 =	vperm.xlane v3, v2  }
0xae: {  	[hbm4b:s3+s2] =	stream.indirect_vreg.scatter [tilespmem:s30], [sflag:$0x3], $0x80, v4, vm0, $0xb8;
	[tilespmem:$0xC100] =	vst v63  }
0xaf: {  	v3 =	vadd.s32 v1, v3  }
0xb0: {  	[hbm4b:s4+s2] =	stream.indirect_vreg.scatter [tilespmem:s31], [sflag:$0x3], $0x80, v4, vm0, $0xb8;
	[tilespmem:$0xC100] =	vst v63  }
0xb1: {  	_ = 	snop  }
0xb2: {  	[hbm4b:s5+s2] =	stream.indirect_vreg.scatter [tilespmem:s1], [sflag:$0x3], $0x80, v4, vm0, $0xb8;
	[tilespmem:$0xC100] =	vst v63  }
0xb3: {  	_ = 	snop  }
0xb4: {  	[hbm4b:s3+s2] =	stream.indirect_vreg.scatter [tilespmem:s0], [sflag:$0x3], $0x80, v3, vm0, $0xb8;
	[tilespmem:$0xC100] =	vst v63  }
0xb5: {  	_ = 	snop  }
0xb6: {  	[hbm4b:s4+s2] =	stream.indirect_vreg.scatter [tilespmem:s7], [sflag:$0x3], $0x80, v3, vm0, $0xb8;
	[tilespmem:$0xC100] =	vst v63  }
0xb7: {  	s13 =	simm.s32 $0x2  }
0xb8: {  	[hbm4b:s5+s2] =	stream.indirect_vreg.scatter [tilespmem:s10], [sflag:$0x3], $0x80, v3, vm0, $0xb8;
	[tilespmem:$0xC100] =	vst v63  }
0xb9: {  	p0 =	sne.s32 s6, $0x1;
	_ =	swait.ge [sflag:s13], $0xC000  }
.Ltmp0:
0xba: {  	[sflag:s13] =	ssyncset.done $0x0;
	(pc) =	sbr.rel @p0 .LBB2_1-.Ltmp0, $4  }
0xbb: {  	[sflag:s13] =	ssyncadd.s32 $0xFFFF4000  }
0xbc: {  	_ =	swait.ge [sflag:s11], $0xC000  }
0xbd: {  	[sflag:s11] =	ssyncset.done $0x0  }
0xbe: {  	s6 =	sadd.s32 $0xFFFFFFFF, s6;
	[sflag:s11] =	ssyncadd.s32 $0xFFFF4000  }
0xbf: {  	_ =	sfence.sel $0x180000  }
0xc0: {  	[bflag:$0x0] =	sbarrier.arrive $0xFFFF  }
0xc1: {  	_ =	strace $0x90000047  }
0xc2: {  	s0 =	stileid.u32;
	[bflag:$0x2] =	sbarrier.arrive $0xFFFF  }
0xc3: {  	p0 =	sne.s32 s0, $0x0;
	s0 =	rddreg [dreg:$0x2]  }
0xc4: {  	s0 =	sadd.s32 @!p0 $0x100000, s0  }
0xc5: {  	[sflag:s0] =	ssyncadd.tile.s32 @!p0 $0x1;
	_ =	shalt  }
.Lfunc_end2:
_tile_overlayer_lowered:
.L_overlay_start_2:
0xc6: {  	(tag) =	ssettag $0x2  }
0xc7: {  	s0 =	rddreg [dreg:$0x0];
	s2 =	stileid.u32  }
0xc8: {  	s1 =	rddreg [dreg:$0x1];
	p0 =	sne.s32 s2, $0x0  }
0xc9: {  	s3 =	rddreg [dreg:$0x2];
	[bflag:$0x3] =	sbarrier.arrive $0xFFFF;
	s2 =	simm.s32 @!p0 $0x1C04  }
0xca: {  	[timem:s3], [sflag:s2] =	dma.local @!p0 [hbm:s0], s1  }
0xcb: {  	s0 =	simm.s32 @!p0 $0x4  }
0xcc: {  	_ =	swait.ge @!p0 [sflag:s0], s1  }
0xcd: {  	s1 =	ssub.s32 @!p0 $0x0, s1;
	[sflag:s0] =	ssyncset.done @!p0 $0x0  }
0xce: {  	[sflag:s0] =	ssyncadd.s32 @!p0 s1  }
0xcf: {  	[bflag:$0x3] =	sbarrier.arrive $0xFFFF  }
0xd0: {  	_ =	shalt  }

// kernel: kernel.9.cloned.1.call-start
scs
__scs_entry_jumppad:
0x0: {  	(pc) =	sbr.rel $0x88, $3  }
0x1: {  	(tag) =	ssettag $0x0;
	lr =	simm.s32 $0x1  }
0x2: {  	[smem:$0x3F9B] =	sst lr;
	_ =	strace $0xD0000000  }
0x3: {  	_ = 	snop  }
0x4: {  	_ = 	snop  }
0x5: {  	_ = 	snop  }
0x6: {  	_ = 	snop  }
0x7: {  	_ = 	snop  }
__scs_overlays_trampoline_lowered:
0x8: {  	[smem:$0x3FAA] =	sst s0  }
0x9: {  	[smem:$0x3FAB] =	sst s1  }
0xa: {  	[smem:$0x3FAC] =	sst s2  }
0xb: {  	[smem:$0x3FAD] =	sst s3  }
0xc: {  	[smem:$0x3FAE] =	sst s4  }
0xd: {  	[smem:$0x3FAF] =	sst s5  }
0xe: {  	[smem:$0x3FB0] =	sst s6  }
0xf: {  	[smem:$0x3FB1] =	sst s7  }
0x10: {  	[smem:$0x3FB2] =	sst s8  }
0x11: {  	[smem:$0x3FB3] =	sst s9;
	s0 =	simm.s32 @!p0 $0x0  }
0x12: {  	s1 =	sld [smem:$0x3F99];
	s0 =	simm.s32 @p0 $0x1  }
0x13: {  	[smem:$0x3FB4] =	sst s0;
	s0 =	simm.s32 @!p1 $0x0  }
0x14: {  	s2 =	sld [smem:$0x3F98];
	s0 =	simm.s32 @p1 $0x1  }
0x15: {  	[smem:$0x3FB5] =	sst s0;
	s0 =	simm.s32 @!p2 $0x0  }
0x16: {  	s3 =	sld [smem:$0x3FDB];
	s0 =	simm.s32 @p2 $0x1  }
0x17: {  	s4 =	simm.s32 $0x1BF5;
	[smem:$0x3FB7] =	sst s0  }
0x18: {  	s0 =	sld [smem:$0x3F9A];
	_ =	swait.ge [sflag:s4], $0x0  }
0x19: {  	s7 =	sld [smem:$0x3F9B]  }
0x1a: {  	s8 =	sadd.s32 $0xFFFFE003, lr  }
0x1b: {  	s9 =	sadd.s32 $0xFFFFFEF7, lr;
	s5 =	simm.s32 $0xFFFFFFFF;
	p2 =	slt.u32 s8, $0xFFFFF086  }
0x1c: {  	p1 =	slt.u32 s9, $0xF7A;
	s5 =	simm.s32 @!p2 $0x0  }
0x1d: {  	s5 =	simm.s32 @p1 $0x1;
	p0 =	seq.s32 s7, s2  }
0x1e: {  	s7 =	smul.u32 @!p0 $0xF7A, s2;
	p2 =	seq.s32 @!p0 s5, $0x0  }
0x1f: {  	s9 =	smul.u32 $0xF7A, s1;
	s8 =	simm.s32 @!p0 $0x1BF5;
	p2 =	por !p2, p0  }
0x20: {  	[sflag:s8] =	ssyncset.s32 @!p0 $0xFFFFF086;
	s6 =	sadd.s32 @!p0 s3, s7;
	s7 =	simm.s32 @!p0 $0x108  }
0x21: {  	s3 =	sadd.s32 s3, s9;
	s6 =	sadd.s32 @!p0 $0x88, s6;
	s7 =	simm.s32 @p2 $0x1082  }
0x22: {  	[simem:s7], [sflag:s8] =	dma.local @!p0 [hbm:s6], $0xF7A  }
0x23: {  	s9 =	sor.u32 $0xD0000000, s2;
	s6 =	simm.s32 $0x108;
	_ =	swait.ge @!p0 [sflag:s8], $0x0  }
0x24: {  	s3 =	sadd.s32 $0x88, s3;
	s6 =	simm.s32 @!p1 $0x1082;
	[sflag:s4] =	ssyncset.s32 $0xFFFFF086  }
0x25: {  	[simem:s6], [sflag:s4] =	dma.local [hbm:s3], $0xF7A  }
0x26: {  	[smem:$0x3F9B] =	sst s1;
	(tag) =	ssettag s2;
	_ =	strace s9  }
0x27: {  	s1 =	sld [smem:$0x3FAB]  }
0x28: {  	s2 =	sld [smem:$0x3FAC]  }
0x29: {  	s4 =	sld [smem:$0x3FAE]  }
0x2a: {  	p0 =	seq.s32 s5, $0x0;
	s5 =	sld [smem:$0x3FAF]  }
0x2b: {  	s6 =	sld [smem:$0x3FB0]  }
0x2c: {  	s7 =	sld [smem:$0x3FB1]  }
0x2d: {  	s3 =	simm.s32 $0x108;
	s8 =	sld [smem:$0x3FB2]  }
0x2e: {  	s3 =	simm.s32 @!p0 $0x1082;
	s9 =	sld [smem:$0x3FB3]  }
0x2f: {  	lr =	sadd.s32 s0, s3;
	s0 =	sld [smem:$0x3FAA]  }
0x30: {  	s3 =	sld [smem:$0x3FAD]  }
0x31: {  	[smem:$0x3FB6] =	sst s10  }
0x32: {  	s10 =	sld [smem:$0x3FB4];
	_ =	sdelay $0x3  }
0x33: {  	p0 =	seq.s32 s10, $0x1;
	s10 =	sld [smem:$0x3FB6];
	_ =	sdelay $0x3  }
0x34: {  	[smem:$0x3FB6] =	sst s10  }
0x35: {  	s10 =	sld [smem:$0x3FB5];
	_ =	sdelay $0x3  }
0x36: {  	p1 =	seq.s32 s10, $0x1;
	s10 =	sld [smem:$0x3FB6];
	_ =	sdelay $0x3  }
0x37: {  	[smem:$0x3FB6] =	sst s10  }
0x38: {  	s10 =	sld [smem:$0x3FB7]  }
0x39: {  	_ = 	snop;
	(pc) =	sbr.ind lr, $3  }
0x3a: {  	_ = 	snop  }
0x3b: {  	_ = 	snop  }
0x3c: {  	p2 =	seq.s32 s10, $0x1;
	s10 =	sld [smem:$0x3FB6]  }
0x3d: {  	_ =	shalt  }
0x3e: {  	_ =	shalt  }
0x3f: {  	_ =	shalt  }
0x40: {  	_ =	shalt  }
0x41: {  	_ =	shalt  }
0x42: {  	_ =	shalt  }
0x43: {  	_ =	shalt  }
0x44: {  	_ =	shalt  }
0x45: {  	_ =	shalt  }
0x46: {  	_ =	shalt  }
0x47: {  	_ =	shalt  }
0x48: {  	_ =	shalt  }
0x49: {  	_ =	shalt  }
0x4a: {  	_ =	shalt  }
0x4b: {  	_ =	shalt  }
0x4c: {  	_ =	shalt  }
0x4d: {  	_ =	shalt  }
0x4e: {  	_ =	shalt  }
0x4f: {  	_ =	shalt  }
0x50: {  	_ =	shalt  }
0x51: {  	_ =	shalt  }
0x52: {  	_ =	shalt  }
0x53: {  	_ =	shalt  }
0x54: {  	_ =	shalt  }
0x55: {  	_ =	shalt  }
0x56: {  	_ =	shalt  }
0x57: {  	_ =	shalt  }
0x58: {  	_ =	shalt  }
0x59: {  	_ =	shalt  }
0x5a: {  	_ =	shalt  }
0x5b: {  	_ =	shalt  }
0x5c: {  	_ =	shalt  }
0x5d: {  	_ =	shalt  }
0x5e: {  	_ =	shalt  }
0x5f: {  	_ =	shalt  }
0x60: {  	_ =	shalt  }
0x61: {  	_ =	shalt  }
0x62: {  	_ =	shalt  }
0x63: {  	_ =	shalt  }
0x64: {  	_ =	shalt  }
0x65: {  	_ =	shalt  }
0x66: {  	_ =	shalt  }
0x67: {  	_ =	shalt  }
0x68: {  	_ =	shalt  }
0x69: {  	_ =	shalt  }
0x6a: {  	_ =	shalt  }
0x6b: {  	_ =	shalt  }
0x6c: {  	_ =	shalt  }
0x6d: {  	_ =	shalt  }
0x6e: {  	_ =	shalt  }
0x6f: {  	_ =	shalt  }
0x70: {  	_ =	shalt  }
0x71: {  	_ =	shalt  }
0x72: {  	_ =	shalt  }
0x73: {  	_ =	shalt  }
0x74: {  	_ =	shalt  }
0x75: {  	_ =	shalt  }
0x76: {  	_ =	shalt  }
0x77: {  	_ =	shalt  }
0x78: {  	_ =	shalt  }
0x79: {  	_ =	shalt  }
0x7a: {  	_ =	shalt  }
0x7b: {  	_ =	shalt  }
0x7c: {  	_ =	shalt  }
0x7d: {  	_ =	shalt  }
0x7e: {  	_ =	shalt  }
0x7f: {  	_ =	shalt  }
0x80: {  	_ =	shalt  }
0x81: {  	_ =	shalt  }
0x82: {  	_ =	shalt  }
0x83: {  	_ =	shalt  }
0x84: {  	_ =	shalt  }
0x85: {  	_ =	shalt  }
0x86: {  	_ =	shalt  }
0x87: {  	_ =	shalt  }
.Lfunc_end0:
.L_simem_size_0:
called_computation.1_lowered:
.L_overlay_start_0:
0x88: {  	s2 =	sld [smem:$0x3FD9]  }
0x89: {  	s3 =	sld [smem:$0x3FFE];
	_ =	sdelay $0x1  }
0x8a: {  	s1 =	srdreg.scid  }
0x8b: {  	s0 =	sand.u32 $0x1, s1  }
0x8c: {  	s17 =	sshll.u32 s0, $0xA;
	s2 =	sadd.s32 s3, s2  }
0x8d: {  	s2 =	sadd.s32 s2, s17  }
0x8e: {  	[smem:$0x3FC2] =	sst s2  }
0x8f: {  	_ = 	snop  }
0x90: {  	s2 =	sld [smem:$0x3FD0];
	(tm) =	ssettm $0x1  }
0x91: {  	s18 =	sld [smem:$0x3FFB];
	_ =	sdelay $0x3  }
0x92: {  	_ =	strace s18  }
0x93: {  	s3 =	sld [smem:$0x3FFC];
	_ =	sdelay $0x3  }
0x94: {  	_ =	strace s3  }
0x95: {  	s3 =	sld [smem:$0x3FFD];
	_ =	sdelay $0x3  }
0x96: {  	_ =	strace s3  }
0x97: {  	_ =	strace $0x8FFFFFFF  }
0x98: {  	s19 =	sld [smem:$0x3FDB];
	_ =	sdelay $0x1  }
0x99: {  	s4 =	simm.s32 $_scs_section_size  }
0x9a: {  	s5 =	simm.s32 $_size__tile_overlayer_lowered;
	s6 =	simm.s32 $_tile_overlayer_lowered  }
0x9b: {  	s22 =	simm.s32 $0x1BFF;
	s21 =	sshll.u32 s6, $0x1;
	s3 =	sadd.s32 s4, s19  }
0x9c: {  	s7 =	simm.s32 $0x0;
	s20 =	sshll.u32 s5, $0x1;
	s5 =	sadd.s32 s21, s3  }
0x9d: {  	[timem:s7], [sflag:s22] =	dma.local [hbm:s5], s20  }
0x9e: {  	_ =	swait.ge [sflag:s22], s20  }
0x9f: {  	s4 =	ssub.s32 $0x0, s20;
	[sflag:s22] =	ssyncset.done $0x0  }
0xa0: {  	[sflag:s22] =	ssyncadd.s32 s4;
	_ =	sdelay $0x1  }
0xa1: {  	s23 =	simm.s32 $0x1B8B  }
0xa2: {  	_ =	swait.ge [sflag:s23], $0x1  }
0xa3: {  	[sflag:s23] =	ssyncset.done $0x0  }
0xa4: {  	s25 =	simm.s32 $0x1B8E;
	s24 =	sld [smem:$0x3FFE];
	[sflag:s23] =	ssyncadd.s32 $0xFFFFFFFF  }
0xa5: {  	s26 =	simm.s32 $execute0_lowered;
	[smem:$0x3FD2] =	sst s25  }
0xa6: {  	s5 =	sshll.u32 s26, $0x1;
	_ =	strace $0x80000049;
	[dreg:$0x1] =	wrdreg $0xFFFFFFFF  }
0xa7: {  	s28 =	simm.s32 $_size_execute0_lowered;
	s3 =	sadd.s32 s3, s5;
	[dreg:$0x0] =	wrdreg $0x0  }
0xa8: {  	s5 =	sshll.u32 s28, $0x1;
	[dreg:$0x2] =	wrdreg s3  }
0xa9: {  	[dreg:$0x3] =	wrdreg s5  }
0xaa: {  	[dreg:$0x4] =	wrdreg $0xC0  }
0xab: {  	_ =	task [dreg:s7], $0x5FFFF  }
0xac: {  	[dreg:$0x1] =	wrdreg $0xFFFFFFFF  }
0xad: {  	[dreg:$0x0] =	wrdreg $0x60  }
0xae: {  	[dreg:$0x2] =	wrdreg s24  }
0xaf: {  	[dreg:$0x3] =	wrdreg s2  }
0xb0: {  	[dreg:$0x4] =	wrdreg $0x9  }
0xb1: {  	_ =	task.clear_ibuf [dreg:s7], $0x5FFFF;
	_ =	strace $0x90000049  }
0xb2: {  	s29 =	simm.s32 $0x9;
	_ =	strace $0x8000004B  }
0xb3: {  	_ =	swait.ge [sflag:s29], $0x1  }
0xb4: {  	[sflag:s29] =	ssyncadd.s32 $0xFFFFFFFF  }
0xb5: {  	_ =	strace $0x9000004B  }
0xb6: {  	_ =	sfence  }
0xb7: {  	s30 =	sld [smem:$0x0];
	_ =	sdelay $0x2  }
0xb8: {  	s31 =	sshll.u32 s1, $0xD;
	s1 =	sshrl.u32 s1, $0x2  }
0xb9: {  	s3 =	sand.u32 $0x4000, s31;
	s1 =	sadd.s32 s1, s30  }
0xba: {  	s0 =	sor.u32 s3, s0;
	s1 =	sshll.u32 s1, $0x11  }
0xbb: {  	s0 =	sor.u32 s1, s0  }
0xbc: {  	s0 =	sadd.s32 $0x8F2B, s0  }
0xbd: {  	[sflag:s0] =	ssyncadd.remote.s32 $0x1  }
0xbe: {  	_ =	sfence.sel $0xFFFF  }
0xbf: {  	[dreg:$0x0] =	wrdreg $0xFFFFFFFF;
	(pc) =	sbr.abs _section_cstart, $3  }
0xc0: {  	[dreg:$0x1] =	wrdreg $0xFFFFFFFF  }
0xc1: {  	_ =	task.clear_ibuf [dreg:s7], $0x2FFFF;
	_ =	strace $0x9FFFFFFF  }
0xc2: {  	(tm) =	ssettm $0x7FFFFFFF  }
0xc3: {  	_ =	shalt  }
tec
execute0_lowered:
.L_overlay_start_1:
0x0: {  	(tag) =	ssettag $0x1  }
0x1: {  	s0 =	rddreg [dreg:$0x0]  }
0x2: {  	s1 =	rddreg [dreg:$0x1]  }
0x3: {  	s2 =	simm.s32 $0x0;
	s3 =	srdreg.scid;
	s5 =	stileid.u32  }
0x4: {  	s12 =	simm.s32 $0x3;
	s14 =	simm.s32 $0x900;
	s15 =	simm.s32 $0x14100  }
0x5: {  	s16 =	simm.s32 $0x14900;
	s17 =	simm.s32 $0x15100;
	s18 =	simm.s32 $0x15900  }
0x6: {  	s19 =	simm.s32 $0x16100;
	s20 =	simm.s32 $0x16900;
	s21 =	simm.s32 $0x17100  }
0x7: {  	s22 =	simm.s32 $0x17900;
	s23 =	simm.s32 $0x18100;
	s24 =	simm.s32 $0x1  }
0x8: {  	s25 =	simm.s32 $0x2;
	s26 =	simm.s32 $0x0;
	[smem:$0x7FF] =	sst s2  }
0x9: {  	s4 =	sand.u32 $0x1, s3;
	s5 =	sshll.u32 s5, $0x1;
	s3 =	sadd.s32 $0xC5600, s0  }
0xa: {  	s9 =	sadd.s32 $0xC5800, s0;
	_ =	strace $0x8000004A;
	s5 =	sor.u32 s4, s5  }
0xb: {  	s4 =	ssub.s32 $0x2, s4;
	s6 =	sshll.u32 s5, $0x3;
	s7 =	sshll.u32 s5, $0x7  }
0xc: {  	s8 =	sshrl.u32 s4, $0x1;
	s10 =	smul.u32 $0x1800, s5;
	s6 =	sadd.s32 s6, s0  }
0xd: {  	v2 =	vlaneseq.u32;
	s7 =	sadd.s32 s7, s0;
	s11 =	ssub.s32 s4, s8;
	s8 =	sadd.s32 $0xC5700, s0  }
0xe: {  	vm0 =	vmmov $0xffff;
	v1 =	vshrl.u32 v2, $0x3;
	s4 =	sadd.s32 $0x4E00, s6;
	s5 =	sadd.s32 $0x5000, s6;
	s6 =	sadd.s32 $0x2E00, s7  }
0xf: {  	v0 =	vand.u32 $0x7, v2;
	v2 =	vor.u32 $0x8, v2;
	v1 =	vmul.u32 $0x8, v1;
	s7 =	sadd.s32 $0x3E00, s7;
	s10 =	sadd.s32 s1, s10;
	s11 =	smax.u32 s11, $0x1  }
.LBB2_1:
0x10: {  	[tilespmem:s2], [sflag:$0x3] =	stream.linear.gather [hbm4b:s4+s2], $0x40, $0x38;
	[tilespmem:$0x18900] =	vst v63  }
0x11: {  	_ =	swait.ge [sflag:s12], $0x40  }
0x12: {  	[sflag:s12] =	ssyncset.done $0x0  }
0x13: {  	s0 =	simm.s32 $0x80;
	[sflag:s12] =	ssyncadd.s32 $0xFFFFFFC0  }
0x14: {  	[tilespmem:s0], [sflag:$0x3] =	stream.linear.gather [hbm4b:s5+s2], $0x40, $0x38;
	[tilespmem:$0x18900] =	vst v63  }
0x15: {  	_ =	swait.ge [sflag:s12], $0x40  }
0x16: {  	[sflag:s12] =	ssyncset.done $0x0  }
0x17: {  	s28 =	simm.s32 $0x100;
	[sflag:s12] =	ssyncadd.s32 $0xFFFFFFC0  }
0x18: {  	[tilespmem:s28], [sflag:$0x3] =	stream.linear.gather [hbm4b:s6+s2], $0x400, $0x38;
	[tilespmem:$0x18900] =	vst v63  }
0x19: {  	_ =	swait.ge [sflag:s12], $0x400  }
0x1a: {  	[sflag:s12] =	ssyncset.done $0x0  }
0x1b: {  	s29 =	simm.s32 $0x500;
	[sflag:s12] =	ssyncadd.s32 $0xFFFFFC00  }
0x1c: {  	[tilespmem:s29], [sflag:$0x3] =	stream.linear.gather [hbm4b:s7+s2], $0x400, $0x38;
	[tilespmem:$0x18900] =	vst v63  }
0x1d: {  	_ =	swait.ge [sflag:s12], $0x400  }
0x1e: {  	[sflag:s12] =	ssyncset.done $0x0  }
0x1f: {  	[sflag:s12] =	ssyncadd.s32 $0xFFFFFC00  }
0x20: {  	v3 =	vld [tilespmem:$0x0];
	_ =	sdelay $0x4  }
0x21: {  	vm1 =	vlt.s32 v3, $0x1FFF  }
0x22: {  	v3 =	vnsel vm1, $0x1FFF, v3  }
0x23: {  	[tilespmem:$0x0] =	vst v3  }
0x24: {  	v3 =	vld [tilespmem:$0x0];
	_ =	sdelay $0x1  }
0x25: {  	v4 =	vld [tilespmem:$0x80]  }
0x26: {  	v5 =	vld [tilespmem:$0x10]  }
0x27: {  	v6 =	vld [tilespmem:$0x90]  }
0x28: {  	v7 =	vld [tilespmem:$0x20];
	v8 =	vshrl.u32 v3, $0x3  }
0x29: {  	v9 =	vld [tilespmem:$0xA0];
	v8 =	vmul.u32 $0x30, v8  }
0x2a: {  	v10 =	vld [tilespmem:$0x30];
	vm1 =	vlt.s32 v4, $0x1FFF;
	v3 =	vand.u32 $0x7, v3  }
0x2b: {  	v11 =	vld [tilespmem:$0xB0];
	v4 =	vnsel vm1, $0x1FFF, v4;
	vm1 =	vlt.s32 v5, $0x1FFF;
	v3 =	vor.u32 v3, v8  }
0x2c: {  	[tilespmem:$0x80] =	vst v4;
	v4 =	vnsel vm1, $0x1FFF, v5;
	vm1 =	vlt.s32 v6, $0x1FFF;
	v5 =	vperm.xlane v3, v0  }
0x2d: {  	[tilespmem:$0x10] =	vst v4;
	v4 =	vnsel vm1, $0x1FFF, v6;
	vm1 =	vlt.s32 v7, $0x1FFF  }
0x2e: {  	[tilespmem:$0x90] =	vst v4;
	v4 =	vnsel vm1, $0x1FFF, v7;
	vm1 =	vlt.s32 v9, $0x1FFF;
	v5 =	vadd.s32 v1, v5  }
0x2f: {  	[tilespmem:$0x20] =	vst v4;
	v4 =	vnsel vm1, $0x1FFF, v9;
	vm1 =	vlt.s32 v10, $0x1FFF  }
0x30: {  	[tilespmem:$0xA0] =	vst v4;
	v4 =	vnsel vm1, $0x1FFF, v10;
	vm1 =	vlt.s32 v11, $0x1FFF  }
0x31: {  	[tilespmem:$0x30] =	vst v4;
	v4 =	vnsel vm1, $0x1FFF, v11  }
0x32: {  	[tilespmem:$0xB0] =	vst v4;
	v3 =	vperm.xlane v3, v2  }
0x33: {  	[tilespmem:s14], [sflag:$0x1] =	stream.indirect_vreg.gather [hbm4b:s3+s2], $0x80, v5, vm0, $0xb8;
	[tilespmem:$0x18900] =	vst v63  }
0x34: {  	s13 =	simm.s32 $0x1100;
	v3 =	vadd.s32 v1, v3  }
0x35: {  	[tilespmem:s13], [sflag:$0x1] =	stream.indirect_vreg.gather [hbm4b:s8+s2], $0x80, v5, vm0, $0xb8;
	[tilespmem:$0x18900] =	vst v63  }
0x36: {  	s1 =	simm.s32 $0x1900  }
0x37: {  	[tilespmem:s1], [sflag:$0x1] =	stream.indirect_vreg.gather [hbm4b:s9+s2], $0x80, v5, vm0, $0xb8;
	[tilespmem:$0x18900] =	vst v63  }
0x38: {  	s13 =	simm.s32 $0x2100  }
0x39: {  	[tilespmem:s13], [sflag:$0x1] =	stream.indirect_vreg.gather [hbm4b:s3+s2], $0x80, v3, vm0, $0xb8;
	[tilespmem:$0x18900] =	vst v63  }
0x3a: {  	s1 =	simm.s32 $0x2900  }
0x3b: {  	[tilespmem:s1], [sflag:$0x1] =	stream.indirect_vreg.gather [hbm4b:s8+s2], $0x80, v3, vm0, $0xb8;
	[tilespmem:$0x18900] =	vst v63  }
0x3c: {  	s13 =	simm.s32 $0x3100  }
0x3d: {  	[tilespmem:s13], [sflag:$0x1] =	stream.indirect_vreg.gather [hbm4b:s9+s2], $0x80, v3, vm0, $0xb8;
	[tilespmem:$0x18900] =	vst v63  }
0x3e: {  	v3 =	vld [tilespmem:$0x10];
	_ =	sdelay $0x4  }
0x3f: {  	v4 =	vshrl.u32 v3, $0x3  }
0x40: {  	v4 =	vmul.u32 $0x30, v4  }
0x41: {  	v3 =	vand.u32 $0x7, v3  }
0x42: {  	v3 =	vor.u32 v3, v4  }
0x43: {  	v4 =	vperm.xlane v3, v0;
	_ =	sdelay $0x1  }
0x44: {  	v4 =	vadd.s32 v1, v4;
	_ =	sdelay $0x3  }
0x45: {  	s1 =	simm.s32 $0x3900;
	v3 =	vperm.xlane v3, v2  }
0x46: {  	[tilespmem:s1], [sflag:$0x1] =	stream.indirect_vreg.gather [hbm4b:s3+s2], $0x80, v4, vm0, $0xb8;
	[tilespmem:$0x18900] =	vst v63  }
0x47: {  	s13 =	simm.s32 $0x4100;
	v3 =	vadd.s32 v1, v3  }
0x48: {  	[tilespmem:s13], [sflag:$0x1] =	stream.indirect_vreg.gather [hbm4b:s8+s2], $0x80, v4, vm0, $0xb8;
	[tilespmem:$0x18900] =	vst v63  }
0x49: {  	s1 =	simm.s32 $0x4900  }
0x4a: {  	[tilespmem:s1], [sflag:$0x1] =	stream.indirect_vreg.gather [hbm4b:s9+s2], $0x80, v4, vm0, $0xb8;
	[tilespmem:$0x18900] =	vst v63  }
0x4b: {  	s13 =	simm.s32 $0x5100  }
0x4c: {  	[tilespmem:s13], [sflag:$0x1] =	stream.indirect_vreg.gather [hbm4b:s3+s2], $0x80, v3, vm0, $0xb8;
	[tilespmem:$0x18900] =	vst v63  }
0x4d: {  	s1 =	simm.s32 $0x5900  }
0x4e: {  	[tilespmem:s1], [sflag:$0x1] =	stream.indirect_vreg.gather [hbm4b:s8+s2], $0x80, v3, vm0, $0xb8;
	[tilespmem:$0x18900] =	vst v63  }
0x4f: {  	s13 =	simm.s32 $0x6100  }
0x50: {  	[tilespmem:s13], [sflag:$0x1] =	stream.indirect_vreg.gather [hbm4b:s9+s2], $0x80, v3, vm0, $0xb8;
	[tilespmem:$0x18900] =	vst v63  }
0x51: {  	v3 =	vld [tilespmem:$0x20];
	_ =	sdelay $0x4  }
0x52: {  	v4 =	vshrl.u32 v3, $0x3  }
0x53: {  	v4 =	vmul.u32 $0x30, v4  }
0x54: {  	v3 =	vand.u32 $0x7, v3  }
0x55: {  	v3 =	vor.u32 v3, v4  }
0x56: {  	v4 =	vperm.xlane v3, v0;
	_ =	sdelay $0x1  }
0x57: {  	v4 =	vadd.s32 v1, v4;
	_ =	sdelay $0x3  }
0x58: {  	s1 =	simm.s32 $0x6900;
	v3 =	vperm.xlane v3, v2  }
0x59: {  	[tilespmem:s1], [sflag:$0x1] =	stream.indirect_vreg.gather [hbm4b:s3+s2], $0x80, v4, vm0, $0xb8;
	[tilespmem:$0x18900] =	vst v63  }
0x5a: {  	s13 =	simm.s32 $0x7100;
	v3 =	vadd.s32 v1, v3  }
0x5b: {  	[tilespmem:s13], [sflag:$0x1] =	stream.indirect_vreg.gather [hbm4b:s8+s2], $0x80, v4, vm0, $0xb8;
	[tilespmem:$0x18900] =	vst v63  }
0x5c: {  	s1 =	simm.s32 $0x7900  }
0x5d: {  	[tilespmem:s1], [sflag:$0x1] =	stream.indirect_vreg.gather [hbm4b:s9+s2], $0x80, v4, vm0, $0xb8;
	[tilespmem:$0x18900] =	vst v63  }
0x5e: {  	s13 =	simm.s32 $0x8100  }
0x5f: {  	[tilespmem:s13], [sflag:$0x1] =	stream.indirect_vreg.gather [hbm4b:s3+s2], $0x80, v3, vm0, $0xb8;
	[tilespmem:$0x18900] =	vst v63  }
0x60: {  	s1 =	simm.s32 $0x8900  }
0x61: {  	[tilespmem:s1], [sflag:$0x1] =	stream.indirect_vreg.gather [hbm4b:s8+s2], $0x80, v3, vm0, $0xb8;
	[tilespmem:$0x18900] =	vst v63  }
0x62: {  	s13 =	simm.s32 $0x9100  }
0x63: {  	[tilespmem:s13], [sflag:$0x1] =	stream.indirect_vreg.gather [hbm4b:s9+s2], $0x80, v3, vm0, $0xb8;
	[tilespmem:$0x18900] =	vst v63  }
0x64: {  	v3 =	vld [tilespmem:$0x30];
	_ =	sdelay $0x4  }
0x65: {  	v4 =	vshrl.u32 v3, $0x3  }
0x66: {  	v4 =	vmul.u32 $0x30, v4  }
0x67: {  	v3 =	vand.u32 $0x7, v3  }
0x68: {  	v3 =	vor.u32 v3, v4  }
0x69: {  	v4 =	vperm.xlane v3, v0;
	_ =	sdelay $0x1  }
0x6a: {  	v4 =	vadd.s32 v1, v4;
	_ =	sdelay $0x3  }
0x6b: {  	s1 =	simm.s32 $0x9900;
	v3 =	vperm.xlane v3, v2  }
0x6c: {  	[tilespmem:s1], [sflag:$0x1] =	stream.indirect_vreg.gather [hbm4b:s3+s2], $0x80, v4, vm0, $0xb8;
	[tilespmem:$0x18900] =	vst v63  }
0x6d: {  	s13 =	simm.s32 $0xA100;
	v3 =	vadd.s32 v1, v3  }
0x6e: {  	[tilespmem:s13], [sflag:$0x1] =	stream.indirect_vreg.gather [hbm4b:s8+s2], $0x80, v4, vm0, $0xb8;
	[tilespmem:$0x18900] =	vst v63  }
0x6f: {  	s1 =	simm.s32 $0xA900  }
0x70: {  	[tilespmem:s1], [sflag:$0x1] =	stream.indirect_vreg.gather [hbm4b:s9+s2], $0x80, v4, vm0, $0xb8;
	[tilespmem:$0x18900] =	vst v63  }
0x71: {  	s13 =	simm.s32 $0xB100  }
0x72: {  	[tilespmem:s13], [sflag:$0x1] =	stream.indirect_vreg.gather [hbm4b:s3+s2], $0x80, v3, vm0, $0xb8;
	[tilespmem:$0x18900] =	vst v63  }
0x73: {  	s1 =	simm.s32 $0xB900  }
0x74: {  	[tilespmem:s1], [sflag:$0x1] =	stream.indirect_vreg.gather [hbm4b:s8+s2], $0x80, v3, vm0, $0xb8;
	[tilespmem:$0x18900] =	vst v63  }
0x75: {  	s13 =	simm.s32 $0xC100  }
0x76: {  	[tilespmem:s13], [sflag:$0x1] =	stream.indirect_vreg.gather [hbm4b:s9+s2], $0x80, v3, vm0, $0xb8;
	[tilespmem:$0x18900] =	vst v63  }
0x77: {  	v3 =	vld [tilespmem:$0x80];
	_ =	sdelay $0x4  }
0x78: {  	v4 =	vshrl.u32 v3, $0x3  }
0x79: {  	v4 =	vmul.u32 $0x30, v4  }
0x7a: {  	v3 =	vand.u32 $0x7, v3  }
0x7b: {  	v3 =	vor.u32 v3, v4  }
0x7c: {  	v4 =	vperm.xlane v3, v0;
	_ =	sdelay $0x1  }
0x7d: {  	v4 =	vadd.s32 v1, v4;
	_ =	sdelay $0x3  }
0x7e: {  	s1 =	simm.s32 $0xC900;
	v3 =	vperm.xlane v3, v2  }
0x7f: {  	[tilespmem:s1], [sflag:$0x2] =	stream.indirect_vreg.gather [hbm4b:s3+s2], $0x80, v4, vm0, $0xb8;
	[tilespmem:$0x18900] =	vst v63  }
0x80: {  	s13 =	simm.s32 $0xD100;
	v3 =	vadd.s32 v1, v3  }
0x81: {  	[tilespmem:s13], [sflag:$0x2] =	stream.indirect_vreg.gather [hbm4b:s8+s2], $0x80, v4, vm0, $0xb8;
	[tilespmem:$0x18900] =	vst v63  }
0x82: {  	s1 =	simm.s32 $0xD900  }
0x83: {  	[tilespmem:s1], [sflag:$0x2] =	stream.indirect_vreg.gather [hbm4b:s9+s2], $0x80, v4, vm0, $0xb8;
	[tilespmem:$0x18900] =	vst v63  }
0x84: {  	s13 =	simm.s32 $0xE100  }
0x85: {  	[tilespmem:s13], [sflag:$0x2] =	stream.indirect_vreg.gather [hbm4b:s3+s2], $0x80, v3, vm0, $0xb8;
	[tilespmem:$0x18900] =	vst v63  }
0x86: {  	s1 =	simm.s32 $0xE900  }
0x87: {  	[tilespmem:s1], [sflag:$0x2] =	stream.indirect_vreg.gather [hbm4b:s8+s2], $0x80, v3, vm0, $0xb8;
	[tilespmem:$0x18900] =	vst v63  }
0x88: {  	s13 =	simm.s32 $0xF100  }
0x89: {  	[tilespmem:s13], [sflag:$0x2] =	stream.indirect_vreg.gather [hbm4b:s9+s2], $0x80, v3, vm0, $0xb8;
	[tilespmem:$0x18900] =	vst v63  }
0x8a: {  	v3 =	vld [tilespmem:$0x90];
	_ =	sdelay $0x4  }
0x8b: {  	v4 =	vshrl.u32 v3, $0x3  }
0x8c: {  	v4 =	vmul.u32 $0x30, v4  }
0x8d: {  	v3 =	vand.u32 $0x7, v3  }
0x8e: {  	v3 =	vor.u32 v3, v4  }
0x8f: {  	v4 =	vperm.xlane v3, v0;
	_ =	sdelay $0x1  }
0x90: {  	v4 =	vadd.s32 v1, v4;
	_ =	sdelay $0x3  }
0x91: {  	s1 =	simm.s32 $0xF900;
	v3 =	vperm.xlane v3, v2  }
0x92: {  	[tilespmem:s1], [sflag:$0x2] =	stream.indirect_vreg.gather [hbm4b:s3+s2], $0x80, v4, vm0, $0xb8;
	[tilespmem:$0x18900] =	vst v63  }
0x93: {  	s13 =	simm.s32 $0x10100;
	v3 =	vadd.s32 v1, v3  }
0x94: {  	[tilespmem:s13], [sflag:$0x2] =	stream.indirect_vreg.gather [hbm4b:s8+s2], $0x80, v4, vm0, $0xb8;
	[tilespmem:$0x18900] =	vst v63  }
0x95: {  	s1 =	simm.s32 $0x10900  }
0x96: {  	[tilespmem:s1], [sflag:$0x2] =	stream.indirect_vreg.gather [hbm4b:s9+s2], $0x80, v4, vm0, $0xb8;
	[tilespmem:$0x18900] =	vst v63  }
0x97: {  	s13 =	simm.s32 $0x11100  }
0x98: {  	[tilespmem:s13], [sflag:$0x2] =	stream.indirect_vreg.gather [hbm4b:s3+s2], $0x80, v3, vm0, $0xb8;
	[tilespmem:$0x18900] =	vst v63  }
0x99: {  	s1 =	simm.s32 $0x11900  }
0x9a: {  	[tilespmem:s1], [sflag:$0x2] =	stream.indirect_vreg.gather [hbm4b:s8+s2], $0x80, v3, vm0, $0xb8;
	[tilespmem:$0x18900] =	vst v63  }
0x9b: {  	s13 =	simm.s32 $0x12100  }
0x9c: {  	[tilespmem:s13], [sflag:$0x2] =	stream.indirect_vreg.gather [hbm4b:s9+s2], $0x80, v3, vm0, $0xb8;
	[tilespmem:$0x18900] =	vst v63  }
0x9d: {  	v3 =	vld [tilespmem:$0xA0];
	_ =	sdelay $0x4  }
0x9e: {  	v4 =	vshrl.u32 v3, $0x3  }
0x9f: {  	v4 =	vmul.u32 $0x30, v4  }
0xa0: {  	v3 =	vand.u32 $0x7, v3  }
0xa1: {  	v3 =	vor.u32 v3, v4  }
0xa2: {  	v4 =	vperm.xlane v3, v0;
	_ =	sdelay $0x1  }
0xa3: {  	v4 =	vadd.s32 v1, v4;
	_ =	sdelay $0x3  }
0xa4: {  	s1 =	simm.s32 $0x12900;
	v3 =	vperm.xlane v3, v2  }
0xa5: {  	[tilespmem:s1], [sflag:$0x2] =	stream.indirect_vreg.gather [hbm4b:s3+s2], $0x80, v4, vm0, $0xb8;
	[tilespmem:$0x18900] =	vst v63  }
0xa6: {  	s13 =	simm.s32 $0x13100;
	v3 =	vadd.s32 v1, v3  }
0xa7: {  	[tilespmem:s13], [sflag:$0x2] =	stream.indirect_vreg.gather [hbm4b:s8+s2], $0x80, v4, vm0, $0xb8;
	[tilespmem:$0x18900] =	vst v63  }
0xa8: {  	s1 =	simm.s32 $0x13900  }
0xa9: {  	[tilespmem:s1], [sflag:$0x2] =	stream.indirect_vreg.gather [hbm4b:s9+s2], $0x80, v4, vm0, $0xb8;
	[tilespmem:$0x18900] =	vst v63  }
0xaa: {  	_ = 	snop  }
0xab: {  	[tilespmem:s15], [sflag:$0x2] =	stream.indirect_vreg.gather [hbm4b:s3+s2], $0x80, v3, vm0, $0xb8;
	[tilespmem:$0x18900] =	vst v63  }
0xac: {  	_ = 	snop  }
0xad: {  	[tilespmem:s16], [sflag:$0x2] =	stream.indirect_vreg.gather [hbm4b:s8+s2], $0x80, v3, vm0, $0xb8;
	[tilespmem:$0x18900] =	vst v63  }
0xae: {  	_ = 	snop  }
0xaf: {  	[tilespmem:s17], [sflag:$0x2] =	stream.indirect_vreg.gather [hbm4b:s9+s2], $0x80, v3, vm0, $0xb8;
	[tilespmem:$0x18900] =	vst v63  }
0xb0: {  	v3 =	vld [tilespmem:$0xB0];
	_ =	sdelay $0x4  }
0xb1: {  	v4 =	vshrl.u32 v3, $0x3  }
0xb2: {  	v4 =	vmul.u32 $0x30, v4  }
0xb3: {  	v3 =	vand.u32 $0x7, v3  }
0xb4: {  	v3 =	vor.u32 v3, v4  }
0xb5: {  	v4 =	vperm.xlane v3, v0;
	_ =	sdelay $0x1  }
0xb6: {  	v4 =	vadd.s32 v1, v4;
	_ =	sdelay $0x3  }
0xb7: {  	v3 =	vperm.xlane v3, v2  }
0xb8: {  	[tilespmem:s18], [sflag:$0x2] =	stream.indirect_vreg.gather [hbm4b:s3+s2], $0x80, v4, vm0, $0xb8;
	[tilespmem:$0x18900] =	vst v63  }
0xb9: {  	v3 =	vadd.s32 v1, v3  }
0xba: {  	[tilespmem:s19], [sflag:$0x2] =	stream.indirect_vreg.gather [hbm4b:s8+s2], $0x80, v4, vm0, $0xb8;
	[tilespmem:$0x18900] =	vst v63  }
0xbb: {  	_ = 	snop  }
0xbc: {  	[tilespmem:s20], [sflag:$0x2] =	stream.indirect_vreg.gather [hbm4b:s9+s2], $0x80, v4, vm0, $0xb8;
	[tilespmem:$0x18900] =	vst v63  }
0xbd: {  	_ = 	snop  }
0xbe: {  	[tilespmem:s21], [sflag:$0x2] =	stream.indirect_vreg.gather [hbm4b:s3+s2], $0x80, v3, vm0, $0xb8;
	[tilespmem:$0x18900] =	vst v63  }
0xbf: {  	_ = 	snop  }
0xc0: {  	[tilespmem:s22], [sflag:$0x2] =	stream.indirect_vreg.gather [hbm4b:s8+s2], $0x80, v3, vm0, $0xb8;
	[tilespmem:$0x18900] =	vst v63  }
0xc1: {  	_ = 	snop  }
0xc2: {  	[tilespmem:s23], [sflag:$0x2] =	stream.indirect_vreg.gather [hbm4b:s9+s2], $0x80, v3, vm0, $0xb8;
	[tilespmem:$0x18900] =	vst v63  }
0xc3: {  	_ =	swait.ge [sflag:s24], $0xC000  }
0xc4: {  	[sflag:s24] =	ssyncset.done $0x0  }
0xc5: {  	s13 =	simm.s32 $0x0;
	[sflag:s24] =	ssyncadd.s32 $0xFFFF4000  }
0xc6: {  	s0 =	smul.u32 $0x1800, s13;
	_ =	swait.ge [sflag:s25], $0xC000  }
0xc7: {  	s30 =	sand.u32 $0x380, s2;
	[sflag:s25] =	ssyncset.done $0x0  }
0xc8: {  	s0 =	sor.u32 s30, s0;
	[sflag:s25] =	ssyncadd.s32 $0xFFFF4000  }
0xc9: {  	v5 =	vld [tilespmem:s0+$0x910]  }
0xca: {  	v7 =	vld [tilespmem:s0+$0x970]  }
0xcb: {  	v9 =	vld [tilespmem:s0+$0xD50]  }
0xcc: {  	v11 =	vld [tilespmem:s0+$0x1130]  }
0xcd: {  	v13 =	vld [tilespmem:s0+$0x1510]  }
0xce: {  	v14 =	vld [tilespmem:s0+$0x1540]  }
0xcf: {  	v15 =	vld [tilespmem:s0+$0x1570]  }
0xd0: {  	v16 =	vld [tilespmem:s0+$0x1920]  }
0xd1: {  	v17 =	vld [tilespmem:s0+$0x1950]  }
0xd2: {  	v18 =	vld [tilespmem:s0+$0x1D00]  }
0xd3: {  	v19 =	vld [tilespmem:s0+$0x1D50]  }
0xd4: {  	v20 =	vld [tilespmem:s0+$0x1D60]  }
0xd5: {  	v21 =	vld [tilespmem:s0+$0xDD70]  }
0xd6: {  	v22 =	vld [tilespmem:s0+$0x1D70]  }
0xd7: {  	v3 =	vld [tilespmem:s28+$0x0]  }
0xd8: {  	v4 =	vld [tilespmem:s29+$0x0]  }
0xd9: {  	v23 =	vld [tilespmem:s0+$0xDD60]  }
0xda: {  	v24 =	vld [tilespmem:s0+$0x1D30]  }
0xdb: {  	v25 =	vld [tilespmem:s0+$0xDD50]  }
0xdc: {  	v26 =	vld [tilespmem:s0+$0x1D40]  }
0xdd: {  	v27 =	vld [tilespmem:s0+$0xDD40]  }
0xde: {  	v28 =	vld [tilespmem:s0+$0xDD30]  }
0xdf: {  	v29 =	vld [tilespmem:s0+$0x1D20]  }
0xe0: {  	v30 =	vld [tilespmem:s0+$0xDD20]  }
0xe1: {  	v31 =	vld [tilespmem:s0+$0x1D10]  }
0xe2: {  	v32 =	vld [tilespmem:s0+$0xDD10]  }
0xe3: {  	v33 =	vld [tilespmem:s0+$0xDD00];
	v19 =	vmul.f32 v19, v3;
	v20 =	vmul.f32 v20, v3  }
0xe4: {  	v34 =	vld [tilespmem:s0+$0x1960];
	v22 =	vmul.f32 v22, v3;
	v21 =	vmul.f32 v21, v4  }
0xe5: {  	v35 =	vld [tilespmem:s0+$0xD950];
	v23 =	vmul.f32 v23, v4;
	v25 =	vmul.f32 v25, v4  }
0xe6: {  	v36 =	vld [tilespmem:s0+$0x1930];
	v26 =	vmul.f32 v26, v3;
	v24 =	vmul.f32 v24, v3  }
0xe7: {  	v37 =	vld [tilespmem:s0+$0xD920];
	v27 =	vmul.f32 v27, v4;
	v28 =	vmul.f32 v28, v4  }
0xe8: {  	v38 =	vld [tilespmem:s0+$0x1900];
	v29 =	vmul.f32 v29, v3;
	v30 =	vmul.f32 v30, v4  }
0xe9: {  	v39 =	vld [tilespmem:s0+$0xD570];
	v31 =	vmul.f32 v31, v3;
	v18 =	vmul.f32 v18, v3  }
0xea: {  	v40 =	vld [tilespmem:s0+$0x1550];
	v32 =	vmul.f32 v32, v4;
	v33 =	vmul.f32 v33, v4  }
0xeb: {  	v41 =	vld [tilespmem:s0+$0xD540];
	v34 =	vmul.f32 v34, v3;
	v17 =	vmul.f32 v17, v3  }
0xec: {  	v42 =	vld [tilespmem:s0+$0x1520];
	v35 =	vmul.f32 v35, v4;
	v36 =	vmul.f32 v36, v3  }
0xed: {  	v12 =	vld [tilespmem:s0+$0x1160];
	v16 =	vmul.f32 v16, v3;
	v37 =	vmul.f32 v37, v4  }
0xee: {  	v10 =	vld [tilespmem:s0+$0x1100];
	v38 =	vmul.f32 v38, v3;
	v15 =	vmul.f32 v15, v3  }
0xef: {  	v8 =	vld [tilespmem:s0+$0xD20];
	v39 =	vmul.f32 v39, v4;
	v40 =	vmul.f32 v40, v3  }
0xf0: {  	v6 =	vld [tilespmem:s0+$0x940];
	v14 =	vmul.f32 v14, v3;
	v41 =	vmul.f32 v41, v4  }
0xf1: {  	v42 =	vmul.f32 v42, v3;
	v13 =	vmul.f32 v13, v3  }
0xf2: {  	v12 =	vmul.f32 v12, v3;
	v11 =	vmul.f32 v11, v3  }
0xf3: {  	v10 =	vmul.f32 v10, v3;
	v9 =	vmul.f32 v9, v3  }
0xf4: {  	vm1 =	veq.f32 v3, $0.0e+00;
	v8 =	vmul.f32 v8, v3;
	v7 =	vmul.f32 v7, v3  }
0xf5: {  	v49 =	vld [tilespmem:s0+$0xD960];
	vm2 =	veq.f32 v4, $0.0e+00;
	v6 =	vmul.f32 v6, v3;
	v5 =	vmul.f32 v5, v3  }
0xf6: {  	v50 =	vld [tilespmem:s0+$0x1940];
	v20 =	vsel vm1, $0x0, v20;
	v22 =	vsel vm1, $0x0, v22;
	v21 =	vsel vm2, $0x0, v21  }
0xf7: {  	v51 =	vld [tilespmem:s0+$0xD940];
	v23 =	vsel vm2, $0x0, v23;
	v19 =	vsel vm1, $0x0, v19;
	v25 =	vsel vm2, $0x0, v25  }
0xf8: {  	v52 =	vld [tilespmem:s0+$0xD930];
	v26 =	vsel vm1, $0x0, v26;
	v24 =	vsel vm1, $0x0, v24;
	v27 =	vsel vm2, $0x0, v27  }
0xf9: {  	v53 =	vld [tilespmem:s0+$0x1910];
	v28 =	vsel vm2, $0x0, v28;
	v29 =	vsel vm1, $0x0, v29;
	v30 =	vsel vm2, $0x0, v30  }
0xfa: {  	v54 =	vld [tilespmem:s0+$0xD910];
	v31 =	vsel vm1, $0x0, v31;
	v18 =	vsel vm1, $0x0, v18;
	v32 =	vsel vm2, $0x0, v32  }
0xfb: {  	v55 =	vld [tilespmem:s0+$0x1560];
	v33 =	vsel vm2, $0x0, v33;
	v34 =	vsel vm1, $0x0, v34;
	v17 =	vsel vm1, $0x0, v17  }
0xfc: {  	v56 =	vld [tilespmem:s0+$0xD560];
	v35 =	vsel vm2, $0x0, v35;
	v36 =	vsel vm1, $0x0, v36;
	v16 =	vsel vm1, $0x0, v16  }
0xfd: {  	v57 =	vld [tilespmem:s0+$0xD550];
	v37 =	vsel vm2, $0x0, v37;
	v38 =	vsel vm1, $0x0, v38;
	v15 =	vsel vm1, $0x0, v15  }
0xfe: {  	v58 =	vld [tilespmem:s0+$0x1530];
	v39 =	vsel vm2, $0x0, v39;
	v40 =	vsel vm1, $0x0, v40;
	v14 =	vsel vm1, $0x0, v14  }
0xff: {  	v59 =	vld [tilespmem:s0+$0xD530];
	v41 =	vsel vm2, $0x0, v41;
	v42 =	vsel vm1, $0x0, v42;
	v13 =	vsel vm1, $0x0, v13  }
0x100: {  	v60 =	vld [tilespmem:s0+$0xD520];
	v12 =	vsel vm1, $0x0, v12;
	v11 =	vsel vm1, $0x0, v11;
	v10 =	vsel vm1, $0x0, v10  }
0x101: {  	v43 =	vld [tilespmem:s0+$0xD510];
	v9 =	vsel vm1, $0x0, v9;
	v8 =	vsel vm1, $0x0, v8;
	v21 =	vadd.f32 v21, v22  }
0x102: {  	v61 =	vld [tilespmem:s0+$0x1500];
	v7 =	vsel vm1, $0x0, v7;
	v20 =	vadd.f32 v23, v20;
	v19 =	vadd.f32 v25, v19  }
0x103: {  	v62 =	vld [tilespmem:s0+$0xD500];
	v6 =	vsel vm1, $0x0, v6;
	v26 =	vadd.f32 v27, v26;
	v24 =	vadd.f32 v28, v24  }
0x104: {  	v44 =	vld [tilespmem:s0+$0x1170];
	v5 =	vsel vm1, $0x0, v5;
	v29 =	vadd.f32 v30, v29;
	v31 =	vadd.f32 v32, v31  }
0x105: {  	v45 =	vld [tilespmem:s0+$0xD160];
	v18 =	vadd.f32 v33, v18;
	v25 =	vmul.f32 v49, v4;
	v27 =	vmul.f32 v50, v3  }
0x106: {  	v63 =	vld [tilespmem:s0+$0xD170];
	v28 =	vmul.f32 v51, v4;
	v17 =	vadd.f32 v35, v17;
	v30 =	vmul.f32 v52, v4  }
0x107: {  	v48 =	vld [tilespmem:s0+$0x1150];
	v32 =	vmul.f32 v53, v3;
	v33 =	vmul.f32 v54, v4;
	v16 =	vadd.f32 v37, v16  }
0x108: {  	v46 =	vld [tilespmem:s0+$0xD40];
	v35 =	vmul.f32 v56, v4;
	v15 =	vadd.f32 v39, v15;
	v37 =	vmul.f32 v59, v4  }
0x109: {  	v22 =	vld [tilespmem:s0+$0x1970];
	v14 =	vadd.f32 v41, v14;
	v54 =	vmul.f32 v62, v4;
	v56 =	vmul.f32 v44, v3;
	[tilespmem:s0+$0x1D70] =	vst v21  }
0x10a: {  	v23 =	vld [tilespmem:s0+$0xD970];
	v59 =	vmul.f32 v45, v4;
	v25 =	vsel vm2, $0x0, v25;
	v27 =	vsel vm1, $0x0, v27;
	[tilespmem:s0+$0x1D60] =	vst v20  }
0x10b: {  	v49 =	vld [tilespmem:s0+$0xD150];
	v28 =	vsel vm2, $0x0, v28;
	v30 =	vsel vm2, $0x0, v30;
	v32 =	vsel vm1, $0x0, v32;
	[tilespmem:s0+$0x1D50] =	vst v19  }
0x10c: {  	v51 =	vld [tilespmem:s0+$0x1140];
	v33 =	vsel vm2, $0x0, v33;
	v35 =	vsel vm2, $0x0, v35;
	v21 =	vmul.f32 v60, v4;
	[tilespmem:s0+$0x1D40] =	vst v26  }
0x10d: {  	v52 =	vld [tilespmem:s0+$0xD140];
	v50 =	vsel vm2, $0x0, v37;
	v20 =	vmul.f32 v43, v4;
	v19 =	vmul.f32 v61, v3;
	[tilespmem:s0+$0x1D30] =	vst v24  }
0x10e: {  	v53 =	vld [tilespmem:s0+$0xD130];
	v26 =	vsel vm2, $0x0, v54;
	v24 =	vsel vm1, $0x0, v56;
	[tilespmem:s0+$0x1D00] =	vst v18;
	v18 =	vmul.f32 v48, v3  }
0x10f: {  	v62 =	vld [tilespmem:s0+$0xD70];
	[tilespmem:s0+$0x1D10] =	vst v31;
	v31 =	vsel vm2, $0x0, v59;
	v25 =	vadd.f32 v25, v34;
	v27 =	vadd.f32 v28, v27  }
0x110: {  	v41 =	vld [tilespmem:s0+$0xCD70];
	v30 =	vadd.f32 v30, v36;
	v34 =	vmul.f32 v55, v3;
	v28 =	vmul.f32 v57, v4  }
0x111: {  	v45 =	vld [tilespmem:s0+$0xCD50];
	v32 =	vadd.f32 v33, v32;
	v36 =	vmul.f32 v58, v3;
	v57 =	vmul.f32 v63, v4  }
0x112: {  	v60 =	vld [tilespmem:s0+$0xD110];
	v12 =	vadd.f32 v31, v12;
	v21 =	vsel vm2, $0x0, v21;
	v20 =	vsel vm2, $0x0, v20  }
0x113: {  	v61 =	vld [tilespmem:s0+$0xD100];
	v19 =	vsel vm1, $0x0, v19;
	v18 =	vsel vm1, $0x0, v18;
	v22 =	vmul.f32 v22, v3  }
0x114: {  	[tilespmem:s0+$0x1D20] =	vst v29;
	v48 =	vld [tilespmem:s0+$0xD30];
	v23 =	vmul.f32 v23, v4;
	v34 =	vsel vm1, $0x0, v34;
	v28 =	vsel vm2, $0x0, v28  }
0x115: {  	[tilespmem:s0+$0x1950] =	vst v17;
	v54 =	vld [tilespmem:s0+$0xD00];
	v36 =	vsel vm1, $0x0, v36;
	v21 =	vadd.f32 v21, v42;
	v13 =	vadd.f32 v20, v13  }
0x116: {  	[tilespmem:s0+$0x1920] =	vst v16;
	v56 =	vld [tilespmem:s0+$0xC970];
	v19 =	vadd.f32 v26, v19;
	v63 =	vmul.f32 v51, v3;
	v17 =	vmul.f32 v52, v4  }
0x117: {  	[tilespmem:s0+$0x1570] =	vst v15;
	v55 =	vld [tilespmem:s0+$0x1120];
	v29 =	vsel vm2, $0x0, v57;
	v43 =	vmul.f32 v53, v4;
	v51 =	vmul.f32 v41, v4  }
0x118: {  	[tilespmem:s0+$0x1540] =	vst v14;
	v58 =	vld [tilespmem:s0+$0x1110];
	v53 =	vmul.f32 v45, v4;
	v34 =	vadd.f32 v35, v34;
	v28 =	vadd.f32 v28, v40  }
0x119: {  	v59 =	vld [tilespmem:s0+$0x950];
	[tilespmem:s0+$0x1960] =	vst v25;
	v33 =	vadd.f32 v50, v36;
	v24 =	vadd.f32 v29, v24;
	v29 =	vmul.f32 v62, v3  }
0x11a: {  	v20 =	vld [tilespmem:s0+$0xD120];
	[tilespmem:s0+$0x1940] =	vst v27;
	v22 =	vsel vm1, $0x0, v22;
	v23 =	vsel vm2, $0x0, v23;
	v25 =	vsel vm1, $0x0, v63  }
0x11b: {  	v42 =	vld [tilespmem:s0+$0xD60];
	v17 =	vsel vm2, $0x0, v17;
	v15 =	vmul.f32 v61, v4;
	[tilespmem:s0+$0x1500] =	vst v19;
	v19 =	vmul.f32 v48, v3  }
0x11c: {  	[tilespmem:s0+$0x1930] =	vst v30;
	v52 =	vld [tilespmem:s0+$0xD10];
	v22 =	vadd.f32 v23, v22;
	v44 =	vmul.f32 v55, v3;
	v17 =	vadd.f32 v17, v25  }
0x11d: {  	v50 =	vld [tilespmem:s0+$0xCD20];
	v47 =	vmul.f32 v58, v3;
	[tilespmem:s0+$0x1550] =	vst v28;
	v29 =	vsel vm1, $0x0, v29;
	v28 =	vsel vm2, $0x0, v51  }
0x11e: {  	[tilespmem:s0+$0x1160] =	vst v12;
	v23 =	vld [tilespmem:s0+$0xD900];
	v25 =	vmul.f32 v46, v3;
	v15 =	vsel vm2, $0x0, v15;
	v19 =	vsel vm1, $0x0, v19  }
0x11f: {  	v58 =	vld [tilespmem:s0+$0xC960];
	[tilespmem:s0+$0x1970] =	vst v22;
	v22 =	vmul.f32 v49, v4;
	v16 =	vmul.f32 v20, v4;
	v20 =	vsel vm2, $0x0, v43  }
0x120: {  	[tilespmem:s0+$0x1510] =	vst v13;
	v30 =	vsel vm1, $0x0, v44;
	v27 =	vsel vm1, $0x0, v47;
	v49 =	vld [tilespmem:s0+$0xCD30];
	v14 =	vmul.f32 v42, v3  }
0x121: {  	v55 =	vld [tilespmem:s0+$0xCD00];
	[tilespmem:s0+$0x1170] =	vst v24;
	v10 =	vadd.f32 v15, v10;
	v25 =	vsel vm1, $0x0, v25;
	v11 =	vadd.f32 v20, v11  }
0x122: {  	[tilespmem:s0+$0x1140] =	vst v17;
	v20 =	vld [tilespmem:s0+$0xCD40];
	v12 =	vmul.f32 v50, v4;
	v22 =	vsel vm2, $0x0, v22;
	v16 =	vsel vm2, $0x0, v16  }
0x123: {  	v62 =	vld [tilespmem:s0+$0xC930];
	[tilespmem:s0+$0x1100] =	vst v10;
	v23 =	vmul.f32 v23, v4;
	v18 =	vadd.f32 v22, v18;
	v16 =	vadd.f32 v16, v30  }
0x124: {  	v15 =	vld [tilespmem:s0+$0xCD10];
	v12 =	vsel vm2, $0x0, v12;
	[tilespmem:s0+$0x1130] =	vst v11;
	v11 =	vmul.f32 v54, v3;
	v10 =	vmul.f32 v58, v4  }
0x125: {  	v61 =	vld [tilespmem:s0+$0x930];
	v8 =	vadd.f32 v12, v8;
	v23 =	vsel vm2, $0x0, v23;
	v57 =	vmul.f32 v49, v4;
	[tilespmem:s0+$0x1150] =	vst v18  }
0x126: {  	v22 =	vld [tilespmem:s0+$0xCD60];
	v12 =	vmul.f32 v55, v4;
	v18 =	vmul.f32 v52, v3;
	[tilespmem:s0+$0x1120] =	vst v16;
	v23 =	vadd.f32 v23, v38  }
0x127: {  	v16 =	vmul.f32 v56, v4;
	v13 =	vmul.f32 v20, v4;
	[tilespmem:s0+$0xD20] =	vst v8;
	v8 =	vld [tilespmem:s0+$0x900];
	v24 =	vsel vm2, $0x0, v57  }
0x128: {  	v20 =	vsel vm2, $0x0, v53;
	[tilespmem:s0+$0x1900] =	vst v23;
	v23 =	vmul.f32 v60, v4;
	v17 =	vadd.f32 v24, v19;
	v19 =	vld [tilespmem:s0+$0xC940]  }
0x129: {  	[tilespmem:s0+$0x1910] =	vst v32;
	v15 =	vmul.f32 v15, v4;
	v9 =	vadd.f32 v20, v9;
	v20 =	vld [tilespmem:s0+$0x960];
	v13 =	vsel vm2, $0x0, v13  }
0x12a: {  	[tilespmem:s0+$0x1520] =	vst v21;
	v16 =	vsel vm2, $0x0, v16;
	v60 =	vld [tilespmem:s0+$0xC950];
	v13 =	vadd.f32 v13, v25;
	v23 =	vsel vm2, $0x0, v23  }
0x12b: {  	v21 =	vmul.f32 v22, v4;
	v7 =	vadd.f32 v16, v7;
	v16 =	vld [tilespmem:s0+$0xC910];
	[tilespmem:s0+$0xD30] =	vst v17;
	v23 =	vadd.f32 v23, v27  }
0x12c: {  	v63 =	vld [tilespmem:s0+$0xC920];
	v10 =	vsel vm2, $0x0, v10;
	v25 =	vmul.f32 v59, v3;
	v17 =	vmul.f32 v62, v4;
	[tilespmem:s0+$0xD40] =	vst v13  }
0x12d: {  	v22 =	vadd.f32 v28, v29;
	v13 =	vmul.f32 v61, v3;
	[tilespmem:s0+$0x1110] =	vst v23;
	v23 =	vld [tilespmem:s0+$0x920];
	v19 =	vmul.f32 v19, v4  }
0x12e: {  	[tilespmem:s0+$0x970] =	vst v7;
	v7 =	vld [tilespmem:s0+$0xC900];
	v8 =	vmul.f32 v8, v3;
	v20 =	vmul.f32 v20, v3;
	v17 =	vsel vm2, $0x0, v17  }
0x12f: {  	[tilespmem:s0+$0xD50] =	vst v9;
	v9 =	vmul.f32 v60, v4;
	v13 =	vsel vm1, $0x0, v13;
	v19 =	vsel vm2, $0x0, v19  }
0x130: {  	[tilespmem:s0+$0x1560] =	vst v34;
	v16 =	vmul.f32 v16, v4;
	v20 =	vsel vm1, $0x0, v20;
	v6 =	vadd.f32 v19, v6  }
0x131: {  	[tilespmem:s0+$0x1530] =	vst v33;
	v13 =	vadd.f32 v17, v13;
	v10 =	vadd.f32 v10, v20;
	v9 =	vsel vm2, $0x0, v9  }
0x132: {  	v19 =	vmul.f32 v63, v4;
	v20 =	vmul.f32 v23, v3;
	[tilespmem:s0+$0x940] =	vst v6;
	v6 =	vsel vm2, $0x0, v16  }
0x133: {  	s30 =	simm.s32 $0x0;
	[tilespmem:s0+$0x930] =	vst v13;
	v4 =	vmul.f32 v7, v4;
	v16 =	vsel vm1, $0x0, v25;
	v5 =	vadd.f32 v6, v5  }
0x134: {  	s31 =	simm.s32 $0x80;
	s30 =	smul.u32 $0x1800, s30;
	[tilespmem:s0+$0x960] =	vst v10;
	v17 =	vsel vm2, $0x0, v19;
	v9 =	vadd.f32 v9, v16;
	v10 =	vsel vm1, $0x0, v20  }
0x135: {  	s1 =	sand.u32 $0x380, s31;
	v7 =	vsel vm2, $0x0, v21;
	v10 =	vadd.f32 v17, v10;
	[tilespmem:s0+$0x910] =	vst v5;
	v5 =	vsel vm1, $0x0, v14  }
0x136: {  	s30 =	sor.u32 s1, s30;
	[tilespmem:s0+$0x950] =	vst v9;
	v7 =	vadd.f32 v7, v5;
	v5 =	vsel vm1, $0x0, v8;
	v8 =	vsel vm2, $0x0, v4  }
0x137: {  	v18 =	vsel vm1, $0x0, v18;
	v15 =	vsel vm2, $0x0, v15;
	[tilespmem:s0+$0x920] =	vst v10;
	v8 =	vadd.f32 v8, v5;
	v5 =	vld [tilespmem:s30+$0x970]  }
0x138: {  	[tilespmem:s0+$0xD70] =	vst v22;
	v6 =	vsel vm1, $0x0, v11;
	v11 =	vadd.f32 v15, v18;
	v10 =	vsel vm2, $0x0, v12;
	v3 =	vld [tilespmem:s30+$0x910]  }
0x139: {  	v6 =	vadd.f32 v10, v6;
	v4 =	vld [tilespmem:s30+$0x940];
	[tilespmem:s0+$0xD60] =	vst v7  }
0x13a: {  	[tilespmem:s0+$0xD10] =	vst v11;
	v7 =	vld [tilespmem:s30+$0xD50]  }
0x13b: {  	v14 =	vld [tilespmem:s30+$0x1540];
	[tilespmem:s0+$0xD00] =	vst v6  }
0x13c: {  	[tilespmem:s0+$0x900] =	vst v8;
	v6 =	vld [tilespmem:s30+$0xD20]  }
0x13d: {  	v8 =	vld [tilespmem:s30+$0x1100]  }
0x13e: {  	v9 =	vld [tilespmem:s30+$0x1130]  }
0x13f: {  	v10 =	vld [tilespmem:s30+$0x1160]  }
0x140: {  	v13 =	vld [tilespmem:s30+$0x1510]  }
0x141: {  	v15 =	vld [tilespmem:s30+$0x1570]  }
0x142: {  	v16 =	vld [tilespmem:s30+$0x1920]  }
0x143: {  	v17 =	vld [tilespmem:s30+$0x1950]  }
0x144: {  	v18 =	vld [tilespmem:s30+$0x1D00]  }
0x145: {  	v19 =	vld [tilespmem:s30+$0x1D50]  }
0x146: {  	s0 =	simm.s32 $0x2;
	v20 =	vld [tilespmem:s30+$0x1D60]  }
.LBB2_2:
0x147: {  	p0 =	sne.s32 s0, $0x3F;
	v21 =	vld [tilespmem:s30+$0xDD70]  }
0x148: {  	s28 =	sadd.s32 $0x10, s28;
	v22 =	vld [tilespmem:s30+$0x1D70]  }
0x149: {  	s29 =	sadd.s32 $0x10, s29;
	v12 =	vld [tilespmem:s28+$0x0]  }
0x14a: {  	v11 =	vld [tilespmem:s29+$0x0]  }
0x14b: {  	v23 =	vld [tilespmem:s30+$0xDD60]  }
0x14c: {  	v24 =	vld [tilespmem:s30+$0x1D30]  }
0x14d: {  	v25 =	vld [tilespmem:s30+$0xDD50]  }
0x14e: {  	v26 =	vld [tilespmem:s30+$0x1D40];
	v19 =	vmul.f32 v19, v12;
	v20 =	vmul.f32 v20, v12  }
0x14f: {  	v22 =	vmul.f32 v22, v12;
	v27 =	vld [tilespmem:s30+$0xDD40];
	v21 =	vmul.f32 v21, v11  }
0x150: {  	vm2 =	veq.f32 v12, $0.0e+00;
	vm1 =	veq.f32 v11, $0.0e+00;
	v28 =	vld [tilespmem:s30+$0xDD30];
	v23 =	vmul.f32 v23, v11  }
0x151: {  	v20 =	vsel vm2, $0x0, v20;
	v22 =	vsel vm2, $0x0, v22;
	v29 =	vld [tilespmem:s30+$0x1D20];
	v21 =	vsel vm1, $0x0, v21  }
0x152: {  	v30 =	vld [tilespmem:s30+$0xDD20];
	v25 =	vmul.f32 v25, v11;
	v23 =	vsel vm1, $0x0, v23;
	v21 =	vadd.f32 v21, v22  }
0x153: {  	v19 =	vsel vm2, $0x0, v19;
	v22 =	vld [tilespmem:s30+$0x1D10];
	v26 =	vmul.f32 v26, v12;
	v20 =	vadd.f32 v23, v20  }
0x154: {  	v24 =	vmul.f32 v24, v12;
	v23 =	vld [tilespmem:s30+$0xDD10];
	v27 =	vmul.f32 v27, v11;
	v25 =	vsel vm1, $0x0, v25;
	[tilespmem:s30+$0x1D70] =	vst v21  }
0x155: {  	v21 =	vld [tilespmem:s30+$0xDD00];
	v28 =	vmul.f32 v28, v11;
	v26 =	vsel vm2, $0x0, v26;
	v19 =	vadd.f32 v25, v19;
	[tilespmem:s30+$0x1D60] =	vst v20  }
0x156: {  	v24 =	vsel vm2, $0x0, v24;
	v20 =	vld [tilespmem:s30+$0x1970];
	v25 =	vmul.f32 v29, v12;
	v27 =	vsel vm1, $0x0, v27  }
0x157: {  	v29 =	vld [tilespmem:s30+$0xD970];
	v30 =	vmul.f32 v30, v11;
	v28 =	vsel vm1, $0x0, v28;
	v26 =	vadd.f32 v27, v26;
	[tilespmem:s30+$0x1D50] =	vst v19  }
0x158: {  	v19 =	vld [tilespmem:s30+$0x1960];
	v22 =	vmul.f32 v22, v12;
	v25 =	vsel vm2, $0x0, v25;
	v24 =	vadd.f32 v28, v24  }
0x159: {  	v18 =	vmul.f32 v18, v12;
	v27 =	vld [tilespmem:s30+$0xD960];
	v23 =	vmul.f32 v23, v11;
	v28 =	vsel vm1, $0x0, v30;
	[tilespmem:s30+$0x1D40] =	vst v26  }
0x15a: {  	v26 =	vld [tilespmem:s30+$0xD950];
	v21 =	vmul.f32 v21, v11;
	v22 =	vsel vm2, $0x0, v22;
	v25 =	vadd.f32 v28, v25;
	[tilespmem:s30+$0x1D30] =	vst v24  }
0x15b: {  	v18 =	vsel vm2, $0x0, v18;
	v24 =	vld [tilespmem:s30+$0x1940];
	v20 =	vmul.f32 v20, v12;
	v23 =	vsel vm1, $0x0, v23  }
0x15c: {  	v28 =	vld [tilespmem:s30+$0xD940];
	v29 =	vmul.f32 v29, v11;
	v21 =	vsel vm1, $0x0, v21;
	v22 =	vadd.f32 v23, v22;
	[tilespmem:s30+$0x1D20] =	vst v25  }
0x15d: {  	v23 =	vld [tilespmem:s30+$0x1930];
	v19 =	vmul.f32 v19, v12;
	v20 =	vsel vm2, $0x0, v20;
	v18 =	vadd.f32 v21, v18  }
0x15e: {  	v17 =	vmul.f32 v17, v12;
	v21 =	vld [tilespmem:s30+$0xD930];
	v25 =	vmul.f32 v27, v11;
	v27 =	vsel vm1, $0x0, v29;
	[tilespmem:s30+$0x1D10] =	vst v22  }
0x15f: {  	v22 =	vld [tilespmem:s30+$0xD920];
	v26 =	vmul.f32 v26, v11;
	v19 =	vsel vm2, $0x0, v19;
	v20 =	vadd.f32 v27, v20;
	[tilespmem:s30+$0x1D00] =	vst v18  }
0x160: {  	v17 =	vsel vm2, $0x0, v17;
	v18 =	vld [tilespmem:s30+$0x1910];
	v24 =	vmul.f32 v24, v12;
	v25 =	vsel vm1, $0x0, v25  }
0x161: {  	v27 =	vld [tilespmem:s30+$0xD910];
	v28 =	vmul.f32 v28, v11;
	v26 =	vsel vm1, $0x0, v26;
	v19 =	vadd.f32 v25, v19;
	[tilespmem:s30+$0x1970] =	vst v20  }
0x162: {  	v20 =	vld [tilespmem:s30+$0x1900];
	v23 =	vmul.f32 v23, v12;
	v24 =	vsel vm2, $0x0, v24;
	v17 =	vadd.f32 v26, v17  }
0x163: {  	v16 =	vmul.f32 v16, v12;
	v25 =	vld [tilespmem:s30+$0xD900];
	v21 =	vmul.f32 v21, v11;
	v26 =	vsel vm1, $0x0, v28;
	[tilespmem:s30+$0x1960] =	vst v19  }
0x164: {  	v19 =	vld [tilespmem:s30+$0xD570];
	v22 =	vmul.f32 v22, v11;
	v23 =	vsel vm2, $0x0, v23;
	v24 =	vadd.f32 v26, v24;
	[tilespmem:s30+$0x1950] =	vst v17  }
0x165: {  	v16 =	vsel vm2, $0x0, v16;
	v17 =	vld [tilespmem:s30+$0x1560];
	v18 =	vmul.f32 v18, v12;
	v21 =	vsel vm1, $0x0, v21  }
0x166: {  	v26 =	vld [tilespmem:s30+$0xD560];
	v27 =	vmul.f32 v27, v11;
	v22 =	vsel vm1, $0x0, v22;
	v21 =	vadd.f32 v21, v23;
	[tilespmem:s30+$0x1940] =	vst v24  }
0x167: {  	v23 =	vld [tilespmem:s30+$0x1550];
	v20 =	vmul.f32 v20, v12;
	v18 =	vsel vm2, $0x0, v18;
	v16 =	vadd.f32 v22, v16  }
0x168: {  	v15 =	vmul.f32 v15, v12;
	v22 =	vld [tilespmem:s30+$0xD550];
	v24 =	vmul.f32 v25, v11;
	v25 =	vsel vm1, $0x0, v27;
	[tilespmem:s30+$0x1930] =	vst v21  }
0x169: {  	v21 =	vld [tilespmem:s30+$0xD540];
	v19 =	vmul.f32 v19, v11;
	v20 =	vsel vm2, $0x0, v20;
	v18 =	vadd.f32 v25, v18;
	[tilespmem:s30+$0x1920] =	vst v16  }
0x16a: {  	v15 =	vsel vm2, $0x0, v15;
	v16 =	vld [tilespmem:s30+$0x1530];
	v17 =	vmul.f32 v17, v12;
	v24 =	vsel vm1, $0x0, v24  }
0x16b: {  	v25 =	vld [tilespmem:s30+$0xD530];
	v26 =	vmul.f32 v26, v11;
	v19 =	vsel vm1, $0x0, v19;
	v20 =	vadd.f32 v24, v20;
	[tilespmem:s30+$0x1910] =	vst v18  }
0x16c: {  	v18 =	vld [tilespmem:s30+$0x1520];
	v23 =	vmul.f32 v23, v12;
	v17 =	vsel vm2, $0x0, v17;
	v15 =	vadd.f32 v19, v15  }
0x16d: {  	v14 =	vmul.f32 v14, v12;
	v19 =	vld [tilespmem:s30+$0xD520];
	v22 =	vmul.f32 v22, v11;
	v24 =	vsel vm1, $0x0, v26;
	[tilespmem:s30+$0x1900] =	vst v20  }
0x16e: {  	v20 =	vld [tilespmem:s30+$0xD510];
	v21 =	vmul.f32 v21, v11;
	v23 =	vsel vm2, $0x0, v23;
	v17 =	vadd.f32 v24, v17;
	[tilespmem:s30+$0x1570] =	vst v15  }
0x16f: {  	v14 =	vsel vm2, $0x0, v14;
	v15 =	vld [tilespmem:s30+$0x1500];
	v16 =	vmul.f32 v16, v12;
	v22 =	vsel vm1, $0x0, v22  }
0x170: {  	v24 =	vld [tilespmem:s30+$0xD500];
	v25 =	vmul.f32 v25, v11;
	v21 =	vsel vm1, $0x0, v21;
	v22 =	vadd.f32 v22, v23;
	[tilespmem:s30+$0x1560] =	vst v17  }
0x171: {  	v17 =	vld [tilespmem:s30+$0x1170];
	v18 =	vmul.f32 v18, v12;
	v16 =	vsel vm2, $0x0, v16;
	v14 =	vadd.f32 v21, v14  }
0x172: {  	v13 =	vmul.f32 v13, v12;
	v21 =	vld [tilespmem:s30+$0xD170];
	v19 =	vmul.f32 v19, v11;
	v23 =	vsel vm1, $0x0, v25;
	[tilespmem:s30+$0x1550] =	vst v22  }
0x173: {  	v22 =	vld [tilespmem:s30+$0xD160];
	v20 =	vmul.f32 v20, v11;
	v18 =	vsel vm2, $0x0, v18;
	v16 =	vadd.f32 v23, v16;
	[tilespmem:s30+$0x1540] =	vst v14  }
0x174: {  	v13 =	vsel vm2, $0x0, v13;
	v14 =	vld [tilespmem:s30+$0x1150];
	v15 =	vmul.f32 v15, v12;
	v19 =	vsel vm1, $0x0, v19  }
0x175: {  	v23 =	vld [tilespmem:s30+$0xD150];
	v24 =	vmul.f32 v24, v11;
	v20 =	vsel vm1, $0x0, v20;
	v18 =	vadd.f32 v19, v18;
	[tilespmem:s30+$0x1530] =	vst v16  }
0x176: {  	v16 =	vld [tilespmem:s30+$0x1140];
	v17 =	vmul.f32 v17, v12;
	v15 =	vsel vm2, $0x0, v15;
	v13 =	vadd.f32 v20, v13  }
0x177: {  	v10 =	vmul.f32 v10, v12;
	v19 =	vld [tilespmem:s30+$0xD140];
	v20 =	vmul.f32 v21, v11;
	v21 =	vsel vm1, $0x0, v24;
	[tilespmem:s30+$0x1520] =	vst v18  }
0x178: {  	v18 =	vld [tilespmem:s30+$0xD130];
	v22 =	vmul.f32 v22, v11;
	v17 =	vsel vm2, $0x0, v17;
	v15 =	vadd.f32 v21, v15;
	[tilespmem:s30+$0x1510] =	vst v13  }
0x179: {  	v10 =	vsel vm2, $0x0, v10;
	v13 =	vld [tilespmem:s30+$0x1120];
	v14 =	vmul.f32 v14, v12;
	v20 =	vsel vm1, $0x0, v20  }
0x17a: {  	v21 =	vld [tilespmem:s30+$0xD120];
	v23 =	vmul.f32 v23, v11;
	v22 =	vsel vm1, $0x0, v22;
	v17 =	vadd.f32 v20, v17;
	[tilespmem:s30+$0x1500] =	vst v15  }
0x17b: {  	v15 =	vld [tilespmem:s30+$0x1110];
	v16 =	vmul.f32 v16, v12;
	v14 =	vsel vm2, $0x0, v14;
	v10 =	vadd.f32 v22, v10  }
0x17c: {  	v9 =	vmul.f32 v9, v12;
	v20 =	vld [tilespmem:s30+$0xD110];
	v19 =	vmul.f32 v19, v11;
	v22 =	vsel vm1, $0x0, v23;
	[tilespmem:s30+$0x1170] =	vst v17  }
0x17d: {  	v17 =	vld [tilespmem:s30+$0xD100];
	v18 =	vmul.f32 v18, v11;
	v16 =	vsel vm2, $0x0, v16;
	v14 =	vadd.f32 v22, v14;
	[tilespmem:s30+$0x1160] =	vst v10  }
0x17e: {  	v9 =	vsel vm2, $0x0, v9;
	v10 =	vld [tilespmem:s30+$0xD70];
	v13 =	vmul.f32 v13, v12;
	v19 =	vsel vm1, $0x0, v19  }
0x17f: {  	v22 =	vld [tilespmem:s30+$0xCD70];
	v21 =	vmul.f32 v21, v11;
	v18 =	vsel vm1, $0x0, v18;
	v16 =	vadd.f32 v19, v16;
	[tilespmem:s30+$0x1150] =	vst v14  }
0x180: {  	v14 =	vld [tilespmem:s30+$0xD60];
	v15 =	vmul.f32 v15, v12;
	v13 =	vsel vm2, $0x0, v13;
	v9 =	vadd.f32 v18, v9  }
0x181: {  	v8 =	vmul.f32 v8, v12;
	v18 =	vld [tilespmem:s30+$0xCD60];
	v19 =	vmul.f32 v20, v11;
	v20 =	vsel vm1, $0x0, v21;
	[tilespmem:s30+$0x1140] =	vst v16  }
0x182: {  	v16 =	vld [tilespmem:s30+$0xCD50];
	v17 =	vmul.f32 v17, v11;
	v15 =	vsel vm2, $0x0, v15;
	v13 =	vadd.f32 v20, v13;
	[tilespmem:s30+$0x1130] =	vst v9  }
0x183: {  	v8 =	vsel vm2, $0x0, v8;
	v9 =	vld [tilespmem:s30+$0xD40];
	v10 =	vmul.f32 v10, v12;
	v19 =	vsel vm1, $0x0, v19  }
0x184: {  	v20 =	vld [tilespmem:s30+$0xCD40];
	v21 =	vmul.f32 v22, v11;
	v17 =	vsel vm1, $0x0, v17;
	v15 =	vadd.f32 v19, v15;
	[tilespmem:s30+$0x1120] =	vst v13  }
0x185: {  	v13 =	vld [tilespmem:s30+$0xD30];
	v14 =	vmul.f32 v14, v12;
	v10 =	vsel vm2, $0x0, v10;
	v8 =	vadd.f32 v17, v8  }
0x186: {  	v7 =	vmul.f32 v7, v12;
	v17 =	vld [tilespmem:s30+$0xCD30];
	v18 =	vmul.f32 v18, v11;
	v19 =	vsel vm1, $0x0, v21;
	[tilespmem:s30+$0x1110] =	vst v15  }
0x187: {  	v15 =	vld [tilespmem:s30+$0xCD20];
	v16 =	vmul.f32 v16, v11;
	v14 =	vsel vm2, $0x0, v14;
	v10 =	vadd.f32 v19, v10;
	[tilespmem:s30+$0x1100] =	vst v8  }
0x188: {  	v7 =	vsel vm2, $0x0, v7;
	v8 =	vld [tilespmem:s30+$0xD10];
	v9 =	vmul.f32 v9, v12;
	v18 =	vsel vm1, $0x0, v18  }
0x189: {  	v19 =	vld [tilespmem:s30+$0xCD10];
	v20 =	vmul.f32 v20, v11;
	v16 =	vsel vm1, $0x0, v16;
	v14 =	vadd.f32 v18, v14;
	[tilespmem:s30+$0xD70] =	vst v10  }
0x18a: {  	v10 =	vld [tilespmem:s30+$0xD00];
	v13 =	vmul.f32 v13, v12;
	v9 =	vsel vm2, $0x0, v9;
	v7 =	vadd.f32 v16, v7  }
0x18b: {  	v6 =	vmul.f32 v6, v12;
	v16 =	vld [tilespmem:s30+$0xCD00];
	v17 =	vmul.f32 v17, v11;
	v18 =	vsel vm1, $0x0, v20;
	[tilespmem:s30+$0xD60] =	vst v14  }
0x18c: {  	v14 =	vld [tilespmem:s30+$0xC970];
	v15 =	vmul.f32 v15, v11;
	v13 =	vsel vm2, $0x0, v13;
	v9 =	vadd.f32 v18, v9;
	[tilespmem:s30+$0xD50] =	vst v7  }
0x18d: {  	v6 =	vsel vm2, $0x0, v6;
	v7 =	vld [tilespmem:s30+$0x960];
	v8 =	vmul.f32 v8, v12;
	v17 =	vsel vm1, $0x0, v17  }
0x18e: {  	v18 =	vld [tilespmem:s30+$0xC960];
	v19 =	vmul.f32 v19, v11;
	v15 =	vsel vm1, $0x0, v15;
	v13 =	vadd.f32 v17, v13;
	[tilespmem:s30+$0xD40] =	vst v9  }
0x18f: {  	v9 =	vld [tilespmem:s30+$0x950];
	v10 =	vmul.f32 v10, v12;
	v8 =	vsel vm2, $0x0, v8;
	v6 =	vadd.f32 v15, v6  }
0x190: {  	v5 =	vmul.f32 v5, v12;
	v15 =	vld [tilespmem:s30+$0xC950];
	v16 =	vmul.f32 v16, v11;
	v17 =	vsel vm1, $0x0, v19;
	[tilespmem:s30+$0xD30] =	vst v13  }
0x191: {  	v13 =	vld [tilespmem:s30+$0xC940];
	v14 =	vmul.f32 v14, v11;
	v10 =	vsel vm2, $0x0, v10;
	v8 =	vadd.f32 v17, v8;
	[tilespmem:s30+$0xD20] =	vst v6  }
0x192: {  	v5 =	vsel vm2, $0x0, v5;
	v6 =	vld [tilespmem:s30+$0x930];
	v7 =	vmul.f32 v7, v12;
	v16 =	vsel vm1, $0x0, v16  }
0x193: {  	v17 =	vld [tilespmem:s30+$0xC930];
	v18 =	vmul.f32 v18, v11;
	v14 =	vsel vm1, $0x0, v14;
	v10 =	vadd.f32 v16, v10;
	[tilespmem:s30+$0xD10] =	vst v8  }
0x194: {  	v8 =	vld [tilespmem:s30+$0x920];
	v9 =	vmul.f32 v9, v12;
	v7 =	vsel vm2, $0x0, v7;
	v5 =	vadd.f32 v14, v5  }
0x195: {  	v4 =	vmul.f32 v4, v12;
	v14 =	vld [tilespmem:s30+$0xC920];
	v15 =	vmul.f32 v15, v11;
	v16 =	vsel vm1, $0x0, v18;
	[tilespmem:s30+$0xD00] =	vst v10  }
0x196: {  	v10 =	vld [tilespmem:s30+$0xC910];
	v13 =	vmul.f32 v13, v11;
	v9 =	vsel vm2, $0x0, v9;
	v7 =	vadd.f32 v16, v7;
	[tilespmem:s30+$0x970] =	vst v5  }
0x197: {  	v4 =	vsel vm2, $0x0, v4;
	v5 =	vld [tilespmem:s30+$0x900];
	v6 =	vmul.f32 v6, v12;
	v15 =	vsel vm1, $0x0, v15  }
0x198: {  	v16 =	vld [tilespmem:s30+$0xC900];
	v17 =	vmul.f32 v17, v11;
	v13 =	vsel vm1, $0x0, v13;
	v9 =	vadd.f32 v15, v9;
	[tilespmem:s30+$0x960] =	vst v7  }
0x199: {  	v7 =	vmul.f32 v8, v12;
	v6 =	vsel vm2, $0x0, v6;
	v4 =	vadd.f32 v13, v4  }
0x19a: {  	v3 =	vmul.f32 v3, v12;
	v8 =	vmul.f32 v14, v11;
	v13 =	vsel vm1, $0x0, v17;
	[tilespmem:s30+$0x950] =	vst v9  }
0x19b: {  	v9 =	vmul.f32 v10, v11;
	v7 =	vsel vm2, $0x0, v7;
	v6 =	vadd.f32 v13, v6;
	[tilespmem:s30+$0x940] =	vst v4  }
0x19c: {  	v3 =	vsel vm2, $0x0, v3;
	v4 =	vmul.f32 v5, v12;
	v5 =	vsel vm1, $0x0, v8  }
0x19d: {  	s1 =	sshrl.u32 s0, $0x3;
	v8 =	vmul.f32 v16, v11;
	v9 =	vsel vm1, $0x0, v9;
	v5 =	vadd.f32 v5, v7;
	[tilespmem:s30+$0x930] =	vst v6  }
0x19e: {  	s31 =	sadd.s32 $0x80, s31;
	s1 =	smul.u32 $0x1800, s1;
	v4 =	vsel vm2, $0x0, v4;
	v3 =	vadd.f32 v9, v3  }
0x19f: {  	s13 =	sand.u32 $0x380, s31;
	v6 =	vsel vm1, $0x0, v8;
	[tilespmem:s30+$0x920] =	vst v5  }
0x1a0: {  	s1 =	sor.u32 s13, s1;
	v5 =	vadd.f32 v6, v4;
	[tilespmem:s30+$0x910] =	vst v3  }
0x1a1: {  	v3 =	vld [tilespmem:s1+$0x910]  }
0x1a2: {  	v4 =	vld [tilespmem:s1+$0x940];
	[tilespmem:s30+$0x900] =	vst v5;
	s30 =	smov.u32 s1  }
0x1a3: {  	v5 =	vld [tilespmem:s30+$0x970]  }
0x1a4: {  	v6 =	vld [tilespmem:s30+$0xD20]  }
0x1a5: {  	v7 =	vld [tilespmem:s30+$0xD50]  }
0x1a6: {  	v8 =	vld [tilespmem:s30+$0x1100]  }
0x1a7: {  	v9 =	vld [tilespmem:s30+$0x1130]  }
0x1a8: {  	v10 =	vld [tilespmem:s30+$0x1160]  }
0x1a9: {  	v13 =	vld [tilespmem:s30+$0x1510]  }
0x1aa: {  	v14 =	vld [tilespmem:s30+$0x1540]  }
0x1ab: {  	v15 =	vld [tilespmem:s30+$0x1570]  }
.Ltmp0:
0x1ac: {  	v16 =	vld [tilespmem:s30+$0x1920];
	(pc) =	sbr.rel @p0 .LBB2_2-.Ltmp0, $4  }
0x1ad: {  	v17 =	vld [tilespmem:s30+$0x1950]  }
0x1ae: {  	v18 =	vld [tilespmem:s30+$0x1D00]  }
0x1af: {  	v19 =	vld [tilespmem:s30+$0x1D50]  }
0x1b0: {  	s0 =	sadd.s32 $0x1, s0;
	v20 =	vld [tilespmem:s30+$0x1D60]  }
0x1b1: {  	v21 =	vld [tilespmem:s30+$0xDD70]  }
0x1b2: {  	v22 =	vld [tilespmem:s30+$0x1D70]  }
0x1b3: {  	v23 =	vld [tilespmem:s30+$0xDD60]  }
0x1b4: {  	v24 =	vld [tilespmem:s30+$0x1D30]  }
0x1b5: {  	v25 =	vld [tilespmem:s30+$0xDD50]  }
0x1b6: {  	v26 =	vld [tilespmem:s30+$0x1D40]  }
0x1b7: {  	v27 =	vld [tilespmem:s30+$0xDD40]  }
0x1b8: {  	s0 =	sadd.s32 $0x10, s28;
	v28 =	vld [tilespmem:s30+$0xDD30]  }
0x1b9: {  	s31 =	sadd.s32 $0x10, s29;
	v11 =	vld [tilespmem:s0+$0x0]  }
0x1ba: {  	v12 =	vld [tilespmem:s31+$0x0]  }
0x1bb: {  	v29 =	vld [tilespmem:s30+$0xDD20]  }
0x1bc: {  	v37 =	vld [tilespmem:s30+$0x1970]  }
0x1bd: {  	v38 =	vld [tilespmem:s30+$0xD970]  }
0x1be: {  	v30 =	vld [tilespmem:s30+$0x1D10];
	v22 =	vmul.f32 v22, v11  }
0x1bf: {  	v42 =	vld [tilespmem:s30+$0xD960];
	v21 =	vmul.f32 v21, v12;
	v20 =	vmul.f32 v20, v11  }
0x1c0: {  	v43 =	vld [tilespmem:s30+$0xD950];
	v23 =	vmul.f32 v23, v12;
	v19 =	vmul.f32 v19, v11  }
0x1c1: {  	v46 =	vld [tilespmem:s30+$0x1940];
	v25 =	vmul.f32 v25, v12;
	v35 =	vmul.f32 v26, v11  }
0x1c2: {  	v49 =	vld [tilespmem:s30+$0x1930];
	v36 =	vmul.f32 v27, v12;
	v24 =	vmul.f32 v24, v11  }
0x1c3: {  	v51 =	vld [tilespmem:s30+$0xD930];
	v28 =	vmul.f32 v28, v12;
	v29 =	vmul.f32 v29, v12  }
0x1c4: {  	v45 =	vmul.f32 v30, v11;
	v18 =	vmul.f32 v18, v11  }
0x1c5: {  	v48 =	vmul.f32 v37, v11;
	v50 =	vmul.f32 v38, v12  }
0x1c6: {  	v53 =	vmul.f32 v42, v12;
	v17 =	vmul.f32 v17, v11  }
0x1c7: {  	v56 =	vmul.f32 v43, v12;
	v61 =	vmul.f32 v46, v11  }
0x1c8: {  	v31 =	vmul.f32 v49, v11;
	v32 =	vmul.f32 v51, v12  }
0x1c9: {  	v16 =	vmul.f32 v16, v11;
	v15 =	vmul.f32 v15, v11  }
0x1ca: {  	v63 =	vld [tilespmem:s30+$0xDD10];
	v14 =	vmul.f32 v14, v11;
	v13 =	vmul.f32 v13, v11  }
0x1cb: {  	v33 =	vld [tilespmem:s30+$0xDD00];
	v10 =	vmul.f32 v10, v11;
	v9 =	vmul.f32 v9, v11  }
0x1cc: {  	v34 =	vld [tilespmem:s30+$0x1D20];
	v8 =	vmul.f32 v8, v11;
	v7 =	vmul.f32 v7, v11  }
0x1cd: {  	v40 =	vld [tilespmem:s30+$0x1960];
	vm2 =	veq.f32 v11, $0.0e+00;
	v6 =	vmul.f32 v6, v11;
	v5 =	vmul.f32 v5, v11  }
0x1ce: {  	v47 =	vld [tilespmem:s30+$0xD940];
	vm1 =	veq.f32 v12, $0.0e+00;
	v4 =	vmul.f32 v4, v11;
	v3 =	vmul.f32 v3, v11  }
0x1cf: {  	v55 =	vld [tilespmem:s30+$0xD920];
	v22 =	vsel vm2, $0x0, v22;
	v21 =	vsel vm1, $0x0, v21;
	v20 =	vsel vm2, $0x0, v20  }
0x1d0: {  	v59 =	vld [tilespmem:s30+$0xD910];
	v62 =	vsel vm1, $0x0, v23;
	v19 =	vsel vm2, $0x0, v19;
	v25 =	vsel vm1, $0x0, v25  }
0x1d1: {  	v60 =	vld [tilespmem:s30+$0xD900];
	v26 =	vsel vm1, $0x0, v36;
	v24 =	vsel vm2, $0x0, v24;
	v41 =	vsel vm1, $0x0, v28  }
0x1d2: {  	v30 =	vld [tilespmem:s30+$0x1910];
	v44 =	vsel vm1, $0x0, v29;
	v23 =	vmul.f32 v63, v12;
	v18 =	vsel vm2, $0x0, v18  }
0x1d3: {  	v38 =	vld [tilespmem:s30+$0xD550];
	v52 =	vsel vm2, $0x0, v48;
	v54 =	vsel vm1, $0x0, v50;
	v58 =	vsel vm1, $0x0, v53  }
0x1d4: {  	v42 =	vld [tilespmem:s30+$0xD530];
	v17 =	vsel vm2, $0x0, v17;
	v16 =	vsel vm2, $0x0, v16;
	v15 =	vsel vm2, $0x0, v15  }
0x1d5: {  	v46 =	vld [tilespmem:s30+$0xD520];
	v14 =	vsel vm2, $0x0, v14;
	v13 =	vsel vm2, $0x0, v13;
	v10 =	vsel vm2, $0x0, v10  }
0x1d6: {  	v49 =	vld [tilespmem:s30+$0xD510];
	v9 =	vsel vm2, $0x0, v9;
	v8 =	vsel vm2, $0x0, v8;
	v7 =	vsel vm2, $0x0, v7  }
0x1d7: {  	v51 =	vld [tilespmem:s30+$0xD500];
	v6 =	vsel vm2, $0x0, v6;
	v5 =	vsel vm2, $0x0, v5;
	v4 =	vsel vm2, $0x0, v4  }
0x1d8: {  	v27 =	vld [tilespmem:s30+$0xCD00];
	v3 =	vsel vm2, $0x0, v3;
	v21 =	vadd.f32 v21, v22;
	v20 =	vadd.f32 v62, v20  }
0x1d9: {  	v63 =	vld [tilespmem:s30+$0xD570];
	v19 =	vadd.f32 v25, v19;
	v22 =	vmul.f32 v34, v11;
	v24 =	vadd.f32 v41, v24  }
0x1da: {  	v36 =	vld [tilespmem:s30+$0x1550];
	v62 =	vmul.f32 v47, v12;
	v25 =	vmul.f32 v55, v12;
	v23 =	vsel vm1, $0x0, v23;
	[tilespmem:s30+$0x1D70] =	vst v21  }
0x1db: {  	v28 =	vld [tilespmem:s30+$0x1140];
	[tilespmem:s30+$0x1D60] =	vst v20;
	v20 =	vsel vm2, $0x0, v35;
	v22 =	vsel vm2, $0x0, v22;
	v21 =	vmul.f32 v33, v12  }
0x1dc: {  	v34 =	vld [tilespmem:s30+$0xD560];
	[tilespmem:s30+$0x1D30] =	vst v24;
	v24 =	vsel vm2, $0x0, v45;
	v37 =	vsel vm1, $0x0, v25;
	v39 =	vadd.f32 v26, v20  }
0x1dd: {  	v29 =	vld [tilespmem:s30+$0xD140];
	v50 =	vmul.f32 v38, v12;
	v22 =	vadd.f32 v44, v22;
	v23 =	vadd.f32 v23, v24  }
0x1de: {  	v35 =	vld [tilespmem:s30+$0x1900];
	v20 =	vmul.f32 v40, v11;
	v24 =	vsel vm1, $0x0, v32;
	v21 =	vsel vm1, $0x0, v21  }
0x1df: {  	[tilespmem:s30+$0x1D50] =	vst v19;
	v33 =	vld [tilespmem:s30+$0x1560];
	v16 =	vadd.f32 v37, v16;
	v53 =	vsel vm1, $0x0, v50;
	v18 =	vadd.f32 v21, v18  }
0x1e0: {  	v41 =	vld [tilespmem:s30+$0x1530];
	[tilespmem:s30+$0x1D20] =	vst v22;
	v21 =	vadd.f32 v54, v52;
	v57 =	vsel vm2, $0x0, v20;
	v22 =	vmul.f32 v59, v12  }
0x1e1: {  	v55 =	vld [tilespmem:s30+$0x1170];
	[tilespmem:s30+$0x1D10] =	vst v23;
	v23 =	vsel vm1, $0x0, v62;
	v20 =	vmul.f32 v60, v12;
	v45 =	vmul.f32 v34, v12  }
0x1e2: {  	v44 =	vld [tilespmem:s30+$0x1520];
	v19 =	vadd.f32 v58, v57;
	v57 =	vmul.f32 v42, v12;
	[tilespmem:s30+$0x1D00] =	vst v18;
	v18 =	vsel vm1, $0x0, v56  }
0x1e3: {  	v38 =	vld [tilespmem:s30+$0xD110];
	[tilespmem:s30+$0x1970] =	vst v21;
	v21 =	vsel vm2, $0x0, v61;
	v22 =	vsel vm1, $0x0, v22;
	v40 =	vmul.f32 v35, v11  }
0x1e4: {  	v50 =	vld [tilespmem:s30+$0xCD60];
	v20 =	vsel vm1, $0x0, v20;
	v43 =	vmul.f32 v33, v11;
	v48 =	vsel vm1, $0x0, v45  }
0x1e5: {  	[tilespmem:s30+$0x1D40] =	vst v39;
	v39 =	vld [tilespmem:s30+$0xD540];
	v61 =	vmul.f32 v46, v12;
	v45 =	vmul.f32 v29, v12;
	v17 =	vadd.f32 v18, v17  }
0x1e6: {  	v59 =	vld [tilespmem:s30+$0x1500];
	[tilespmem:s30+$0x1960] =	vst v19;
	v21 =	vadd.f32 v23, v21;
	v19 =	vmul.f32 v30, v11;
	v18 =	vmul.f32 v63, v12  }
0x1e7: {  	v56 =	vld [tilespmem:s30+$0xD170];
	v23 =	vsel vm1, $0x0, v57;
	v60 =	vmul.f32 v44, v11;
	v30 =	vmul.f32 v55, v11  }
0x1e8: {  	[tilespmem:s30+$0x1920] =	vst v16;
	v46 =	vld [tilespmem:s30+$0xD70];
	v44 =	vmul.f32 v28, v11;
	v16 =	vsel vm2, $0x0, v40;
	v47 =	vsel vm2, $0x0, v43  }
0x1e9: {  	v62 =	vld [tilespmem:s30+$0x1150];
	[tilespmem:s30+$0x1950] =	vst v17;
	v17 =	vsel vm2, $0x0, v31;
	v19 =	vsel vm2, $0x0, v19;
	v16 =	vadd.f32 v20, v16  }
0x1ea: {  	v63 =	vld [tilespmem:s30+$0xD150];
	[tilespmem:s30+$0x1940] =	vst v21;
	v18 =	vsel vm1, $0x0, v18;
	v21 =	vmul.f32 v36, v11;
	v20 =	vsel vm1, $0x0, v61  }
0x1eb: {  	v55 =	vld [tilespmem:s30+$0xCD40];
	v61 =	vmul.f32 v50, v12;
	v17 =	vadd.f32 v24, v17;
	v19 =	vadd.f32 v22, v19  }
0x1ec: {  	v58 =	vld [tilespmem:s30+$0xD160];
	v15 =	vadd.f32 v18, v15;
	v22 =	vmul.f32 v41, v11;
	[tilespmem:s30+$0x1900] =	vst v16;
	v16 =	vadd.f32 v48, v47  }
0x1ed: {  	v28 =	vld [tilespmem:s30+$0xD00];
	v52 =	vsel vm2, $0x0, v21;
	v32 =	vmul.f32 v56, v12;
	v56 =	vmul.f32 v46, v11;
	[tilespmem:s30+$0x1930] =	vst v17  }
0x1ee: {  	v31 =	vld [tilespmem:s30+$0xD130];
	[tilespmem:s30+$0x1910] =	vst v19;
	v17 =	vmul.f32 v39, v12;
	v54 =	vadd.f32 v53, v52;
	v19 =	vmul.f32 v49, v12  }
0x1ef: {  	v36 =	vld [tilespmem:s30+$0xD120];
	[tilespmem:s30+$0x1570] =	vst v15;
	v22 =	vsel vm2, $0x0, v22;
	v15 =	vmul.f32 v51, v12;
	v39 =	vmul.f32 v62, v11  }
0x1f0: {  	v24 =	vld [tilespmem:s30+$0xCD10];
	v40 =	vmul.f32 v63, v12;
	v26 =	vmul.f32 v55, v12;
	v22 =	vadd.f32 v23, v22  }
0x1f1: {  	v47 =	vld [tilespmem:s30+$0xCD70];
	[tilespmem:s30+$0x1560] =	vst v16;
	v16 =	vmul.f32 v58, v12;
	v35 =	vsel vm1, $0x0, v32;
	v17 =	vsel vm1, $0x0, v17  }
0x1f2: {  	v48 =	vld [tilespmem:s30+$0x1110];
	v19 =	vsel vm1, $0x0, v19;
	v15 =	vsel vm1, $0x0, v15;
	v42 =	vsel vm2, $0x0, v39  }
0x1f3: {  	v41 =	vld [tilespmem:s30+$0xD100];
	v43 =	vsel vm1, $0x0, v40;
	v18 =	vmul.f32 v31, v12;
	v40 =	vmul.f32 v27, v12  }
0x1f4: {  	v51 =	vld [tilespmem:s30+$0xCD50];
	v14 =	vadd.f32 v17, v14;
	v17 =	vmul.f32 v59, v11;
	v13 =	vadd.f32 v19, v13  }
0x1f5: {  	v63 =	vld [tilespmem:s30+$0xCD20];
	v37 =	vsel vm1, $0x0, v16;
	v19 =	vmul.f32 v36, v12;
	v16 =	vmul.f32 v38, v12  }
0x1f6: {  	v25 =	vld [tilespmem:s30+$0xD10];
	[tilespmem:s30+$0x1550] =	vst v54;
	v36 =	vmul.f32 v24, v12;
	v10 =	vadd.f32 v37, v10;
	v18 =	vsel vm1, $0x0, v18  }
0x1f7: {  	v34 =	vld [tilespmem:s30+$0x1120];
	v53 =	vmul.f32 v48, v11;
	v58 =	vmul.f32 v47, v12;
	[tilespmem:s30+$0x1540] =	vst v14;
	v14 =	vsel vm2, $0x0, v60  }
0x1f8: {  	v50 =	vld [tilespmem:s30+$0xC910];
	[tilespmem:s30+$0x1530] =	vst v22;
	v17 =	vsel vm2, $0x0, v17;
	v9 =	vadd.f32 v18, v9;
	v52 =	vsel vm1, $0x0, v19  }
0x1f9: {  	v54 =	vld [tilespmem:s30+$0xD40];
	[tilespmem:s30+$0x1510] =	vst v13;
	v13 =	vmul.f32 v41, v12;
	v16 =	vsel vm1, $0x0, v16;
	v22 =	vmul.f32 v51, v12  }
0x1fa: {  	v57 =	vld [tilespmem:s30+$0xD30];
	v60 =	vsel vm2, $0x0, v56;
	v32 =	vmul.f32 v63, v12;
	v19 =	vmul.f32 v28, v11  }
0x1fb: {  	v59 =	vld [tilespmem:s30+$0xCD30];
	v14 =	vadd.f32 v20, v14;
	v33 =	vadd.f32 v15, v17;
	[tilespmem:s30+$0x1160] =	vst v10;
	v10 =	vsel vm2, $0x0, v44  }
0x1fc: {  	v55 =	vld [tilespmem:s30+$0xC900];
	v20 =	vsel vm1, $0x0, v45;
	v15 =	vmul.f32 v34, v11;
	v62 =	vsel vm1, $0x0, v58  }
0x1fd: {  	v48 =	vld [tilespmem:s30+$0x920];
	v58 =	vmul.f32 v50, v12;
	v10 =	vadd.f32 v20, v10;
	[tilespmem:s30+$0x1130] =	vst v9;
	v9 =	vsel vm2, $0x0, v53  }
0x1fe: {  	v41 =	vld [tilespmem:s30+$0xC940];
	v13 =	vsel vm1, $0x0, v13;
	v18 =	vmul.f32 v54, v11;
	[tilespmem:s30+$0x1520] =	vst v14;
	v14 =	vsel vm2, $0x0, v30  }
0x1ff: {  	v31 =	vld [tilespmem:s30+$0xC970];
	v15 =	vsel vm2, $0x0, v15;
	v9 =	vadd.f32 v16, v9;
	v8 =	vadd.f32 v13, v8  }
0x200: {  	v34 =	vld [tilespmem:s30+$0xC960];
	[tilespmem:s30+$0x1500] =	vst v33;
	v13 =	vsel vm1, $0x0, v61;
	v16 =	vmul.f32 v57, v11;
	v30 =	vmul.f32 v59, v12  }
0x201: {  	v45 =	vld [tilespmem:s30+$0x930];
	v61 =	vmul.f32 v55, v12;
	v14 =	vadd.f32 v35, v14;
	[tilespmem:s30+$0x1140] =	vst v10;
	v15 =	vadd.f32 v52, v15  }
0x202: {  	v49 =	vld [tilespmem:s30+$0xD60];
	v29 =	vsel vm2, $0x0, v18;
	v56 =	vmul.f32 v48, v11;
	[tilespmem:s30+$0x1110] =	vst v9;
	v9 =	vadd.f32 v62, v60  }
0x203: {  	v37 =	vld [tilespmem:s30+$0xC950];
	[tilespmem:s30+$0x1100] =	vst v8;
	v8 =	vsel vm1, $0x0, v22;
	v33 =	vsel vm2, $0x0, v16;
	v51 =	vmul.f32 v41, v12  }
0x204: {  	v44 =	vld [tilespmem:s30+$0xC930];
	v62 =	vsel vm1, $0x0, v58;
	[tilespmem:s30+$0x1170] =	vst v14;
	v14 =	vadd.f32 v43, v42;
	v7 =	vadd.f32 v8, v7  }
0x205: {  	v38 =	vld [tilespmem:s30+$0x950];
	[tilespmem:s30+$0x1120] =	vst v15;
	v15 =	vmul.f32 v25, v11;
	v42 =	vmul.f32 v31, v12;
	v43 =	vsel vm2, $0x0, v19  }
0x206: {  	v35 =	vld [tilespmem:s30+$0x960];
	v46 =	vmul.f32 v34, v12;
	v54 =	vmul.f32 v45, v11;
	[tilespmem:s30+$0xD70] =	vst v9;
	v9 =	vsel vm1, $0x0, v26  }
0x207: {  	v3 =	vadd.f32 v62, v3;
	[tilespmem:s30+$0x1150] =	vst v14;
	v14 =	vmul.f32 v49, v11;
	v8 =	vadd.f32 v9, v29  }
0x208: {  	[tilespmem:s30+$0xD50] =	vst v7;
	v7 =	vsel vm1, $0x0, v32;
	v39 =	vsel vm2, $0x0, v15;
	v49 =	vmul.f32 v37, v12  }
0x209: {  	v15 =	vmul.f32 v44, v12;
	[tilespmem:s30+$0x910] =	vst v3;
	v6 =	vadd.f32 v7, v6;
	v23 =	vsel vm2, $0x0, v14  }
0x20a: {  	[tilespmem:s30+$0xD40] =	vst v8;
	v8 =	vsel vm1, $0x0, v36;
	v14 =	vmul.f32 v38, v11;
	v10 =	vadd.f32 v13, v23  }
0x20b: {  	v53 =	vld [tilespmem:s30+$0x900];
	v17 =	vmul.f32 v35, v11;
	v7 =	vadd.f32 v8, v39;
	[tilespmem:s30+$0xD20] =	vst v6;
	v6 =	vsel vm1, $0x0, v42  }
0x20c: {  	v47 =	vld [tilespmem:s30+$0xC920];
	v5 =	vadd.f32 v6, v5;
	v52 =	vsel vm2, $0x0, v14;
	v6 =	vsel vm1, $0x0, v49;
	[tilespmem:s30+$0xD60] =	vst v10  }
0x20d: {  	v57 =	vsel vm1, $0x0, v15;
	v10 =	vsel vm1, $0x0, v30;
	[tilespmem:s30+$0xD10] =	vst v7;
	v6 =	vadd.f32 v6, v52  }
0x20e: {  	v17 =	vsel vm2, $0x0, v17;
	v7 =	vsel vm1, $0x0, v46;
	v9 =	vadd.f32 v10, v33;
	[tilespmem:s30+$0x970] =	vst v5  }
0x20f: {  	v14 =	vsel vm2, $0x0, v54;
	v7 =	vadd.f32 v7, v17;
	v10 =	vsel vm1, $0x0, v51;
	[tilespmem:s30+$0x950] =	vst v6  }
0x210: {  	v5 =	vmul.f32 v53, v11;
	v4 =	vadd.f32 v10, v4;
	[tilespmem:s30+$0xD30] =	vst v9;
	v9 =	vsel vm1, $0x0, v40  }
0x211: {  	v10 =	vadd.f32 v57, v14;
	[tilespmem:s30+$0x960] =	vst v7;
	v8 =	vadd.f32 v9, v43;
	v9 =	vmul.f32 v47, v12  }
0x212: {  	v63 =	vsel vm1, $0x0, v61;
	v5 =	vsel vm2, $0x0, v5;
	[tilespmem:s30+$0x940] =	vst v4  }
0x213: {  	v59 =	vsel vm2, $0x0, v56;
	[tilespmem:s30+$0x930] =	vst v10;
	v4 =	vadd.f32 v63, v5;
	v60 =	vsel vm1, $0x0, v9  }
0x214: {  	s26 =	sadd.s32 $0x1, s26;
	[tilespmem:s30+$0xD00] =	vst v8;
	v6 =	vadd.f32 v60, v59  }
0x215: {  	p0 =	sne.s32 s26, s11;
	[tilespmem:s30+$0x900] =	vst v4  }
.Ltmp1:
0x216: {  	[tilespmem:s30+$0x920] =	vst v6;
	(pc) =	sbr.rel @p0 .LBB2_1-.Ltmp1, $4  }
0x217: {  	[hbm4b:s10+s2] =	stream.linear.scatter [tilespmem:s14], [sflag:$0x3], $0xC000, $0x38;
	[tilespmem:$0x18900] =	vst v63  }
0x218: {  	_ =	swait.ge [sflag:s12], $0xC000  }
0x219: {  	[sflag:s12] =	ssyncset.done $0x0  }
0x21a: {  	[sflag:s12] =	ssyncadd.s32 $0xFFFF4000  }
0x21b: {  	_ =	sfence.sel $0x180000  }
0x21c: {  	[bflag:$0x0] =	sbarrier.arrive $0xFFFF  }
0x21d: {  	_ =	strace $0x9000004A  }
0x21e: {  	s0 =	stileid.u32;
	[bflag:$0x2] =	sbarrier.arrive $0xFFFF  }
0x21f: {  	p0 =	sne.s32 s0, $0x0;
	s0 =	rddreg [dreg:$0x2]  }
0x220: {  	s0 =	sadd.s32 @!p0 $0x100000, s0  }
0x221: {  	[sflag:s0] =	ssyncadd.tile.s32 @!p0 $0x1;
	_ =	shalt  }
.Lfunc_end2:
_tile_overlayer_lowered:
.L_overlay_start_2:
0x222: {  	(tag) =	ssettag $0x2  }
0x223: {  	s0 =	rddreg [dreg:$0x0];
	s2 =	stileid.u32  }
0x224: {  	s1 =	rddreg [dreg:$0x1];
	p0 =	sne.s32 s2, $0x0  }
0x225: {  	s3 =	rddreg [dreg:$0x2];
	[bflag:$0x3] =	sbarrier.arrive $0xFFFF;
	s2 =	simm.s32 @!p0 $0x1C03  }
0x226: {  	[timem:s3], [sflag:s2] =	dma.local @!p0 [hbm:s0], s1  }
0x227: {  	s0 =	simm.s32 @!p0 $0x3  }
0x228: {  	_ =	swait.ge @!p0 [sflag:s0], s1  }
0x229: {  	s1 =	ssub.s32 @!p0 $0x0, s1;
	[sflag:s0] =	ssyncset.done @!p0 $0x0  }
0x22a: {  	[sflag:s0] =	ssyncadd.s32 @!p0 s1  }
0x22b: {  	[bflag:$0x3] =	sbarrier.arrive $0xFFFF  }
0x22c: {  	_ =	shalt  }

</sc_bundles>
